<compile_context>
chip_gen: v7x
topology: tpu7x:2x2x1
jax: 0.10.2.dev20260603
libtpu: 0.0.44.dev20260713+nightly
codegen_flags: <defaults>
</compile_context>

<pallas_src>
import functools

import jax
import jax.numpy as jnp
from jax import lax
from jax.experimental import pallas as pl
from jax.experimental.pallas import tpu as pltpu
from jax.experimental.pallas import tpu_sc as plsc

N_NODES = 10000
D = 128
MAX_NODES = 90
NB = (N_NODES - 1) // MAX_NODES + 1
E_RAW = 320000
E_ALL = E_RAW + N_NODES
CHUNK = 128
N_TILES = 32
CHUNKS_PER_TILE = 84
EPT = CHUNKS_PER_TILE * CHUNK
E_PAD = N_TILES * EPT
DEG_ROWS = 80
STRIPE = 624

_HIGH = lax.Precision.HIGHEST

_mesh = plsc.VectorSubcoreMesh(core_axis_name="c", subcore_axis_name="s")



_DEG_STRIPE = DEG_ROWS * D // 16


def _sc_deg_body(dst_hbm, ew_hbm, out_hbm, dacc, zb, dst_v, ew_v):
    c = lax.axis_index("c")
    s = lax.axis_index("s")
    zv = jnp.zeros((16,), jnp.float32)

    def zrow(r, carry):
        zb[pl.ds(r * 16, 16)] = zv
        return carry

    lax.fori_loop(0, _DEG_STRIPE // 16, zrow, 0)
    base = s * _DEG_STRIPE
    pltpu.sync_copy(zb, dacc.at[pl.ds(base, _DEG_STRIPE)])
    plsc.subcore_barrier()

    ebase = (c * 16 + s) * EPT

    def chunk_body(i, carry):
        off = ebase + i * CHUNK
        pltpu.sync_copy(dst_hbm.at[pl.ds(off, CHUNK)], dst_v)
        pltpu.sync_copy(ew_hbm.at[pl.ds(off, CHUNK)], ew_v)
        pltpu.sync_copy(ew_v, dacc.at[dst_v], add=True)
        return carry

    lax.fori_loop(0, CHUNKS_PER_TILE, chunk_body, 0)
    plsc.subcore_barrier()
    pltpu.sync_copy(dacc.at[pl.ds(base, _DEG_STRIPE)],
                    out_hbm.at[c, pl.ds(base, _DEG_STRIPE)])


_sc_deg = pl.kernel(
    _sc_deg_body,
    out_type=jax.ShapeDtypeStruct((2, DEG_ROWS * D), jnp.float32),
    mesh=_mesh,
    scratch_types=[
        pltpu.VMEM_SHARED((DEG_ROWS * D,), jnp.float32),
        pltpu.VMEM((_DEG_STRIPE,), jnp.float32),
        pltpu.VMEM((CHUNK,), jnp.int32),
        pltpu.VMEM((CHUNK,), jnp.float32),
    ],
)


_ZROWS = 64


def _sc_scatter_body(g_hbm, src_hbm, dst_hbm, ewr_hbm, out_hbm,
                     acc, src_v, dst_v, ewr_v, rows, zbuf):
    c = lax.axis_index("c")
    s = lax.axis_index("s")
    zv = jnp.zeros((16,), jnp.float32)

    def zrow(r, carry):
        for cc in range(8):
            zbuf[r, pl.ds(cc * 16, 16)] = zv
        return carry

    lax.fori_loop(0, _ZROWS, zrow, 0)

    base = s * STRIPE
    for j in range(STRIPE // _ZROWS):
        pltpu.sync_copy(zbuf, acc.at[pl.ds(base + j * _ZROWS, _ZROWS)])
    rem = STRIPE % _ZROWS
    if rem:
        pltpu.sync_copy(zbuf.at[pl.ds(0, rem)],
                        acc.at[pl.ds(base + (STRIPE // _ZROWS) * _ZROWS, rem)])
    tail = N_NODES - 16 * STRIPE

    @pl.when(s == 15)
    def _zero_tail():
        pltpu.sync_copy(zbuf.at[pl.ds(0, tail)],
                        acc.at[pl.ds(16 * STRIPE, tail)])

    plsc.subcore_barrier()

    ebase = (c * 16 + s) * EPT

    def chunk_body(i, carry):
        off = ebase + i * CHUNK
        pltpu.sync_copy(src_hbm.at[pl.ds(off, CHUNK)], src_v)
        pltpu.sync_copy(ewr_hbm.at[pl.ds(off * 16, CHUNK * 16)], ewr_v)
        pltpu.sync_copy(dst_hbm.at[pl.ds(off, CHUNK)], dst_v)
        pltpu.sync_copy(g_hbm.at[src_v], rows)

        def row_scale(r, inner):
            w16 = ewr_v[pl.ds(r * 16, 16)]
            for cc in range(8):
                rows[r, pl.ds(cc * 16, 16)] = rows[r, pl.ds(cc * 16, 16)] * w16
            return inner

        lax.fori_loop(0, CHUNK, row_scale, 0)
        pltpu.sync_copy(rows, acc.at[dst_v], add=True)
        return carry

    lax.fori_loop(0, CHUNKS_PER_TILE, chunk_body, 0)
    plsc.subcore_barrier()
    pltpu.sync_copy(acc.at[pl.ds(base, STRIPE)],
                    out_hbm.at[c, pl.ds(base, STRIPE)])

    @pl.when(s == 15)
    def _write_tail():
        pltpu.sync_copy(acc.at[pl.ds(16 * STRIPE, tail)],
                        out_hbm.at[c, pl.ds(16 * STRIPE, tail)])


_sc_scatter = pl.kernel(
    _sc_scatter_body,
    out_type=jax.ShapeDtypeStruct((2, N_NODES, D), jnp.float32),
    mesh=_mesh,
    scratch_types=[
        pltpu.VMEM_SHARED((N_NODES, D), jnp.float32),
        pltpu.VMEM((CHUNK,), jnp.int32),
        pltpu.VMEM((CHUNK,), jnp.int32),
        pltpu.VMEM((CHUNK * 16,), jnp.float32),
        pltpu.VMEM((CHUNK, D), jnp.float32),
        pltpu.VMEM((_ZROWS, D), jnp.float32),
    ],
)



def _dis_body(degp_ref, dis_ref):
    degsum = jnp.sum(degp_ref[...], axis=0)
    pos = degsum > 0
    dis_ref[...] = jnp.where(pos, lax.rsqrt(jnp.where(pos, degsum, 1.0)), 0.0)


def _tc_dis(degp):
    return pl.pallas_call(
        _dis_body,
        out_shape=jax.ShapeDtypeStruct((DEG_ROWS, D), jnp.float32),
    )(degp)


_ROWS_BLK = 1000
_GRID = N_NODES // _ROWS_BLK


def _in_body(x_ref, w_ref, dis_ref, g_ref):
    g_ref[...] = dis_ref[...] * jnp.dot(
        x_ref[...], w_ref[...], preferred_element_type=jnp.float32,
        precision=_HIGH)


def _tc_in(x, W, dis):
    return pl.pallas_call(
        _in_body,
        grid=(_GRID,),
        in_specs=[
            pl.BlockSpec((_ROWS_BLK, D), lambda i: (i, 0)),
            pl.BlockSpec((D, D), lambda i: (0, 0)),
            pl.BlockSpec((_ROWS_BLK, 1), lambda i: (i, 0)),
        ],
        out_specs=pl.BlockSpec((_ROWS_BLK, D), lambda i: (i, 0)),
        out_shape=jax.ShapeDtypeStruct((N_NODES, D), jnp.float32),
    )(x, W, dis)


def _mid_body(m_ref, b_ref, dis_ref, w_ref, h_ref, g_ref):
    acc = m_ref[0] + m_ref[1]
    h = jnp.maximum(dis_ref[...] * acc + b_ref[...], 0.0)
    h_ref[...] = h
    g_ref[...] = dis_ref[...] * jnp.dot(
        h, w_ref[...], preferred_element_type=jnp.float32, precision=_HIGH)


def _tc_mid(m, b2d, dis, W):
    return pl.pallas_call(
        _mid_body,
        grid=(_GRID,),
        in_specs=[
            pl.BlockSpec((2, _ROWS_BLK, D), lambda i: (0, i, 0)),
            pl.BlockSpec((1, D), lambda i: (0, 0)),
            pl.BlockSpec((_ROWS_BLK, 1), lambda i: (i, 0)),
            pl.BlockSpec((D, D), lambda i: (0, 0)),
        ],
        out_specs=[
            pl.BlockSpec((_ROWS_BLK, D), lambda i: (i, 0)),
            pl.BlockSpec((_ROWS_BLK, D), lambda i: (i, 0)),
        ],
        out_shape=[
            jax.ShapeDtypeStruct((N_NODES, D), jnp.float32),
            jax.ShapeDtypeStruct((N_NODES, D), jnp.float32),
        ],
    )(m, b2d, dis, W)


def _out_body(m_ref, b_ref, dis_ref, h_ref):
    acc = m_ref[0] + m_ref[1]
    h_ref[...] = jnp.maximum(dis_ref[...] * acc + b_ref[...], 0.0)


def _tc_out(m, b2d, dis):
    return pl.pallas_call(
        _out_body,
        grid=(_GRID,),
        in_specs=[
            pl.BlockSpec((2, _ROWS_BLK, D), lambda i: (0, i, 0)),
            pl.BlockSpec((1, D), lambda i: (0, 0)),
            pl.BlockSpec((_ROWS_BLK, 1), lambda i: (i, 0)),
        ],
        out_specs=pl.BlockSpec((_ROWS_BLK, D), lambda i: (i, 0)),
        out_shape=jax.ShapeDtypeStruct((N_NODES, D), jnp.float32),
    )(m, b2d, dis)


_N_PADDED = NB * MAX_NODES


def _pad_body(h1_ref, h2_ref, h3_ref, xp_ref):
    h1 = h1_ref[...]
    h2 = h2_ref[...]
    h3 = h3_ref[...]
    m = jnp.minimum(jnp.minimum(jnp.min(h1), jnp.min(h2)), jnp.min(h3))
    fill = m - 1.0
    xp_ref[pl.ds(0, N_NODES), pl.ds(0, D)] = h1
    xp_ref[pl.ds(0, N_NODES), pl.ds(D, D)] = h2
    xp_ref[pl.ds(0, N_NODES), pl.ds(2 * D, D)] = h3
    xp_ref[pl.ds(N_NODES, _N_PADDED - N_NODES), :] = jnp.full(
        (_N_PADDED - N_NODES, 3 * D), fill, jnp.float32)


def _tc_pad(h1, h2, h3):
    return pl.pallas_call(
        _pad_body,
        out_shape=jax.ShapeDtypeStruct((_N_PADDED, 3 * D), jnp.float32),
    )(h1, h2, h3)


def _mlp_body(xp_ref, w1_ref, b1_ref, w2_ref, b2_ref, out_ref):
    z = jnp.dot(xp_ref[...], w1_ref[...], preferred_element_type=jnp.float32,
                precision=_HIGH) + b1_ref[...]
    z = jnp.maximum(z, 0.0)
    z = jnp.dot(z, w2_ref[...], preferred_element_type=jnp.float32,
                precision=_HIGH) + b2_ref[...]
    mx = jnp.max(z, axis=-1, keepdims=True)
    lse = jnp.log(jnp.sum(jnp.exp(z - mx), axis=-1, keepdims=True)) + mx
    out_ref[...] = z - lse


def _tc_mlp(xp2, W1, b1_2d, W2, b2_2d):
    return pl.pallas_call(
        _mlp_body,
        out_shape=jax.ShapeDtypeStruct((NB, W2.shape[1]), jnp.float32),
    )(xp2, W1, b1_2d, W2, b2_2d)



@jax.jit
def kernel(x, edge_index, batch, edge_attr, Wc1, bc1, Wc2, bc2, Wc3, bc3,
           W1, b1, W2, b2):
    n = x.shape[0]
    loop_idx = jnp.arange(n, dtype=jnp.int32)
    pad = E_PAD - E_ALL
    src = jnp.concatenate([edge_index[0], loop_idx,
                           jnp.zeros((pad,), jnp.int32)])
    dst = jnp.concatenate([edge_index[1], loop_idx,
                           jnp.zeros((pad,), jnp.int32)])
    ew = jnp.concatenate([edge_attr, jnp.ones((n,), jnp.float32),
                          jnp.zeros((pad,), jnp.float32)])
    ewr = jnp.repeat(ew, 16)

    degp = _sc_deg(dst, ew)
    dis2d = _tc_dis(degp.reshape(2, DEG_ROWS, D))
    dis = dis2d.reshape(-1)[:N_NODES].reshape(N_NODES, 1)

    g1 = _tc_in(x, Wc1, dis)
    m1 = _sc_scatter(g1, src, dst, ewr)
    h1, g2 = _tc_mid(m1, bc1.reshape(1, -1), dis, Wc2)
    m2 = _sc_scatter(g2, src, dst, ewr)
    h2, g3 = _tc_mid(m2, bc2.reshape(1, -1), dis, Wc3)
    m3 = _sc_scatter(g3, src, dst, ewr)
    h3 = _tc_out(m3, bc3.reshape(1, -1), dis)

    xp = _tc_pad(h1, h2, h3)
    out = _tc_mlp(xp.reshape(NB, MAX_NODES * 3 * D), W1,
                  b1.reshape(1, -1), W2, b2.reshape(1, -1))
    return out

# --- scband reference (transcript-rebuilt; emitter-appended) ---
"""Pipeline reference for scband-gcn-75007308858124 (READ-ONLY COPY).

The authoritative reference and input builder live on the scoring server;
editing this copy changes nothing except your own understanding.
"""

import jax, jax.numpy as jnp
import numpy as np

N_NODES = 10000
N_EDGES = 320000
D_FEAT = 128
HIDDEN = 128
NUM_LAYERS = 3
HIDDEN_LIN = 64
NUM_CLASSES = 10
MAX_NODES = 90


def setup_inputs(seed: int = 0):
    key = jax.random.key(seed)
    ks = jax.random.split(key, 12)
    x = jax.random.normal(ks[0], (N_NODES, D_FEAT), dtype=jnp.float32)
    edge_index = jax.random.randint(ks[1], (2, N_EDGES), 0, N_NODES, dtype=jnp.int32)
    batch = (jnp.arange(N_NODES) // MAX_NODES).astype(jnp.int32)
    edge_attr = jax.random.uniform(ks[2], (N_EDGES,), dtype=jnp.float32)
    Wc1 = jax.random.normal(ks[3], (D_FEAT, HIDDEN), dtype=jnp.float32) * 0.05
    bc1 = jnp.zeros((HIDDEN,), jnp.float32)
    Wc2 = jax.random.normal(ks[4], (HIDDEN, HIDDEN), dtype=jnp.float32) * 0.05
    bc2 = jnp.zeros((HIDDEN,), jnp.float32)
    Wc3 = jax.random.normal(ks[5], (HIDDEN, HIDDEN), dtype=jnp.float32) * 0.05
    bc3 = jnp.zeros((HIDDEN,), jnp.float32)
    W1 = jax.random.normal(ks[6], (MAX_NODES * NUM_LAYERS * HIDDEN, HIDDEN_LIN), dtype=jnp.float32) * 0.05
    b1 = jnp.zeros((HIDDEN_LIN,), jnp.float32)
    W2 = jax.random.normal(ks[7], (HIDDEN_LIN, NUM_CLASSES), dtype=jnp.float32) * 0.05
    b2 = jnp.zeros((NUM_CLASSES,), jnp.float32)
    return {"x": x, "edge_index": edge_index, "batch": batch, "edge_attr": edge_attr,
            "Wc1": Wc1, "bc1": bc1, "Wc2": Wc2, "bc2": bc2, "Wc3": Wc3, "bc3": bc3,
            "W1": W1, "b1": b1, "W2": W2, "b2": b2}


def gcn_conv(x, W, b, src, dst, ew, n):
    h = x @ W
    deg = jnp.zeros((n,), x.dtype).at[dst].add(ew)
    dis = jnp.where(deg > 0, 1.0 / jnp.sqrt(jnp.where(deg > 0, deg, 1.0)), 0.0)
    norm = dis[src] * ew * dis[dst]
    out = jnp.zeros_like(h).at[dst].add(h[src] * norm[:, None])
    return out + b


def reference(x, edge_index, batch, edge_attr, Wc1, bc1, Wc2, bc2, Wc3, bc3, W1, b1, W2, b2):
    n = x.shape[0]
    loop = jnp.arange(n, dtype=edge_index.dtype)
    src = jnp.concatenate([edge_index[0], loop])
    dst = jnp.concatenate([edge_index[1], loop])
    ew = jnp.concatenate([edge_attr, jnp.ones((n,), x.dtype)])
    h = jax.nn.relu(gcn_conv(x, Wc1, bc1, src, dst, ew, n))
    xs = [h]
    h = jax.nn.relu(gcn_conv(h, Wc2, bc2, src, dst, ew, n))
    xs.append(h)
    h = jax.nn.relu(gcn_conv(h, Wc3, bc3, src, dst, ew, n))
    xs.append(h)
    xcat = jnp.concatenate(xs, axis=1)
    fill_value = xcat.min() - 1.0
    B = (batch.shape[0] - 1) // MAX_NODES + 1
    counts = jnp.bincount(batch, length=B)
    ptr = jnp.concatenate([jnp.zeros((1,), counts.dtype), jnp.cumsum(counts)])
    pos = jnp.arange(n) - ptr[batch]
    D = xcat.shape[1]
    dense = (fill_value * jnp.ones((B, MAX_NODES, D), xcat.dtype)).at[batch, pos].set(xcat)
    z = dense.reshape(B, -1)
    z = jax.nn.relu(z @ W1 + b1)
    # dropout is identity in eval mode
    z = z @ W2 + b2
    return jax.nn.log_softmax(z, axis=-1)

if __name__ == "__main__":
    import jax
    _d = setup_inputs()
    print(jax.jit(kernel)(*tuple(_d.values())))

</pallas_src>

<mosaic_0001>
#map = affine_map<(d0, d1) -> (0, 0)>
#map1 = affine_map<(d0, d1) -> (0)>
#map2 = affine_map<(d0, d1) -> (0, 0, 0)>
module attributes {stable_mosaic.version = 14 : i64} {
  func.func @_sc_scatter_body(%arg0: i32, %arg1: i32, %arg2: memref<10000x128xf32, #tpu.memory_space<hbm>>, %arg3: memref<344064xi32, #tpu.memory_space<hbm>>, %arg4: memref<344064xi32, #tpu.memory_space<hbm>>, %arg5: memref<5505024xf32, #tpu.memory_space<hbm>>, %arg6: memref<2x10000x128xf32, #tpu.memory_space<hbm>>, %arg7: memref<10000x128xf32, #tpu.memory_space<vmem_shared>>, %arg8: memref<128xi32, #tpu.memory_space<vmem>>, %arg9: memref<128xi32, #tpu.memory_space<vmem>>, %arg10: memref<2048xf32, #tpu.memory_space<vmem>>, %arg11: memref<128x128xf32, #tpu.memory_space<vmem>>, %arg12: memref<64x128xf32, #tpu.memory_space<vmem>>) attributes {dimension_semantics = [#tpu.dimension_semantics<core_parallel>, #tpu.dimension_semantics<subcore_parallel>], iteration_bounds = array<i64: 2, 16>, scalar_prefetch = 0 : i64, scratch_operands = 6 : i64, tpu.core_type = #tpu.core_type<sc_vector_subcore>, window_params = [{transform_indices = #map}, {transform_indices = #map1}, {transform_indices = #map1}, {transform_indices = #map1}, {transform_indices = #map2}]} {
    %broadcast_in_dim3A = arith.constant 0.000000e+00 : f32
    %broadcast_in_dim3A_0 = vector.broadcast %broadcast_in_dim3A : f32 to vector<16xf32>
    %scan3A = arith.constant 0 : i32
    %scan3A_1 = arith.constant 0 : i32
    %scan3A_2 = arith.constant 64 : i32
    %scan3A_3 = arith.addi %scan3A_1, %scan3A_2 : i32
    %scan3A_4 = arith.constant 1 : i32
    scf.for %scan3A_45 = %scan3A_1 to %scan3A_3 step %scan3A_4  : i32 {
      %swap3A = arith.index_cast %scan3A_45 : i32 to index
      %swap3A_46 = arith.constant 0 : index
      %swap3A_47 = tpu.vector_load %arg12[%swap3A, %swap3A_46] {strides = array<i32>} : memref<64x128xf32, #tpu.memory_space<vmem>>, vector<1x16xf32>,
      %swap3A_48 = vector.shape_cast %swap3A_47 : vector<1x16xf32> to vector<16xf32>
      %swap3A_49 = vector.shape_cast %broadcast_in_dim3A_0 : vector<16xf32> to vector<1x16xf32>
      tpu.vector_store %arg12[%swap3A, %swap3A_46], %swap3A_49 {strides = array<i32>} : memref<64x128xf32, #tpu.memory_space<vmem>>, vector<1x16xf32>,
      %swap3A_50 = arith.index_cast %scan3A_45 : i32 to index
      %swap3A_51 = arith.constant 16 : index
      %swap3A_52 = tpu.vector_load %arg12[%swap3A_50, %swap3A_51] {strides = array<i32>} : memref<64x128xf32, #tpu.memory_space<vmem>>, vector<1x16xf32>,
      %swap3A_53 = vector.shape_cast %swap3A_52 : vector<1x16xf32> to vector<16xf32>
      %swap3A_54 = vector.shape_cast %broadcast_in_dim3A_0 : vector<16xf32> to vector<1x16xf32>
      tpu.vector_store %arg12[%swap3A_50, %swap3A_51], %swap3A_54 {strides = array<i32>} : memref<64x128xf32, #tpu.memory_space<vmem>>, vector<1x16xf32>,
      %swap3A_55 = arith.index_cast %scan3A_45 : i32 to index
      %swap3A_56 = arith.constant 32 : index
      %swap3A_57 = tpu.vector_load %arg12[%swap3A_55, %swap3A_56] {strides = array<i32>} : memref<64x128xf32, #tpu.memory_space<vmem>>, vector<1x16xf32>,
      %swap3A_58 = vector.shape_cast %swap3A_57 : vector<1x16xf32> to vector<16xf32>
      %swap3A_59 = vector.shape_cast %broadcast_in_dim3A_0 : vector<16xf32> to vector<1x16xf32>
      tpu.vector_store %arg12[%swap3A_55, %swap3A_56], %swap3A_59 {strides = array<i32>} : memref<64x128xf32, #tpu.memory_space<vmem>>, vector<1x16xf32>,
      %swap3A_60 = arith.index_cast %scan3A_45 : i32 to index
      %swap3A_61 = arith.constant 48 : index
      %swap3A_62 = tpu.vector_load %arg12[%swap3A_60, %swap3A_61] {strides = array<i32>} : memref<64x128xf32, #tpu.memory_space<vmem>>, vector<1x16xf32>,
      %swap3A_63 = vector.shape_cast %swap3A_62 : vector<1x16xf32> to vector<16xf32>
      %swap3A_64 = vector.shape_cast %broadcast_in_dim3A_0 : vector<16xf32> to vector<1x16xf32>
      tpu.vector_store %arg12[%swap3A_60, %swap3A_61], %swap3A_64 {strides = array<i32>} : memref<64x128xf32, #tpu.memory_space<vmem>>, vector<1x16xf32>,
      %swap3A_65 = arith.index_cast %scan3A_45 : i32 to index
      %swap3A_66 = arith.constant 64 : index
      %swap3A_67 = tpu.vector_load %arg12[%swap3A_65, %swap3A_66] {strides = array<i32>} : memref<64x128xf32, #tpu.memory_space<vmem>>, vector<1x16xf32>,
      %swap3A_68 = vector.shape_cast %swap3A_67 : vector<1x16xf32> to vector<16xf32>
      %swap3A_69 = vector.shape_cast %broadcast_in_dim3A_0 : vector<16xf32> to vector<1x16xf32>
      tpu.vector_store %arg12[%swap3A_65, %swap3A_66], %swap3A_69 {strides = array<i32>} : memref<64x128xf32, #tpu.memory_space<vmem>>, vector<1x16xf32>,
      %swap3A_70 = arith.index_cast %scan3A_45 : i32 to index
      %swap3A_71 = arith.constant 80 : index
      %swap3A_72 = tpu.vector_load %arg12[%swap3A_70, %swap3A_71] {strides = array<i32>} : memref<64x128xf32, #tpu.memory_space<vmem>>, vector<1x16xf32>,
      %swap3A_73 = vector.shape_cast %swap3A_72 : vector<1x16xf32> to vector<16xf32>
      %swap3A_74 = vector.shape_cast %broadcast_in_dim3A_0 : vector<16xf32> to vector<1x16xf32>
      tpu.vector_store %arg12[%swap3A_70, %swap3A_71], %swap3A_74 {strides = array<i32>} : memref<64x128xf32, #tpu.memory_space<vmem>>, vector<1x16xf32>,
      %swap3A_75 = arith.index_cast %scan3A_45 : i32 to index
      %swap3A_76 = arith.constant 96 : index
      %swap3A_77 = tpu.vector_load %arg12[%swap3A_75, %swap3A_76] {strides = array<i32>} : memref<64x128xf32, #tpu.memory_space<vmem>>, vector<1x16xf32>,
      %swap3A_78 = vector.shape_cast %swap3A_77 : vector<1x16xf32> to vector<16xf32>
      %swap3A_79 = vector.shape_cast %broadcast_in_dim3A_0 : vector<16xf32> to vector<1x16xf32>
      tpu.vector_store %arg12[%swap3A_75, %swap3A_76], %swap3A_79 {strides = array<i32>} : memref<64x128xf32, #tpu.memory_space<vmem>>, vector<1x16xf32>,
      %swap3A_80 = arith.index_cast %scan3A_45 : i32 to index
      %swap3A_81 = arith.constant 112 : index
      %swap3A_82 = tpu.vector_load %arg12[%swap3A_80, %swap3A_81] {strides = array<i32>} : memref<64x128xf32, #tpu.memory_space<vmem>>, vector<1x16xf32>,
      %swap3A_83 = vector.shape_cast %swap3A_82 : vector<1x16xf32> to vector<16xf32>
      %swap3A_84 = vector.shape_cast %broadcast_in_dim3A_0 : vector<16xf32> to vector<1x16xf32>
      tpu.vector_store %arg12[%swap3A_80, %swap3A_81], %swap3A_84 {strides = array<i32>} : memref<64x128xf32, #tpu.memory_space<vmem>>, vector<1x16xf32>,
    }
    %scan3A_5 = arith.constant 64 : i32
    %mul3A = arith.constant 624 : i32
    %mul3A_6 = arith.muli %arg1, %mul3A : i32
    %add3A = arith.constant 0 : i32
    %add3A_7 = arith.addi %mul3A_6, %add3A : i32
    "tpu.region"() ({
      %run_scoped3A = tpu.sem_alloc : memref<!tpu.dma_semaphore, #tpu.memory_space<semaphore_mem>>
      %dma_start3A = arith.constant 0 : i32
      %dma_start3A_45 = tpu.memref_slice %arg7[%add3A_7, %dma_start3A] : memref<10000x128xf32, #tpu.memory_space<vmem_shared>> -> memref<64x128xf32, #tpu.memory_space<vmem_shared>>
      %dma_start3A_46 = arith.constant 0 : i32
      %dma_start3A_47 = tpu.memref_slice %arg7[%add3A_7, %dma_start3A_46] : memref<10000x128xf32, #tpu.memory_space<vmem_shared>> -> memref<64x128xf32, #tpu.memory_space<vmem_shared>>
      tpu.enqueue_dma source(%arg12 : memref<64x128xf32, #tpu.memory_space<vmem>>) target(%dma_start3A_47 : memref<64x128xf32, #tpu.memory_space<vmem_shared>>) target_semaphore(%run_scoped3A : memref<!tpu.dma_semaphore, #tpu.memory_space<semaphore_mem>>)
      %dma_wait3A = arith.constant 0 : i32
      %dma_wait3A_48 = tpu.memref_slice %arg7[%add3A_7, %dma_wait3A] : memref<10000x128xf32, #tpu.memory_space<vmem_shared>> -> memref<64x128xf32, #tpu.memory_space<vmem_shared>>
      %dma_wait3A_49 = arith.constant 0 : i32
      %dma_wait3A_50 = tpu.memref_slice %arg7[%add3A_7, %dma_wait3A_49] : memref<10000x128xf32, #tpu.memory_space<vmem_shared>> -> memref<64x128xf32, #tpu.memory_space<vmem_shared>>
      tpu.wait_dma2 semaphore(%run_scoped3A : memref<!tpu.dma_semaphore, #tpu.memory_space<semaphore_mem>>) src(%arg12 : memref<64x128xf32, #tpu.memory_space<vmem>>) dst(%dma_wait3A_50 : memref<64x128xf32, #tpu.memory_space<vmem_shared>>)
      tpu.yield
    }) : () -> ()
    %add3A_8 = arith.constant 64 : i32
    %add3A_9 = arith.addi %mul3A_6, %add3A_8 : i32
    "tpu.region"() ({
      %run_scoped3A = tpu.sem_alloc : memref<!tpu.dma_semaphore, #tpu.memory_space<semaphore_mem>>
      %dma_start3A = arith.constant 0 : i32
      %dma_start3A_45 = tpu.memref_slice %arg7[%add3A_9, %dma_start3A] : memref<10000x128xf32, #tpu.memory_space<vmem_shared>> -> memref<64x128xf32, #tpu.memory_space<vmem_shared>>
      %dma_start3A_46 = arith.constant 0 : i32
      %dma_start3A_47 = tpu.memref_slice %arg7[%add3A_9, %dma_start3A_46] : memref<10000x128xf32, #tpu.memory_space<vmem_shared>> -> memref<64x128xf32, #tpu.memory_space<vmem_shared>>
      tpu.enqueue_dma source(%arg12 : memref<64x128xf32, #tpu.memory_space<vmem>>) target(%dma_start3A_47 : memref<64x128xf32, #tpu.memory_space<vmem_shared>>) target_semaphore(%run_scoped3A : memref<!tpu.dma_semaphore, #tpu.memory_space<semaphore_mem>>)
      %dma_wait3A = arith.constant 0 : i32
      %dma_wait3A_48 = tpu.memref_slice %arg7[%add3A_9, %dma_wait3A] : memref<10000x128xf32, #tpu.memory_space<vmem_shared>> -> memref<64x128xf32, #tpu.memory_space<vmem_shared>>
      %dma_wait3A_49 = arith.constant 0 : i32
      %dma_wait3A_50 = tpu.memref_slice %arg7[%add3A_9, %dma_wait3A_49] : memref<10000x128xf32, #tpu.memory_space<vmem_shared>> -> memref<64x128xf32, #tpu.memory_space<vmem_shared>>
      tpu.wait_dma2 semaphore(%run_scoped3A : memref<!tpu.dma_semaphore, #tpu.memory_space<semaphore_mem>>) src(%arg12 : memref<64x128xf32, #tpu.memory_space<vmem>>) dst(%dma_wait3A_50 : memref<64x128xf32, #tpu.memory_space<vmem_shared>>)
      tpu.yield
    }) : () -> ()
    %add3A_10 = arith.constant 128 : i32
    %add3A_11 = arith.addi %mul3A_6, %add3A_10 : i32
    "tpu.region"() ({
      %run_scoped3A = tpu.sem_alloc : memref<!tpu.dma_semaphore, #tpu.memory_space<semaphore_mem>>
      %dma_start3A = arith.constant 0 : i32
      %dma_start3A_45 = tpu.memref_slice %arg7[%add3A_11, %dma_start3A] : memref<10000x128xf32, #tpu.memory_space<vmem_shared>> -> memref<64x128xf32, #tpu.memory_space<vmem_shared>>
      %dma_start3A_46 = arith.constant 0 : i32
      %dma_start3A_47 = tpu.memref_slice %arg7[%add3A_11, %dma_start3A_46] : memref<10000x128xf32, #tpu.memory_space<vmem_shared>> -> memref<64x128xf32, #tpu.memory_space<vmem_shared>>
      tpu.enqueue_dma source(%arg12 : memref<64x128xf32, #tpu.memory_space<vmem>>) target(%dma_start3A_47 : memref<64x128xf32, #tpu.memory_space<vmem_shared>>) target_semaphore(%run_scoped3A : memref<!tpu.dma_semaphore, #tpu.memory_space<semaphore_mem>>)
      %dma_wait3A = arith.constant 0 : i32
      %dma_wait3A_48 = tpu.memref_slice %arg7[%add3A_11, %dma_wait3A] : memref<10000x128xf32, #tpu.memory_space<vmem_shared>> -> memref<64x128xf32, #tpu.memory_space<vmem_shared>>
      %dma_wait3A_49 = arith.constant 0 : i32
      %dma_wait3A_50 = tpu.memref_slice %arg7[%add3A_11, %dma_wait3A_49] : memref<10000x128xf32, #tpu.memory_space<vmem_shared>> -> memref<64x128xf32, #tpu.memory_space<vmem_shared>>
      tpu.wait_dma2 semaphore(%run_scoped3A : memref<!tpu.dma_semaphore, #tpu.memory_space<semaphore_mem>>) src(%arg12 : memref<64x128xf32, #tpu.memory_space<vmem>>) dst(%dma_wait3A_50 : memref<64x128xf32, #tpu.memory_space<vmem_shared>>)
      tpu.yield
    }) : () -> ()
    %add3A_12 = arith.constant 192 : i32
    %add3A_13 = arith.addi %mul3A_6, %add3A_12 : i32
    "tpu.region"() ({
      %run_scoped3A = tpu.sem_alloc : memref<!tpu.dma_semaphore, #tpu.memory_space<semaphore_mem>>
      %dma_start3A = arith.constant 0 : i32
      %dma_start3A_45 = tpu.memref_slice %arg7[%add3A_13, %dma_start3A] : memref<10000x128xf32, #tpu.memory_space<vmem_shared>> -> memref<64x128xf32, #tpu.memory_space<vmem_shared>>
      %dma_start3A_46 = arith.constant 0 : i32
      %dma_start3A_47 = tpu.memref_slice %arg7[%add3A_13, %dma_start3A_46] : memref<10000x128xf32, #tpu.memory_space<vmem_shared>> -> memref<64x128xf32, #tpu.memory_space<vmem_shared>>
      tpu.enqueue_dma source(%arg12 : memref<64x128xf32, #tpu.memory_space<vmem>>) target(%dma_start3A_47 : memref<64x128xf32, #tpu.memory_space<vmem_shared>>) target_semaphore(%run_scoped3A : memref<!tpu.dma_semaphore, #tpu.memory_space<semaphore_mem>>)
      %dma_wait3A = arith.constant 0 : i32
      %dma_wait3A_48 = tpu.memref_slice %arg7[%add3A_13, %dma_wait3A] : memref<10000x128xf32, #tpu.memory_space<vmem_shared>> -> memref<64x128xf32, #tpu.memory_space<vmem_shared>>
      %dma_wait3A_49 = arith.constant 0 : i32
      %dma_wait3A_50 = tpu.memref_slice %arg7[%add3A_13, %dma_wait3A_49] : memref<10000x128xf32, #tpu.memory_space<vmem_shared>> -> memref<64x128xf32, #tpu.memory_space<vmem_shared>>
      tpu.wait_dma2 semaphore(%run_scoped3A : memref<!tpu.dma_semaphore, #tpu.memory_space<semaphore_mem>>) src(%arg12 : memref<64x128xf32, #tpu.memory_space<vmem>>) dst(%dma_wait3A_50 : memref<64x128xf32, #tpu.memory_space<vmem_shared>>)
      tpu.yield
    }) : () -> ()
    %add3A_14 = arith.constant 256 : i32
    %add3A_15 = arith.addi %mul3A_6, %add3A_14 : i32
    "tpu.region"() ({
      %run_scoped3A = tpu.sem_alloc : memref<!tpu.dma_semaphore, #tpu.memory_space<semaphore_mem>>
      %dma_start3A = arith.constant 0 : i32
      %dma_start3A_45 = tpu.memref_slice %arg7[%add3A_15, %dma_start3A] : memref<10000x128xf32, #tpu.memory_space<vmem_shared>> -> memref<64x128xf32, #tpu.memory_space<vmem_shared>>
      %dma_start3A_46 = arith.constant 0 : i32
      %dma_start3A_47 = tpu.memref_slice %arg7[%add3A_15, %dma_start3A_46] : memref<10000x128xf32, #tpu.memory_space<vmem_shared>> -> memref<64x128xf32, #tpu.memory_space<vmem_shared>>
      tpu.enqueue_dma source(%arg12 : memref<64x128xf32, #tpu.memory_space<vmem>>) target(%dma_start3A_47 : memref<64x128xf32, #tpu.memory_space<vmem_shared>>) target_semaphore(%run_scoped3A : memref<!tpu.dma_semaphore, #tpu.memory_space<semaphore_mem>>)
      %dma_wait3A = arith.constant 0 : i32
      %dma_wait3A_48 = tpu.memref_slice %arg7[%add3A_15, %dma_wait3A] : memref<10000x128xf32, #tpu.memory_space<vmem_shared>> -> memref<64x128xf32, #tpu.memory_space<vmem_shared>>
      %dma_wait3A_49 = arith.constant 0 : i32
      %dma_wait3A_50 = tpu.memref_slice %arg7[%add3A_15, %dma_wait3A_49] : memref<10000x128xf32, #tpu.memory_space<vmem_shared>> -> memref<64x128xf32, #tpu.memory_space<vmem_shared>>
      tpu.wait_dma2 semaphore(%run_scoped3A : memref<!tpu.dma_semaphore, #tpu.memory_space<semaphore_mem>>) src(%arg12 : memref<64x128xf32, #tpu.memory_space<vmem>>) dst(%dma_wait3A_50 : memref<64x128xf32, #tpu.memory_space<vmem_shared>>)
      tpu.yield
    }) : () -> ()
    %add3A_16 = arith.constant 320 : i32
    %add3A_17 = arith.addi %mul3A_6, %add3A_16 : i32
    "tpu.region"() ({
      %run_scoped3A = tpu.sem_alloc : memref<!tpu.dma_semaphore, #tpu.memory_space<semaphore_mem>>
      %dma_start3A = arith.constant 0 : i32
      %dma_start3A_45 = tpu.memref_slice %arg7[%add3A_17, %dma_start3A] : memref<10000x128xf32, #tpu.memory_space<vmem_shared>> -> memref<64x128xf32, #tpu.memory_space<vmem_shared>>
      %dma_start3A_46 = arith.constant 0 : i32
      %dma_start3A_47 = tpu.memref_slice %arg7[%add3A_17, %dma_start3A_46] : memref<10000x128xf32, #tpu.memory_space<vmem_shared>> -> memref<64x128xf32, #tpu.memory_space<vmem_shared>>
      tpu.enqueue_dma source(%arg12 : memref<64x128xf32, #tpu.memory_space<vmem>>) target(%dma_start3A_47 : memref<64x128xf32, #tpu.memory_space<vmem_shared>>) target_semaphore(%run_scoped3A : memref<!tpu.dma_semaphore, #tpu.memory_space<semaphore_mem>>)
      %dma_wait3A = arith.constant 0 : i32
      %dma_wait3A_48 = tpu.memref_slice %arg7[%add3A_17, %dma_wait3A] : memref<10000x128xf32, #tpu.memory_space<vmem_shared>> -> memref<64x128xf32, #tpu.memory_space<vmem_shared>>
      %dma_wait3A_49 = arith.constant 0 : i32
      %dma_wait3A_50 = tpu.memref_slice %arg7[%add3A_17, %dma_wait3A_49] : memref<10000x128xf32, #tpu.memory_space<vmem_shared>> -> memref<64x128xf32, #tpu.memory_space<vmem_shared>>
      tpu.wait_dma2 semaphore(%run_scoped3A : memref<!tpu.dma_semaphore, #tpu.memory_space<semaphore_mem>>) src(%arg12 : memref<64x128xf32, #tpu.memory_space<vmem>>) dst(%dma_wait3A_50 : memref<64x128xf32, #tpu.memory_space<vmem_shared>>)
      tpu.yield
    }) : () -> ()
    %add3A_18 = arith.constant 384 : i32
    %add3A_19 = arith.addi %mul3A_6, %add3A_18 : i32
    "tpu.region"() ({
      %run_scoped3A = tpu.sem_alloc : memref<!tpu.dma_semaphore, #tpu.memory_space<semaphore_mem>>
      %dma_start3A = arith.constant 0 : i32
      %dma_start3A_45 = tpu.memref_slice %arg7[%add3A_19, %dma_start3A] : memref<10000x128xf32, #tpu.memory_space<vmem_shared>> -> memref<64x128xf32, #tpu.memory_space<vmem_shared>>
      %dma_start3A_46 = arith.constant 0 : i32
      %dma_start3A_47 = tpu.memref_slice %arg7[%add3A_19, %dma_start3A_46] : memref<10000x128xf32, #tpu.memory_space<vmem_shared>> -> memref<64x128xf32, #tpu.memory_space<vmem_shared>>
      tpu.enqueue_dma source(%arg12 : memref<64x128xf32, #tpu.memory_space<vmem>>) target(%dma_start3A_47 : memref<64x128xf32, #tpu.memory_space<vmem_shared>>) target_semaphore(%run_scoped3A : memref<!tpu.dma_semaphore, #tpu.memory_space<semaphore_mem>>)
      %dma_wait3A = arith.constant 0 : i32
      %dma_wait3A_48 = tpu.memref_slice %arg7[%add3A_19, %dma_wait3A] : memref<10000x128xf32, #tpu.memory_space<vmem_shared>> -> memref<64x128xf32, #tpu.memory_space<vmem_shared>>
      %dma_wait3A_49 = arith.constant 0 : i32
      %dma_wait3A_50 = tpu.memref_slice %arg7[%add3A_19, %dma_wait3A_49] : memref<10000x128xf32, #tpu.memory_space<vmem_shared>> -> memref<64x128xf32, #tpu.memory_space<vmem_shared>>
      tpu.wait_dma2 semaphore(%run_scoped3A : memref<!tpu.dma_semaphore, #tpu.memory_space<semaphore_mem>>) src(%arg12 : memref<64x128xf32, #tpu.memory_space<vmem>>) dst(%dma_wait3A_50 : memref<64x128xf32, #tpu.memory_space<vmem_shared>>)
      tpu.yield
    }) : () -> ()
    %add3A_20 = arith.constant 448 : i32
    %add3A_21 = arith.addi %mul3A_6, %add3A_20 : i32
    "tpu.region"() ({
      %run_scoped3A = tpu.sem_alloc : memref<!tpu.dma_semaphore, #tpu.memory_space<semaphore_mem>>
      %dma_start3A = arith.constant 0 : i32
      %dma_start3A_45 = tpu.memref_slice %arg7[%add3A_21, %dma_start3A] : memref<10000x128xf32, #tpu.memory_space<vmem_shared>> -> memref<64x128xf32, #tpu.memory_space<vmem_shared>>
      %dma_start3A_46 = arith.constant 0 : i32
      %dma_start3A_47 = tpu.memref_slice %arg7[%add3A_21, %dma_start3A_46] : memref<10000x128xf32, #tpu.memory_space<vmem_shared>> -> memref<64x128xf32, #tpu.memory_space<vmem_shared>>
      tpu.enqueue_dma source(%arg12 : memref<64x128xf32, #tpu.memory_space<vmem>>) target(%dma_start3A_47 : memref<64x128xf32, #tpu.memory_space<vmem_shared>>) target_semaphore(%run_scoped3A : memref<!tpu.dma_semaphore, #tpu.memory_space<semaphore_mem>>)
      %dma_wait3A = arith.constant 0 : i32
      %dma_wait3A_48 = tpu.memref_slice %arg7[%add3A_21, %dma_wait3A] : memref<10000x128xf32, #tpu.memory_space<vmem_shared>> -> memref<64x128xf32, #tpu.memory_space<vmem_shared>>
      %dma_wait3A_49 = arith.constant 0 : i32
      %dma_wait3A_50 = tpu.memref_slice %arg7[%add3A_21, %dma_wait3A_49] : memref<10000x128xf32, #tpu.memory_space<vmem_shared>> -> memref<64x128xf32, #tpu.memory_space<vmem_shared>>
      tpu.wait_dma2 semaphore(%run_scoped3A : memref<!tpu.dma_semaphore, #tpu.memory_space<semaphore_mem>>) src(%arg12 : memref<64x128xf32, #tpu.memory_space<vmem>>) dst(%dma_wait3A_50 : memref<64x128xf32, #tpu.memory_space<vmem_shared>>)
      tpu.yield
    }) : () -> ()
    %add3A_22 = arith.constant 512 : i32
    %add3A_23 = arith.addi %mul3A_6, %add3A_22 : i32
    "tpu.region"() ({
      %run_scoped3A = tpu.sem_alloc : memref<!tpu.dma_semaphore, #tpu.memory_space<semaphore_mem>>
      %dma_start3A = arith.constant 0 : i32
      %dma_start3A_45 = tpu.memref_slice %arg7[%add3A_23, %dma_start3A] : memref<10000x128xf32, #tpu.memory_space<vmem_shared>> -> memref<64x128xf32, #tpu.memory_space<vmem_shared>>
      %dma_start3A_46 = arith.constant 0 : i32
      %dma_start3A_47 = tpu.memref_slice %arg7[%add3A_23, %dma_start3A_46] : memref<10000x128xf32, #tpu.memory_space<vmem_shared>> -> memref<64x128xf32, #tpu.memory_space<vmem_shared>>
      tpu.enqueue_dma source(%arg12 : memref<64x128xf32, #tpu.memory_space<vmem>>) target(%dma_start3A_47 : memref<64x128xf32, #tpu.memory_space<vmem_shared>>) target_semaphore(%run_scoped3A : memref<!tpu.dma_semaphore, #tpu.memory_space<semaphore_mem>>)
      %dma_wait3A = arith.constant 0 : i32
      %dma_wait3A_48 = tpu.memref_slice %arg7[%add3A_23, %dma_wait3A] : memref<10000x128xf32, #tpu.memory_space<vmem_shared>> -> memref<64x128xf32, #tpu.memory_space<vmem_shared>>
      %dma_wait3A_49 = arith.constant 0 : i32
      %dma_wait3A_50 = tpu.memref_slice %arg7[%add3A_23, %dma_wait3A_49] : memref<10000x128xf32, #tpu.memory_space<vmem_shared>> -> memref<64x128xf32, #tpu.memory_space<vmem_shared>>
      tpu.wait_dma2 semaphore(%run_scoped3A : memref<!tpu.dma_semaphore, #tpu.memory_space<semaphore_mem>>) src(%arg12 : memref<64x128xf32, #tpu.memory_space<vmem>>) dst(%dma_wait3A_50 : memref<64x128xf32, #tpu.memory_space<vmem_shared>>)
      tpu.yield
    }) : () -> ()
    %add3A_24 = arith.constant 576 : i32
    %add3A_25 = arith.addi %mul3A_6, %add3A_24 : i32
    "tpu.region"() ({
      %run_scoped3A = tpu.sem_alloc : memref<!tpu.dma_semaphore, #tpu.memory_space<semaphore_mem>>
      %dma_start3A = arith.constant 0 : i32
      %dma_start3A_45 = arith.constant 0 : i32
      %dma_start3A_46 = tpu.memref_slice %arg12[%dma_start3A, %dma_start3A_45] : memref<64x128xf32, #tpu.memory_space<vmem>> -> memref<48x128xf32, #tpu.memory_space<vmem>>
      %dma_start3A_47 = arith.constant 0 : i32
      %dma_start3A_48 = tpu.memref_slice %arg7[%add3A_25, %dma_start3A_47] : memref<10000x128xf32, #tpu.memory_space<vmem_shared>> -> memref<48x128xf32, #tpu.memory_space<vmem_shared>>
      %dma_start3A_49 = arith.constant 0 : i32
      %dma_start3A_50 = tpu.memref_slice %arg7[%add3A_25, %dma_start3A_49] : memref<10000x128xf32, #tpu.memory_space<vmem_shared>> -> memref<48x128xf32, #tpu.memory_space<vmem_shared>>
      %dma_start3A_51 = arith.constant 0 : i32
      %dma_start3A_52 = arith.constant 0 : i32
      %dma_start3A_53 = tpu.memref_slice %arg12[%dma_start3A_51, %dma_start3A_52] : memref<64x128xf32, #tpu.memory_space<vmem>> -> memref<48x128xf32, #tpu.memory_space<vmem>>
      tpu.enqueue_dma source(%dma_start3A_53 : memref<48x128xf32, #tpu.memory_space<vmem>>) target(%dma_start3A_50 : memref<48x128xf32, #tpu.memory_space<vmem_shared>>) target_semaphore(%run_scoped3A : memref<!tpu.dma_semaphore, #tpu.memory_space<semaphore_mem>>)
      %dma_wait3A = arith.constant 0 : i32
      %dma_wait3A_54 = arith.constant 0 : i32
      %dma_wait3A_55 = tpu.memref_slice %arg12[%dma_wait3A, %dma_wait3A_54] : memref<64x128xf32, #tpu.memory_space<vmem>> -> memref<48x128xf32, #tpu.memory_space<vmem>>
      %dma_wait3A_56 = arith.constant 0 : i32
      %dma_wait3A_57 = tpu.memref_slice %arg7[%add3A_25, %dma_wait3A_56] : memref<10000x128xf32, #tpu.memory_space<vmem_shared>> -> memref<48x128xf32, #tpu.memory_space<vmem_shared>>
      %dma_wait3A_58 = arith.constant 0 : i32
      %dma_wait3A_59 = tpu.memref_slice %arg7[%add3A_25, %dma_wait3A_58] : memref<10000x128xf32, #tpu.memory_space<vmem_shared>> -> memref<48x128xf32, #tpu.memory_space<vmem_shared>>
      %dma_wait3A_60 = arith.constant 0 : i32
      %dma_wait3A_61 = arith.constant 0 : i32
      %dma_wait3A_62 = tpu.memref_slice %arg12[%dma_wait3A_60, %dma_wait3A_61] : memref<64x128xf32, #tpu.memory_space<vmem>> -> memref<48x128xf32, #tpu.memory_space<vmem>>
      tpu.wait_dma2 semaphore(%run_scoped3A : memref<!tpu.dma_semaphore, #tpu.memory_space<semaphore_mem>>) src(%dma_wait3A_62 : memref<48x128xf32, #tpu.memory_space<vmem>>) dst(%dma_wait3A_59 : memref<48x128xf32, #tpu.memory_space<vmem_shared>>)
      tpu.yield
    }) : () -> ()
    %eq3A = arith.constant 15 : i32
    %eq3A_26 = arith.cmpi eq, %arg1, %eq3A : i32
    %convert_element_type3A = arith.extui %eq3A_26 : i1 to i32
    %cond3A = arith.constant 0 : i32
    %cond3A_27 = arith.cmpi ne, %convert_element_type3A, %cond3A : i32
    scf.if %cond3A_27 {
      "tpu.region"() ({
        %run_scoped3A = tpu.sem_alloc : memref<!tpu.dma_semaphore, #tpu.memory_space<semaphore_mem>>
        %dma_start3A = arith.constant 0 : i32
        %dma_start3A_45 = arith.constant 0 : i32
        %dma_start3A_46 = tpu.memref_slice %arg12[%dma_start3A, %dma_start3A_45] : memref<64x128xf32, #tpu.memory_space<vmem>> -> memref<16x128xf32, #tpu.memory_space<vmem>>
        %dma_start3A_47 = arith.constant 9984 : i32
        %dma_start3A_48 = arith.constant 0 : i32
        %dma_start3A_49 = tpu.memref_slice %arg7[%dma_start3A_47, %dma_start3A_48] : memref<10000x128xf32, #tpu.memory_space<vmem_shared>> -> memref<16x128xf32, #tpu.memory_space<vmem_shared>>
        %dma_start3A_50 = arith.constant 9984 : i32
        %dma_start3A_51 = arith.constant 0 : i32
        %dma_start3A_52 = tpu.memref_slice %arg7[%dma_start3A_50, %dma_start3A_51] : memref<10000x128xf32, #tpu.memory_space<vmem_shared>> -> memref<16x128xf32, #tpu.memory_space<vmem_shared>>
        %dma_start3A_53 = arith.constant 0 : i32
        %dma_start3A_54 = arith.constant 0 : i32
        %dma_start3A_55 = tpu.memref_slice %arg12[%dma_start3A_53, %dma_start3A_54] : memref<64x128xf32, #tpu.memory_space<vmem>> -> memref<16x128xf32, #tpu.memory_space<vmem>>
        tpu.enqueue_dma source(%dma_start3A_55 : memref<16x128xf32, #tpu.memory_space<vmem>>) target(%dma_start3A_52 : memref<16x128xf32, #tpu.memory_space<vmem_shared>>) target_semaphore(%run_scoped3A : memref<!tpu.dma_semaphore, #tpu.memory_space<semaphore_mem>>)
        %dma_wait3A = arith.constant 0 : i32
        %dma_wait3A_56 = arith.constant 0 : i32
        %dma_wait3A_57 = tpu.memref_slice %arg12[%dma_wait3A, %dma_wait3A_56] : memref<64x128xf32, #tpu.memory_space<vmem>> -> memref<16x128xf32, #tpu.memory_space<vmem>>
        %dma_wait3A_58 = arith.constant 9984 : i32
        %dma_wait3A_59 = arith.constant 0 : i32
        %dma_wait3A_60 = tpu.memref_slice %arg7[%dma_wait3A_58, %dma_wait3A_59] : memref<10000x128xf32, #tpu.memory_space<vmem_shared>> -> memref<16x128xf32, #tpu.memory_space<vmem_shared>>
        %dma_wait3A_61 = arith.constant 9984 : i32
        %dma_wait3A_62 = arith.constant 0 : i32
        %dma_wait3A_63 = tpu.memref_slice %arg7[%dma_wait3A_61, %dma_wait3A_62] : memref<10000x128xf32, #tpu.memory_space<vmem_shared>> -> memref<16x128xf32, #tpu.memory_space<vmem_shared>>
        %dma_wait3A_64 = arith.constant 0 : i32
        %dma_wait3A_65 = arith.constant 0 : i32
        %dma_wait3A_66 = tpu.memref_slice %arg12[%dma_wait3A_64, %dma_wait3A_65] : memref<64x128xf32, #tpu.memory_space<vmem>> -> memref<16x128xf32, #tpu.memory_space<vmem>>
        tpu.wait_dma2 semaphore(%run_scoped3A : memref<!tpu.dma_semaphore, #tpu.memory_space<semaphore_mem>>) src(%dma_wait3A_66 : memref<16x128xf32, #tpu.memory_space<vmem>>) dst(%dma_wait3A_63 : memref<16x128xf32, #tpu.memory_space<vmem_shared>>)
        tpu.yield
      }) : () -> ()
    } else {
    }
    %barrier3A = arith.constant 0 : index
    tpu.barrier barrier_id(%barrier3A)
    %mul3A_28 = arith.constant 16 : i32
    %mul3A_29 = arith.muli %arg0, %mul3A_28 : i32
    %add3A_30 = arith.addi %mul3A_29, %arg1 : i32
    %mul3A_31 = arith.constant 10752 : i32
    %mul3A_32 = arith.muli %add3A_30, %mul3A_31 : i32
    %scan3A_33 = arith.constant 0 : i32
    %scan3A_34 = arith.constant 0 : i32
    %scan3A_35 = arith.constant 84 : i32
    %scan3A_36 = arith.addi %scan3A_34, %scan3A_35 : i32
    %scan3A_37 = arith.constant 1 : i32
    scf.for %scan3A_45 = %scan3A_34 to %scan3A_36 step %scan3A_37  : i32 {
      %mul3A_46 = arith.constant 128 : i32
      %mul3A_47 = arith.muli %scan3A_45, %mul3A_46 : i32
      %add3A_48 = arith.addi %mul3A_32, %mul3A_47 : i32
      "tpu.region"() ({
        %run_scoped3A = tpu.sem_alloc : memref<!tpu.dma_semaphore, #tpu.memory_space<semaphore_mem>>
        %dma_start3A = tpu.memref_slice %arg3[%add3A_48] : memref<344064xi32, #tpu.memory_space<hbm>> -> memref<128xi32, #tpu.memory_space<hbm>>
        %dma_start3A_57 = tpu.memref_slice %arg3[%add3A_48] : memref<344064xi32, #tpu.memory_space<hbm>> -> memref<128xi32, #tpu.memory_space<hbm>>
        tpu.enqueue_dma source(%dma_start3A_57 : memref<128xi32, #tpu.memory_space<hbm>>) target(%arg8 : memref<128xi32, #tpu.memory_space<vmem>>) target_semaphore(%run_scoped3A : memref<!tpu.dma_semaphore, #tpu.memory_space<semaphore_mem>>)
        %dma_wait3A = tpu.memref_slice %arg3[%add3A_48] : memref<344064xi32, #tpu.memory_space<hbm>> -> memref<128xi32, #tpu.memory_space<hbm>>
        %dma_wait3A_58 = tpu.memref_slice %arg3[%add3A_48] : memref<344064xi32, #tpu.memory_space<hbm>> -> memref<128xi32, #tpu.memory_space<hbm>>
        tpu.wait_dma2 semaphore(%run_scoped3A : memref<!tpu.dma_semaphore, #tpu.memory_space<semaphore_mem>>) src(%dma_wait3A_58 : memref<128xi32, #tpu.memory_space<hbm>>) dst(%arg8 : memref<128xi32, #tpu.memory_space<vmem>>)
        tpu.yield
      }) : () -> ()
      %mul3A_49 = arith.constant 16 : i32
      %mul3A_50 = arith.muli %add3A_48, %mul3A_49 : i32
      "tpu.region"() ({
        %run_scoped3A = tpu.sem_alloc : memref<!tpu.dma_semaphore, #tpu.memory_space<semaphore_mem>>
        %dma_start3A = tpu.memref_slice %arg5[%mul3A_50] : memref<5505024xf32, #tpu.memory_space<hbm>> -> memref<2048xf32, #tpu.memory_space<hbm>>
        %dma_start3A_57 = tpu.memref_slice %arg5[%mul3A_50] : memref<5505024xf32, #tpu.memory_space<hbm>> -> memref<2048xf32, #tpu.memory_space<hbm>>
        tpu.enqueue_dma source(%dma_start3A_57 : memref<2048xf32, #tpu.memory_space<hbm>>) target(%arg10 : memref<2048xf32, #tpu.memory_space<vmem>>) target_semaphore(%run_scoped3A : memref<!tpu.dma_semaphore, #tpu.memory_space<semaphore_mem>>)
        %dma_wait3A = tpu.memref_slice %arg5[%mul3A_50] : memref<5505024xf32, #tpu.memory_space<hbm>> -> memref<2048xf32, #tpu.memory_space<hbm>>
        %dma_wait3A_58 = tpu.memref_slice %arg5[%mul3A_50] : memref<5505024xf32, #tpu.memory_space<hbm>> -> memref<2048xf32, #tpu.memory_space<hbm>>
        tpu.wait_dma2 semaphore(%run_scoped3A : memref<!tpu.dma_semaphore, #tpu.memory_space<semaphore_mem>>) src(%dma_wait3A_58 : memref<2048xf32, #tpu.memory_space<hbm>>) dst(%arg10 : memref<2048xf32, #tpu.memory_space<vmem>>)
        tpu.yield
      }) : () -> ()
      "tpu.region"() ({
        %run_scoped3A = tpu.sem_alloc : memref<!tpu.dma_semaphore, #tpu.memory_space<semaphore_mem>>
        %dma_start3A = tpu.memref_slice %arg4[%add3A_48] : memref<344064xi32, #tpu.memory_space<hbm>> -> memref<128xi32, #tpu.memory_space<hbm>>
        %dma_start3A_57 = tpu.memref_slice %arg4[%add3A_48] : memref<344064xi32, #tpu.memory_space<hbm>> -> memref<128xi32, #tpu.memory_space<hbm>>
        tpu.enqueue_dma source(%dma_start3A_57 : memref<128xi32, #tpu.memory_space<hbm>>) target(%arg9 : memref<128xi32, #tpu.memory_space<vmem>>) target_semaphore(%run_scoped3A : memref<!tpu.dma_semaphore, #tpu.memory_space<semaphore_mem>>)
        %dma_wait3A = tpu.memref_slice %arg4[%add3A_48] : memref<344064xi32, #tpu.memory_space<hbm>> -> memref<128xi32, #tpu.memory_space<hbm>>
        %dma_wait3A_58 = tpu.memref_slice %arg4[%add3A_48] : memref<344064xi32, #tpu.memory_space<hbm>> -> memref<128xi32, #tpu.memory_space<hbm>>
        tpu.wait_dma2 semaphore(%run_scoped3A : memref<!tpu.dma_semaphore, #tpu.memory_space<semaphore_mem>>) src(%dma_wait3A_58 : memref<128xi32, #tpu.memory_space<hbm>>) dst(%arg9 : memref<128xi32, #tpu.memory_space<vmem>>)
        tpu.yield
      }) : () -> ()
      "tpu.region"() ({
        %run_scoped3A = tpu.sem_alloc : memref<!tpu.dma_semaphore, #tpu.memory_space<semaphore_mem>>
        %dma_start3A = arith.constant 0 : i32
        %dma_start3A_57 = arith.constant 0 : i32
        %dma_start3A_58 = tpu.memref_slice %arg2[%dma_start3A, %dma_start3A_57] : memref<10000x128xf32, #tpu.memory_space<hbm>> -> memref<10000x128xf32, #tpu.memory_space<hbm>>
        tpu.enqueue_indirect_dma source(%dma_start3A_58 : memref<10000x128xf32, #tpu.memory_space<hbm>>) target(%arg11 : memref<128x128xf32, #tpu.memory_space<vmem>>) offsets(%arg8 : memref<128xi32, #tpu.memory_space<vmem>>) semaphore(%run_scoped3A : memref<!tpu.dma_semaphore, #tpu.memory_space<semaphore_mem>>)
        %dma_wait3A = arith.constant 0 : i32
        %dma_wait3A_59 = arith.constant 0 : i32
        %dma_wait3A_60 = tpu.memref_slice %arg2[%dma_wait3A, %dma_wait3A_59] : memref<10000x128xf32, #tpu.memory_space<hbm>> -> memref<10000x128xf32, #tpu.memory_space<hbm>>
        tpu.wait_indirect_dma semaphore(%run_scoped3A : memref<!tpu.dma_semaphore, #tpu.memory_space<semaphore_mem>>) src(%dma_wait3A_60 : memref<10000x128xf32, #tpu.memory_space<hbm>>) dst(%arg11 : memref<128x128xf32, #tpu.memory_space<vmem>>)
        tpu.yield
      }) : () -> ()
      %scan3A_51 = arith.constant 0 : i32
      %scan3A_52 = arith.constant 0 : i32
      %scan3A_53 = arith.constant 128 : i32
      %scan3A_54 = arith.addi %scan3A_52, %scan3A_53 : i32
      %scan3A_55 = arith.constant 1 : i32
      scf.for %scan3A_57 = %scan3A_52 to %scan3A_54 step %scan3A_55  : i32 {
        %mul3A_58 = arith.constant 16 : i32
        %mul3A_59 = arith.muli %scan3A_57, %mul3A_58 : i32
        %get3A = arith.index_cast %mul3A_59 : i32 to index
        %get3A_60 = tpu.vector_load %arg10[%get3A] {strides = array<i32>} : memref<2048xf32, #tpu.memory_space<vmem>>, vector<16xf32>,
        %get3A_61 = vector.shape_cast %get3A_60 : vector<16xf32> to vector<16xf32>
        %get3A_62 = arith.index_cast %scan3A_57 : i32 to index
        %get3A_63 = arith.constant 0 : index
        %get3A_64 = tpu.vector_load %arg11[%get3A_62, %get3A_63] {strides = array<i32>} : memref<128x128xf32, #tpu.memory_space<vmem>>, vector<1x16xf32>,
        %get3A_65 = vector.shape_cast %get3A_64 : vector<1x16xf32> to vector<16xf32>
        %mul3A_66 = arith.mulf %get3A_65, %get3A_61 : vector<16xf32>
        %swap3A = arith.index_cast %scan3A_57 : i32 to index
        %swap3A_67 = arith.constant 0 : index
        %swap3A_68 = tpu.vector_load %arg11[%swap3A, %swap3A_67] {strides = array<i32>} : memref<128x128xf32, #tpu.memory_space<vmem>>, vector<1x16xf32>,
        %swap3A_69 = vector.shape_cast %swap3A_68 : vector<1x16xf32> to vector<16xf32>
        %swap3A_70 = vector.shape_cast %mul3A_66 : vector<16xf32> to vector<1x16xf32>
        tpu.vector_store %arg11[%swap3A, %swap3A_67], %swap3A_70 {strides = array<i32>} : memref<128x128xf32, #tpu.memory_space<vmem>>, vector<1x16xf32>,
        %get3A_71 = arith.index_cast %scan3A_57 : i32 to index
        %get3A_72 = arith.constant 16 : index
        %get3A_73 = tpu.vector_load %arg11[%get3A_71, %get3A_72] {strides = array<i32>} : memref<128x128xf32, #tpu.memory_space<vmem>>, vector<1x16xf32>,
        %get3A_74 = vector.shape_cast %get3A_73 : vector<1x16xf32> to vector<16xf32>
        %mul3A_75 = arith.mulf %get3A_74, %get3A_61 : vector<16xf32>
        %swap3A_76 = arith.index_cast %scan3A_57 : i32 to index
        %swap3A_77 = arith.constant 16 : index
        %swap3A_78 = tpu.vector_load %arg11[%swap3A_76, %swap3A_77] {strides = array<i32>} : memref<128x128xf32, #tpu.memory_space<vmem>>, vector<1x16xf32>,
        %swap3A_79 = vector.shape_cast %swap3A_78 : vector<1x16xf32> to vector<16xf32>
        %swap3A_80 = vector.shape_cast %mul3A_75 : vector<16xf32> to vector<1x16xf32>
        tpu.vector_store %arg11[%swap3A_76, %swap3A_77], %swap3A_80 {strides = array<i32>} : memref<128x128xf32, #tpu.memory_space<vmem>>, vector<1x16xf32>,
        %get3A_81 = arith.index_cast %scan3A_57 : i32 to index
        %get3A_82 = arith.constant 32 : index
        %get3A_83 = tpu.vector_load %arg11[%get3A_81, %get3A_82] {strides = array<i32>} : memref<128x128xf32, #tpu.memory_space<vmem>>, vector<1x16xf32>,
        %get3A_84 = vector.shape_cast %get3A_83 : vector<1x16xf32> to vector<16xf32>
        %mul3A_85 = arith.mulf %get3A_84, %get3A_61 : vector<16xf32>
        %swap3A_86 = arith.index_cast %scan3A_57 : i32 to index
        %swap3A_87 = arith.constant 32 : index
        %swap3A_88 = tpu.vector_load %arg11[%swap3A_86, %swap3A_87] {strides = array<i32>} : memref<128x128xf32, #tpu.memory_space<vmem>>, vector<1x16xf32>,
        %swap3A_89 = vector.shape_cast %swap3A_88 : vector<1x16xf32> to vector<16xf32>
        %swap3A_90 = vector.shape_cast %mul3A_85 : vector<16xf32> to vector<1x16xf32>
        tpu.vector_store %arg11[%swap3A_86, %swap3A_87], %swap3A_90 {strides = array<i32>} : memref<128x128xf32, #tpu.memory_space<vmem>>, vector<1x16xf32>,
        %get3A_91 = arith.index_cast %scan3A_57 : i32 to index
        %get3A_92 = arith.constant 48 : index
        %get3A_93 = tpu.vector_load %arg11[%get3A_91, %get3A_92] {strides = array<i32>} : memref<128x128xf32, #tpu.memory_space<vmem>>, vector<1x16xf32>,
        %get3A_94 = vector.shape_cast %get3A_93 : vector<1x16xf32> to vector<16xf32>
        %mul3A_95 = arith.mulf %get3A_94, %get3A_61 : vector<16xf32>
        %swap3A_96 = arith.index_cast %scan3A_57 : i32 to index
        %swap3A_97 = arith.constant 48 : index
        %swap3A_98 = tpu.vector_load %arg11[%swap3A_96, %swap3A_97] {strides = array<i32>} : memref<128x128xf32, #tpu.memory_space<vmem>>, vector<1x16xf32>,
        %swap3A_99 = vector.shape_cast %swap3A_98 : vector<1x16xf32> to vector<16xf32>
        %swap3A_100 = vector.shape_cast %mul3A_95 : vector<16xf32> to vector<1x16xf32>
        tpu.vector_store %arg11[%swap3A_96, %swap3A_97], %swap3A_100 {strides = array<i32>} : memref<128x128xf32, #tpu.memory_space<vmem>>, vector<1x16xf32>,
        %get3A_101 = arith.index_cast %scan3A_57 : i32 to index
        %get3A_102 = arith.constant 64 : index
        %get3A_103 = tpu.vector_load %arg11[%get3A_101, %get3A_102] {strides = array<i32>} : memref<128x128xf32, #tpu.memory_space<vmem>>, vector<1x16xf32>,
        %get3A_104 = vector.shape_cast %get3A_103 : vector<1x16xf32> to vector<16xf32>
        %mul3A_105 = arith.mulf %get3A_104, %get3A_61 : vector<16xf32>
        %swap3A_106 = arith.index_cast %scan3A_57 : i32 to index
        %swap3A_107 = arith.constant 64 : index
        %swap3A_108 = tpu.vector_load %arg11[%swap3A_106, %swap3A_107] {strides = array<i32>} : memref<128x128xf32, #tpu.memory_space<vmem>>, vector<1x16xf32>,
        %swap3A_109 = vector.shape_cast %swap3A_108 : vector<1x16xf32> to vector<16xf32>
        %swap3A_110 = vector.shape_cast %mul3A_105 : vector<16xf32> to vector<1x16xf32>
        tpu.vector_store %arg11[%swap3A_106, %swap3A_107], %swap3A_110 {strides = array<i32>} : memref<128x128xf32, #tpu.memory_space<vmem>>, vector<1x16xf32>,
        %get3A_111 = arith.index_cast %scan3A_57 : i32 to index
        %get3A_112 = arith.constant 80 : index
        %get3A_113 = tpu.vector_load %arg11[%get3A_111, %get3A_112] {strides = array<i32>} : memref<128x128xf32, #tpu.memory_space<vmem>>, vector<1x16xf32>,
        %get3A_114 = vector.shape_cast %get3A_113 : vector<1x16xf32> to vector<16xf32>
        %mul3A_115 = arith.mulf %get3A_114, %get3A_61 : vector<16xf32>
        %swap3A_116 = arith.index_cast %scan3A_57 : i32 to index
        %swap3A_117 = arith.constant 80 : index
        %swap3A_118 = tpu.vector_load %arg11[%swap3A_116, %swap3A_117] {strides = array<i32>} : memref<128x128xf32, #tpu.memory_space<vmem>>, vector<1x16xf32>,
        %swap3A_119 = vector.shape_cast %swap3A_118 : vector<1x16xf32> to vector<16xf32>
        %swap3A_120 = vector.shape_cast %mul3A_115 : vector<16xf32> to vector<1x16xf32>
        tpu.vector_store %arg11[%swap3A_116, %swap3A_117], %swap3A_120 {strides = array<i32>} : memref<128x128xf32, #tpu.memory_space<vmem>>, vector<1x16xf32>,
        %get3A_121 = arith.index_cast %scan3A_57 : i32 to index
        %get3A_122 = arith.constant 96 : index
        %get3A_123 = tpu.vector_load %arg11[%get3A_121, %get3A_122] {strides = array<i32>} : memref<128x128xf32, #tpu.memory_space<vmem>>, vector<1x16xf32>,
        %get3A_124 = vector.shape_cast %get3A_123 : vector<1x16xf32> to vector<16xf32>
        %mul3A_125 = arith.mulf %get3A_124, %get3A_61 : vector<16xf32>
        %swap3A_126 = arith.index_cast %scan3A_57 : i32 to index
        %swap3A_127 = arith.constant 96 : index
        %swap3A_128 = tpu.vector_load %arg11[%swap3A_126, %swap3A_127] {strides = array<i32>} : memref<128x128xf32, #tpu.memory_space<vmem>>, vector<1x16xf32>,
        %swap3A_129 = vector.shape_cast %swap3A_128 : vector<1x16xf32> to vector<16xf32>
        %swap3A_130 = vector.shape_cast %mul3A_125 : vector<16xf32> to vector<1x16xf32>
        tpu.vector_store %arg11[%swap3A_126, %swap3A_127], %swap3A_130 {strides = array<i32>} : memref<128x128xf32, #tpu.memory_space<vmem>>, vector<1x16xf32>,
        %get3A_131 = arith.index_cast %scan3A_57 : i32 to index
        %get3A_132 = arith.constant 112 : index
        %get3A_133 = tpu.vector_load %arg11[%get3A_131, %get3A_132] {strides = array<i32>} : memref<128x128xf32, #tpu.memory_space<vmem>>, vector<1x16xf32>,
        %get3A_134 = vector.shape_cast %get3A_133 : vector<1x16xf32> to vector<16xf32>
        %mul3A_135 = arith.mulf %get3A_134, %get3A_61 : vector<16xf32>
        %swap3A_136 = arith.index_cast %scan3A_57 : i32 to index
        %swap3A_137 = arith.constant 112 : index
        %swap3A_138 = tpu.vector_load %arg11[%swap3A_136, %swap3A_137] {strides = array<i32>} : memref<128x128xf32, #tpu.memory_space<vmem>>, vector<1x16xf32>,
        %swap3A_139 = vector.shape_cast %swap3A_138 : vector<1x16xf32> to vector<16xf32>
        %swap3A_140 = vector.shape_cast %mul3A_135 : vector<16xf32> to vector<1x16xf32>
        tpu.vector_store %arg11[%swap3A_136, %swap3A_137], %swap3A_140 {strides = array<i32>} : memref<128x128xf32, #tpu.memory_space<vmem>>, vector<1x16xf32>,
      }
      %scan3A_56 = arith.constant 128 : i32
      "tpu.region"() ({
        %run_scoped3A = tpu.sem_alloc : memref<!tpu.dma_semaphore, #tpu.memory_space<semaphore_mem>>
        %dma_start3A = arith.constant 0 : i32
        %dma_start3A_57 = arith.constant 0 : i32
        %dma_start3A_58 = tpu.memref_slice %arg7[%dma_start3A, %dma_start3A_57] : memref<10000x128xf32, #tpu.memory_space<vmem_shared>> -> memref<10000x128xf32, #tpu.memory_space<vmem_shared>>
        tpu.enqueue_indirect_dma source(%arg11 : memref<128x128xf32, #tpu.memory_space<vmem>>) target(%dma_start3A_58 : memref<10000x128xf32, #tpu.memory_space<vmem_shared>>) offsets(%arg9 : memref<128xi32, #tpu.memory_space<vmem>>) semaphore(%run_scoped3A : memref<!tpu.dma_semaphore, #tpu.memory_space<semaphore_mem>>) {add = true}
        %dma_wait3A = arith.constant 0 : i32
        %dma_wait3A_59 = arith.constant 0 : i32
        %dma_wait3A_60 = tpu.memref_slice %arg7[%dma_wait3A, %dma_wait3A_59] : memref<10000x128xf32, #tpu.memory_space<vmem_shared>> -> memref<10000x128xf32, #tpu.memory_space<vmem_shared>>
        tpu.wait_indirect_dma semaphore(%run_scoped3A : memref<!tpu.dma_semaphore, #tpu.memory_space<semaphore_mem>>) src(%arg11 : memref<128x128xf32, #tpu.memory_space<vmem>>) dst(%dma_wait3A_60 : memref<10000x128xf32, #tpu.memory_space<vmem_shared>>)
        tpu.yield
      }) : () -> ()
    }
    %scan3A_38 = arith.constant 84 : i32
    %barrier3A_39 = arith.constant 0 : index
    tpu.barrier barrier_id(%barrier3A_39)
    "tpu.region"() ({
      %run_scoped3A = tpu.sem_alloc : memref<!tpu.dma_semaphore, #tpu.memory_space<semaphore_mem>>
      %dma_start3A = arith.constant 0 : i32
      %dma_start3A_45 = tpu.memref_slice %arg6[%arg0, %mul3A_6, %dma_start3A] : memref<2x10000x128xf32, #tpu.memory_space<hbm>> -> memref<1x624x128xf32, #tpu.memory_space<hbm>>
      %dma_start3A_46 = tpu.memref_squeeze %dma_start3A_45 : memref<1x624x128xf32, #tpu.memory_space<hbm>> -> memref<624x128xf32, #tpu.memory_space<hbm>>
      %dma_start3A_47 = arith.constant 0 : i32
      %dma_start3A_48 = tpu.memref_slice %arg7[%mul3A_6, %dma_start3A_47] : memref<10000x128xf32, #tpu.memory_space<vmem_shared>> -> memref<624x128xf32, #tpu.memory_space<vmem_shared>>
      tpu.enqueue_dma source(%dma_start3A_48 : memref<624x128xf32, #tpu.memory_space<vmem_shared>>) target(%dma_start3A_46 : memref<624x128xf32, #tpu.memory_space<hbm>>) target_semaphore(%run_scoped3A : memref<!tpu.dma_semaphore, #tpu.memory_space<semaphore_mem>>)
      %dma_wait3A = arith.constant 0 : i32
      %dma_wait3A_49 = tpu.memref_slice %arg6[%arg0, %mul3A_6, %dma_wait3A] : memref<2x10000x128xf32, #tpu.memory_space<hbm>> -> memref<1x624x128xf32, #tpu.memory_space<hbm>>
      %dma_wait3A_50 = tpu.memref_squeeze %dma_wait3A_49 : memref<1x624x128xf32, #tpu.memory_space<hbm>> -> memref<624x128xf32, #tpu.memory_space<hbm>>
      %dma_wait3A_51 = arith.constant 0 : i32
      %dma_wait3A_52 = tpu.memref_slice %arg7[%mul3A_6, %dma_wait3A_51] : memref<10000x128xf32, #tpu.memory_space<vmem_shared>> -> memref<624x128xf32, #tpu.memory_space<vmem_shared>>
      tpu.wait_dma2 semaphore(%run_scoped3A : memref<!tpu.dma_semaphore, #tpu.memory_space<semaphore_mem>>) src(%dma_wait3A_52 : memref<624x128xf32, #tpu.memory_space<vmem_shared>>) dst(%dma_wait3A_50 : memref<624x128xf32, #tpu.memory_space<hbm>>)
      tpu.yield
    }) : () -> ()
    %eq3A_40 = arith.constant 15 : i32
    %eq3A_41 = arith.cmpi eq, %arg1, %eq3A_40 : i32
    %convert_element_type3A_42 = arith.extui %eq3A_41 : i1 to i32
    %cond3A_43 = arith.constant 0 : i32
    %cond3A_44 = arith.cmpi ne, %convert_element_type3A_42, %cond3A_43 : i32
    scf.if %cond3A_44 {
      "tpu.region"() ({
        %run_scoped3A = tpu.sem_alloc : memref<!tpu.dma_semaphore, #tpu.memory_space<semaphore_mem>>
        %dma_start3A = arith.constant 9984 : i32
        %dma_start3A_45 = arith.constant 0 : i32
        %dma_start3A_46 = tpu.memref_slice %arg6[%arg0, %dma_start3A, %dma_start3A_45] : memref<2x10000x128xf32, #tpu.memory_space<hbm>> -> memref<1x16x128xf32, #tpu.memory_space<hbm>>
        %dma_start3A_47 = tpu.memref_squeeze %dma_start3A_46 : memref<1x16x128xf32, #tpu.memory_space<hbm>> -> memref<16x128xf32, #tpu.memory_space<hbm>>
        %dma_start3A_48 = arith.constant 9984 : i32
        %dma_start3A_49 = arith.constant 0 : i32
        %dma_start3A_50 = tpu.memref_slice %arg7[%dma_start3A_48, %dma_start3A_49] : memref<10000x128xf32, #tpu.memory_space<vmem_shared>> -> memref<16x128xf32, #tpu.memory_space<vmem_shared>>
        tpu.enqueue_dma source(%dma_start3A_50 : memref<16x128xf32, #tpu.memory_space<vmem_shared>>) target(%dma_start3A_47 : memref<16x128xf32, #tpu.memory_space<hbm>>) target_semaphore(%run_scoped3A : memref<!tpu.dma_semaphore, #tpu.memory_space<semaphore_mem>>)
        %dma_wait3A = arith.constant 9984 : i32
        %dma_wait3A_51 = arith.constant 0 : i32
        %dma_wait3A_52 = tpu.memref_slice %arg6[%arg0, %dma_wait3A, %dma_wait3A_51] : memref<2x10000x128xf32, #tpu.memory_space<hbm>> -> memref<1x16x128xf32, #tpu.memory_space<hbm>>
        %dma_wait3A_53 = tpu.memref_squeeze %dma_wait3A_52 : memref<1x16x128xf32, #tpu.memory_space<hbm>> -> memref<16x128xf32, #tpu.memory_space<hbm>>
        %dma_wait3A_54 = arith.constant 9984 : i32
        %dma_wait3A_55 = arith.constant 0 : i32
        %dma_wait3A_56 = tpu.memref_slice %arg7[%dma_wait3A_54, %dma_wait3A_55] : memref<10000x128xf32, #tpu.memory_space<vmem_shared>> -> memref<16x128xf32, #tpu.memory_space<vmem_shared>>
        tpu.wait_dma2 semaphore(%run_scoped3A : memref<!tpu.dma_semaphore, #tpu.memory_space<semaphore_mem>>) src(%dma_wait3A_56 : memref<16x128xf32, #tpu.memory_space<vmem_shared>>) dst(%dma_wait3A_53 : memref<16x128xf32, #tpu.memory_space<hbm>>)
        tpu.yield
      }) : () -> ()
    } else {
    }
    return
  }
}

#map = affine_map<(d0, d1) -> (0, 0)>
#map1 = affine_map<(d0, d1) -> (0)>
#map2 = affine_map<(d0, d1) -> (0, 0, 0)>
module attributes {stable_mosaic.version = 14 : i64} {
  func.func @_sc_scatter_body(%arg0: i32, %arg1: i32, %arg2: memref<10000x128xf32, #tpu.memory_space<hbm>>, %arg3: memref<344064xi32, #tpu.memory_space<hbm>>, %arg4: memref<344064xi32, #tpu.memory_space<hbm>>, %arg5: memref<5505024xf32, #tpu.memory_space<hbm>>, %arg6: memref<2x10000x128xf32, #tpu.memory_space<hbm>>, %arg7: memref<10000x128xf32, #tpu.memory_space<vmem_shared>>, %arg8: memref<128xi32, #tpu.memory_space<vmem>>, %arg9: memref<128xi32, #tpu.memory_space<vmem>>, %arg10: memref<2048xf32, #tpu.memory_space<vmem>>, %arg11: memref<128x128xf32, #tpu.memory_space<vmem>>, %arg12: memref<64x128xf32, #tpu.memory_space<vmem>>) attributes {dimension_semantics = [#tpu.dimension_semantics<core_parallel>, #tpu.dimension_semantics<subcore_parallel>], iteration_bounds = array<i64: 2, 16>, scalar_prefetch = 0 : i64, scratch_operands = 6 : i64, tpu.core_type = #tpu.core_type<sc_vector_subcore>, window_params = [{transform_indices = #map}, {transform_indices = #map1}, {transform_indices = #map1}, {transform_indices = #map1}, {transform_indices = #map2}]} {
    %broadcast_in_dim3A = arith.constant 0.000000e+00 : f32
    %broadcast_in_dim3A_0 = vector.broadcast %broadcast_in_dim3A : f32 to vector<16xf32>
    %scan3A = arith.constant 0 : i32
    %scan3A_1 = arith.constant 0 : i32
    %scan3A_2 = arith.constant 64 : i32
    %scan3A_3 = arith.addi %scan3A_1, %scan3A_2 : i32
    %scan3A_4 = arith.constant 1 : i32
    scf.for %scan3A_45 = %scan3A_1 to %scan3A_3 step %scan3A_4  : i32 {
      %swap3A = arith.index_cast %scan3A_45 : i32 to index
      %swap3A_46 = arith.constant 0 : index
      %swap3A_47 = tpu.vector_load %arg12[%swap3A, %swap3A_46] {strides = array<i32>} : memref<64x128xf32, #tpu.memory_space<vmem>>, vector<1x16xf32>,
      %swap3A_48 = vector.shape_cast %swap3A_47 : vector<1x16xf32> to vector<16xf32>
      %swap3A_49 = vector.shape_cast %broadcast_in_dim3A_0 : vector<16xf32> to vector<1x16xf32>
      tpu.vector_store %arg12[%swap3A, %swap3A_46], %swap3A_49 {strides = array<i32>} : memref<64x128xf32, #tpu.memory_space<vmem>>, vector<1x16xf32>,
      %swap3A_50 = arith.index_cast %scan3A_45 : i32 to index
      %swap3A_51 = arith.constant 16 : index
      %swap3A_52 = tpu.vector_load %arg12[%swap3A_50, %swap3A_51] {strides = array<i32>} : memref<64x128xf32, #tpu.memory_space<vmem>>, vector<1x16xf32>,
      %swap3A_53 = vector.shape_cast %swap3A_52 : vector<1x16xf32> to vector<16xf32>
      %swap3A_54 = vector.shape_cast %broadcast_in_dim3A_0 : vector<16xf32> to vector<1x16xf32>
      tpu.vector_store %arg12[%swap3A_50, %swap3A_51], %swap3A_54 {strides = array<i32>} : memref<64x128xf32, #tpu.memory_space<vmem>>, vector<1x16xf32>,
      %swap3A_55 = arith.index_cast %scan3A_45 : i32 to index
      %swap3A_56 = arith.constant 32 : index
      %swap3A_57 = tpu.vector_load %arg12[%swap3A_55, %swap3A_56] {strides = array<i32>} : memref<64x128xf32, #tpu.memory_space<vmem>>, vector<1x16xf32>,
      %swap3A_58 = vector.shape_cast %swap3A_57 : vector<1x16xf32> to vector<16xf32>
      %swap3A_59 = vector.shape_cast %broadcast_in_dim3A_0 : vector<16xf32> to vector<1x16xf32>
      tpu.vector_store %arg12[%swap3A_55, %swap3A_56], %swap3A_59 {strides = array<i32>} : memref<64x128xf32, #tpu.memory_space<vmem>>, vector<1x16xf32>,
      %swap3A_60 = arith.index_cast %scan3A_45 : i32 to index
      %swap3A_61 = arith.constant 48 : index
      %swap3A_62 = tpu.vector_load %arg12[%swap3A_60, %swap3A_61] {strides = array<i32>} : memref<64x128xf32, #tpu.memory_space<vmem>>, vector<1x16xf32>,
      %swap3A_63 = vector.shape_cast %swap3A_62 : vector<1x16xf32> to vector<16xf32>
      %swap3A_64 = vector.shape_cast %broadcast_in_dim3A_0 : vector<16xf32> to vector<1x16xf32>
      tpu.vector_store %arg12[%swap3A_60, %swap3A_61], %swap3A_64 {strides = array<i32>} : memref<64x128xf32, #tpu.memory_space<vmem>>, vector<1x16xf32>,
      %swap3A_65 = arith.index_cast %scan3A_45 : i32 to index
      %swap3A_66 = arith.constant 64 : index
      %swap3A_67 = tpu.vector_load %arg12[%swap3A_65, %swap3A_66] {strides = array<i32>} : memref<64x128xf32, #tpu.memory_space<vmem>>, vector<1x16xf32>,
      %swap3A_68 = vector.shape_cast %swap3A_67 : vector<1x16xf32> to vector<16xf32>
      %swap3A_69 = vector.shape_cast %broadcast_in_dim3A_0 : vector<16xf32> to vector<1x16xf32>
      tpu.vector_store %arg12[%swap3A_65, %swap3A_66], %swap3A_69 {strides = array<i32>} : memref<64x128xf32, #tpu.memory_space<vmem>>, vector<1x16xf32>,
      %swap3A_70 = arith.index_cast %scan3A_45 : i32 to index
      %swap3A_71 = arith.constant 80 : index
      %swap3A_72 = tpu.vector_load %arg12[%swap3A_70, %swap3A_71] {strides = array<i32>} : memref<64x128xf32, #tpu.memory_space<vmem>>, vector<1x16xf32>,
      %swap3A_73 = vector.shape_cast %swap3A_72 : vector<1x16xf32> to vector<16xf32>
      %swap3A_74 = vector.shape_cast %broadcast_in_dim3A_0 : vector<16xf32> to vector<1x16xf32>
      tpu.vector_store %arg12[%swap3A_70, %swap3A_71], %swap3A_74 {strides = array<i32>} : memref<64x128xf32, #tpu.memory_space<vmem>>, vector<1x16xf32>,
      %swap3A_75 = arith.index_cast %scan3A_45 : i32 to index
      %swap3A_76 = arith.constant 96 : index
      %swap3A_77 = tpu.vector_load %arg12[%swap3A_75, %swap3A_76] {strides = array<i32>} : memref<64x128xf32, #tpu.memory_space<vmem>>, vector<1x16xf32>,
      %swap3A_78 = vector.shape_cast %swap3A_77 : vector<1x16xf32> to vector<16xf32>
      %swap3A_79 = vector.shape_cast %broadcast_in_dim3A_0 : vector<16xf32> to vector<1x16xf32>
      tpu.vector_store %arg12[%swap3A_75, %swap3A_76], %swap3A_79 {strides = array<i32>} : memref<64x128xf32, #tpu.memory_space<vmem>>, vector<1x16xf32>,
      %swap3A_80 = arith.index_cast %scan3A_45 : i32 to index
      %swap3A_81 = arith.constant 112 : index
      %swap3A_82 = tpu.vector_load %arg12[%swap3A_80, %swap3A_81] {strides = array<i32>} : memref<64x128xf32, #tpu.memory_space<vmem>>, vector<1x16xf32>,
      %swap3A_83 = vector.shape_cast %swap3A_82 : vector<1x16xf32> to vector<16xf32>
      %swap3A_84 = vector.shape_cast %broadcast_in_dim3A_0 : vector<16xf32> to vector<1x16xf32>
      tpu.vector_store %arg12[%swap3A_80, %swap3A_81], %swap3A_84 {strides = array<i32>} : memref<64x128xf32, #tpu.memory_space<vmem>>, vector<1x16xf32>,
    }
    %scan3A_5 = arith.constant 64 : i32
    %mul3A = arith.constant 624 : i32
    %mul3A_6 = arith.muli %arg1, %mul3A : i32
    %add3A = arith.constant 0 : i32
    %add3A_7 = arith.addi %mul3A_6, %add3A : i32
    "tpu.region"() ({
      %run_scoped3A = tpu.sem_alloc : memref<!tpu.dma_semaphore, #tpu.memory_space<semaphore_mem>>
      %dma_start3A = arith.constant 0 : i32
      %dma_start3A_45 = tpu.memref_slice %arg7[%add3A_7, %dma_start3A] : memref<10000x128xf32, #tpu.memory_space<vmem_shared>> -> memref<64x128xf32, #tpu.memory_space<vmem_shared>>
      %dma_start3A_46 = arith.constant 0 : i32
      %dma_start3A_47 = tpu.memref_slice %arg7[%add3A_7, %dma_start3A_46] : memref<10000x128xf32, #tpu.memory_space<vmem_shared>> -> memref<64x128xf32, #tpu.memory_space<vmem_shared>>
      tpu.enqueue_dma source(%arg12 : memref<64x128xf32, #tpu.memory_space<vmem>>) target(%dma_start3A_47 : memref<64x128xf32, #tpu.memory_space<vmem_shared>>) target_semaphore(%run_scoped3A : memref<!tpu.dma_semaphore, #tpu.memory_space<semaphore_mem>>)
      %dma_wait3A = arith.constant 0 : i32
      %dma_wait3A_48 = tpu.memref_slice %arg7[%add3A_7, %dma_wait3A] : memref<10000x128xf32, #tpu.memory_space<vmem_shared>> -> memref<64x128xf32, #tpu.memory_space<vmem_shared>>
      %dma_wait3A_49 = arith.constant 0 : i32
      %dma_wait3A_50 = tpu.memref_slice %arg7[%add3A_7, %dma_wait3A_49] : memref<10000x128xf32, #tpu.memory_space<vmem_shared>> -> memref<64x128xf32, #tpu.memory_space<vmem_shared>>
      tpu.wait_dma2 semaphore(%run_scoped3A : memref<!tpu.dma_semaphore, #tpu.memory_space<semaphore_mem>>) src(%arg12 : memref<64x128xf32, #tpu.memory_space<vmem>>) dst(%dma_wait3A_50 : memref<64x128xf32, #tpu.memory_space<vmem_shared>>)
      tpu.yield
    }) : () -> ()
    %add3A_8 = arith.constant 64 : i32
    %add3A_9 = arith.addi %mul3A_6, %add3A_8 : i32
    "tpu.region"() ({
      %run_scoped3A = tpu.sem_alloc : memref<!tpu.dma_semaphore, #tpu.memory_space<semaphore_mem>>
      %dma_start3A = arith.constant 0 : i32
      %dma_start3A_45 = tpu.memref_slice %arg7[%add3A_9, %dma_start3A] : memref<10000x128xf32, #tpu.memory_space<vmem_shared>> -> memref<64x128xf32, #tpu.memory_space<vmem_shared>>
      %dma_start3A_46 = arith.constant 0 : i32
      %dma_start3A_47 = tpu.memref_slice %arg7[%add3A_9, %dma_start3A_46] : memref<10000x128xf32, #tpu.memory_space<vmem_shared>> -> memref<64x128xf32, #tpu.memory_space<vmem_shared>>
      tpu.enqueue_dma source(%arg12 : memref<64x128xf32, #tpu.memory_space<vmem>>) target(%dma_start3A_47 : memref<64x128xf32, #tpu.memory_space<vmem_shared>>) target_semaphore(%run_scoped3A : memref<!tpu.dma_semaphore, #tpu.memory_space<semaphore_mem>>)
      %dma_wait3A = arith.constant 0 : i32
      %dma_wait3A_48 = tpu.memref_slice %arg7[%add3A_9, %dma_wait3A] : memref<10000x128xf32, #tpu.memory_space<vmem_shared>> -> memref<64x128xf32, #tpu.memory_space<vmem_shared>>
      %dma_wait3A_49 = arith.constant 0 : i32
      %dma_wait3A_50 = tpu.memref_slice %arg7[%add3A_9, %dma_wait3A_49] : memref<10000x128xf32, #tpu.memory_space<vmem_shared>> -> memref<64x128xf32, #tpu.memory_space<vmem_shared>>
      tpu.wait_dma2 semaphore(%run_scoped3A : memref<!tpu.dma_semaphore, #tpu.memory_space<semaphore_mem>>) src(%arg12 : memref<64x128xf32, #tpu.memory_space<vmem>>) dst(%dma_wait3A_50 : memref<64x128xf32, #tpu.memory_space<vmem_shared>>)
      tpu.yield
    }) : () -> ()
    %add3A_10 = arith.constant 128 : i32
    %add3A_11 = arith.addi %mul3A_6, %add3A_10 : i32
    "tpu.region"() ({
      %run_scoped3A = tpu.sem_alloc : memref<!tpu.dma_semaphore, #tpu.memory_space<semaphore_mem>>
      %dma_start3A = arith.constant 0 : i32
      %dma_start3A_45 = tpu.memref_slice %arg7[%add3A_11, %dma_start3A] : memref<10000x128xf32, #tpu.memory_space<vmem_shared>> -> memref<64x128xf32, #tpu.memory_space<vmem_shared>>
      %dma_start3A_46 = arith.constant 0 : i32
      %dma_start3A_47 = tpu.memref_slice %arg7[%add3A_11, %dma_start3A_46] : memref<10000x128xf32, #tpu.memory_space<vmem_shared>> -> memref<64x128xf32, #tpu.memory_space<vmem_shared>>
      tpu.enqueue_dma source(%arg12 : memref<64x128xf32, #tpu.memory_space<vmem>>) target(%dma_start3A_47 : memref<64x128xf32, #tpu.memory_space<vmem_shared>>) target_semaphore(%run_scoped3A : memref<!tpu.dma_semaphore, #tpu.memory_space<semaphore_mem>>)
      %dma_wait3A = arith.constant 0 : i32
      %dma_wait3A_48 = tpu.memref_slice %arg7[%add3A_11, %dma_wait3A] : memref<10000x128xf32, #tpu.memory_space<vmem_shared>> -> memref<64x128xf32, #tpu.memory_space<vmem_shared>>
      %dma_wait3A_49 = arith.constant 0 : i32
      %dma_wait3A_50 = tpu.memref_slice %arg7[%add3A_11, %dma_wait3A_49] : memref<10000x128xf32, #tpu.memory_space<vmem_shared>> -> memref<64x128xf32, #tpu.memory_space<vmem_shared>>
      tpu.wait_dma2 semaphore(%run_scoped3A : memref<!tpu.dma_semaphore, #tpu.memory_space<semaphore_mem>>) src(%arg12 : memref<64x128xf32, #tpu.memory_space<vmem>>) dst(%dma_wait3A_50 : memref<64x128xf32, #tpu.memory_space<vmem_shared>>)
      tpu.yield
    }) : () -> ()
    %add3A_12 = arith.constant 192 : i32
    %add3A_13 = arith.addi %mul3A_6, %add3A_12 : i32
    "tpu.region"() ({
      %run_scoped3A = tpu.sem_alloc : memref<!tpu.dma_semaphore, #tpu.memory_space<semaphore_mem>>
      %dma_start3A = arith.constant 0 : i32
      %dma_start3A_45 = tpu.memref_slice %arg7[%add3A_13, %dma_start3A] : memref<10000x128xf32, #tpu.memory_space<vmem_shared>> -> memref<64x128xf32, #tpu.memory_space<vmem_shared>>
      %dma_start3A_46 = arith.constant 0 : i32
      %dma_start3A_47 = tpu.memref_slice %arg7[%add3A_13, %dma_start3A_46] : memref<10000x128xf32, #tpu.memory_space<vmem_shared>> -> memref<64x128xf32, #tpu.memory_space<vmem_shared>>
      tpu.enqueue_dma source(%arg12 : memref<64x128xf32, #tpu.memory_space<vmem>>) target(%dma_start3A_47 : memref<64x128xf32, #tpu.memory_space<vmem_shared>>) target_semaphore(%run_scoped3A : memref<!tpu.dma_semaphore, #tpu.memory_space<semaphore_mem>>)
      %dma_wait3A = arith.constant 0 : i32
      %dma_wait3A_48 = tpu.memref_slice %arg7[%add3A_13, %dma_wait3A] : memref<10000x128xf32, #tpu.memory_space<vmem_shared>> -> memref<64x128xf32, #tpu.memory_space<vmem_shared>>
      %dma_wait3A_49 = arith.constant 0 : i32
      %dma_wait3A_50 = tpu.memref_slice %arg7[%add3A_13, %dma_wait3A_49] : memref<10000x128xf32, #tpu.memory_space<vmem_shared>> -> memref<64x128xf32, #tpu.memory_space<vmem_shared>>
      tpu.wait_dma2 semaphore(%run_scoped3A : memref<!tpu.dma_semaphore, #tpu.memory_space<semaphore_mem>>) src(%arg12 : memref<64x128xf32, #tpu.memory_space<vmem>>) dst(%dma_wait3A_50 : memref<64x128xf32, #tpu.memory_space<vmem_shared>>)
      tpu.yield
    }) : () -> ()
    %add3A_14 = arith.constant 256 : i32
    %add3A_15 = arith.addi %mul3A_6, %add3A_14 : i32
    "tpu.region"() ({
      %run_scoped3A = tpu.sem_alloc : memref<!tpu.dma_semaphore, #tpu.memory_space<semaphore_mem>>
      %dma_start3A = arith.constant 0 : i32
      %dma_start3A_45 = tpu.memref_slice %arg7[%add3A_15, %dma_start3A] : memref<10000x128xf32, #tpu.memory_space<vmem_shared>> -> memref<64x128xf32, #tpu.memory_space<vmem_shared>>
      %dma_start3A_46 = arith.constant 0 : i32
      %dma_start3A_47 = tpu.memref_slice %arg7[%add3A_15, %dma_start3A_46] : memref<10000x128xf32, #tpu.memory_space<vmem_shared>> -> memref<64x128xf32, #tpu.memory_space<vmem_shared>>
      tpu.enqueue_dma source(%arg12 : memref<64x128xf32, #tpu.memory_space<vmem>>) target(%dma_start3A_47 : memref<64x128xf32, #tpu.memory_space<vmem_shared>>) target_semaphore(%run_scoped3A : memref<!tpu.dma_semaphore, #tpu.memory_space<semaphore_mem>>)
      %dma_wait3A = arith.constant 0 : i32
      %dma_wait3A_48 = tpu.memref_slice %arg7[%add3A_15, %dma_wait3A] : memref<10000x128xf32, #tpu.memory_space<vmem_shared>> -> memref<64x128xf32, #tpu.memory_space<vmem_shared>>
      %dma_wait3A_49 = arith.constant 0 : i32
      %dma_wait3A_50 = tpu.memref_slice %arg7[%add3A_15, %dma_wait3A_49] : memref<10000x128xf32, #tpu.memory_space<vmem_shared>> -> memref<64x128xf32, #tpu.memory_space<vmem_shared>>
      tpu.wait_dma2 semaphore(%run_scoped3A : memref<!tpu.dma_semaphore, #tpu.memory_space<semaphore_mem>>) src(%arg12 : memref<64x128xf32, #tpu.memory_space<vmem>>) dst(%dma_wait3A_50 : memref<64x128xf32, #tpu.memory_space<vmem_shared>>)
      tpu.yield
    }) : () -> ()
    %add3A_16 = arith.constant 320 : i32
    %add3A_17 = arith.addi %mul3A_6, %add3A_16 : i32
    "tpu.region"() ({
      %run_scoped3A = tpu.sem_alloc : memref<!tpu.dma_semaphore, #tpu.memory_space<semaphore_mem>>
      %dma_start3A = arith.constant 0 : i32
      %dma_start3A_45 = tpu.memref_slice %arg7[%add3A_17, %dma_start3A] : memref<10000x128xf32, #tpu.memory_space<vmem_shared>> -> memref<64x128xf32, #tpu.memory_space<vmem_shared>>
      %dma_start3A_46 = arith.constant 0 : i32
      %dma_start3A_47 = tpu.memref_slice %arg7[%add3A_17, %dma_start3A_46] : memref<10000x128xf32, #tpu.memory_space<vmem_shared>> -> memref<64x128xf32, #tpu.memory_space<vmem_shared>>
      tpu.enqueue_dma source(%arg12 : memref<64x128xf32, #tpu.memory_space<vmem>>) target(%dma_start3A_47 : memref<64x128xf32, #tpu.memory_space<vmem_shared>>) target_semaphore(%run_scoped3A : memref<!tpu.dma_semaphore, #tpu.memory_space<semaphore_mem>>)
      %dma_wait3A = arith.constant 0 : i32
      %dma_wait3A_48 = tpu.memref_slice %arg7[%add3A_17, %dma_wait3A] : memref<10000x128xf32, #tpu.memory_space<vmem_shared>> -> memref<64x128xf32, #tpu.memory_space<vmem_shared>>
      %dma_wait3A_49 = arith.constant 0 : i32
      %dma_wait3A_50 = tpu.memref_slice %arg7[%add3A_17, %dma_wait3A_49] : memref<10000x128xf32, #tpu.memory_space<vmem_shared>> -> memref<64x128xf32, #tpu.memory_space<vmem_shared>>
      tpu.wait_dma2 semaphore(%run_scoped3A : memref<!tpu.dma_semaphore, #tpu.memory_space<semaphore_mem>>) src(%arg12 : memref<64x128xf32, #tpu.memory_space<vmem>>) dst(%dma_wait3A_50 : memref<64x128xf32, #tpu.memory_space<vmem_shared>>)
      tpu.yield
    }) : () -> ()
    %add3A_18 = arith.constant 384 : i32
    %add3A_19 = arith.addi %mul3A_6, %add3A_18 : i32
    "tpu.region"() ({
      %run_scoped3A = tpu.sem_alloc : memref<!tpu.dma_semaphore, #tpu.memory_space<semaphore_mem>>
      %dma_start3A = arith.constant 0 : i32
      %dma_start3A_45 = tpu.memref_slice %arg7[%add3A_19, %dma_start3A] : memref<10000x128xf32, #tpu.memory_space<vmem_shared>> -> memref<64x128xf32, #tpu.memory_space<vmem_shared>>
      %dma_start3A_46 = arith.constant 0 : i32
      %dma_start3A_47 = tpu.memref_slice %arg7[%add3A_19, %dma_start3A_46] : memref<10000x128xf32, #tpu.memory_space<vmem_shared>> -> memref<64x128xf32, #tpu.memory_space<vmem_shared>>
      tpu.enqueue_dma source(%arg12 : memref<64x128xf32, #tpu.memory_space<vmem>>) target(%dma_start3A_47 : memref<64x128xf32, #tpu.memory_space<vmem_shared>>) target_semaphore(%run_scoped3A : memref<!tpu.dma_semaphore, #tpu.memory_space<semaphore_mem>>)
      %dma_wait3A = arith.constant 0 : i32
      %dma_wait3A_48 = tpu.memref_slice %arg7[%add3A_19, %dma_wait3A] : memref<10000x128xf32, #tpu.memory_space<vmem_shared>> -> memref<64x128xf32, #tpu.memory_space<vmem_shared>>
      %dma_wait3A_49 = arith.constant 0 : i32
      %dma_wait3A_50 = tpu.memref_slice %arg7[%add3A_19, %dma_wait3A_49] : memref<10000x128xf32, #tpu.memory_space<vmem_shared>> -> memref<64x128xf32, #tpu.memory_space<vmem_shared>>
      tpu.wait_dma2 semaphore(%run_scoped3A : memref<!tpu.dma_semaphore, #tpu.memory_space<semaphore_mem>>) src(%arg12 : memref<64x128xf32, #tpu.memory_space<vmem>>) dst(%dma_wait3A_50 : memref<64x128xf32, #tpu.memory_space<vmem_shared>>)
      tpu.yield
    }) : () -> ()
    %add3A_20 = arith.constant 448 : i32
    %add3A_21 = arith.addi %mul3A_6, %add3A_20 : i32
    "tpu.region"() ({
      %run_scoped3A = tpu.sem_alloc : memref<!tpu.dma_semaphore, #tpu.memory_space<semaphore_mem>>
      %dma_start3A = arith.constant 0 : i32
      %dma_start3A_45 = tpu.memref_slice %arg7[%add3A_21, %dma_start3A] : memref<10000x128xf32, #tpu.memory_space<vmem_shared>> -> memref<64x128xf32, #tpu.memory_space<vmem_shared>>
      %dma_start3A_46 = arith.constant 0 : i32
      %dma_start3A_47 = tpu.memref_slice %arg7[%add3A_21, %dma_start3A_46] : memref<10000x128xf32, #tpu.memory_space<vmem_shared>> -> memref<64x128xf32, #tpu.memory_space<vmem_shared>>
      tpu.enqueue_dma source(%arg12 : memref<64x128xf32, #tpu.memory_space<vmem>>) target(%dma_start3A_47 : memref<64x128xf32, #tpu.memory_space<vmem_shared>>) target_semaphore(%run_scoped3A : memref<!tpu.dma_semaphore, #tpu.memory_space<semaphore_mem>>)
      %dma_wait3A = arith.constant 0 : i32
      %dma_wait3A_48 = tpu.memref_slice %arg7[%add3A_21, %dma_wait3A] : memref<10000x128xf32, #tpu.memory_space<vmem_shared>> -> memref<64x128xf32, #tpu.memory_space<vmem_shared>>
      %dma_wait3A_49 = arith.constant 0 : i32
      %dma_wait3A_50 = tpu.memref_slice %arg7[%add3A_21, %dma_wait3A_49] : memref<10000x128xf32, #tpu.memory_space<vmem_shared>> -> memref<64x128xf32, #tpu.memory_space<vmem_shared>>
      tpu.wait_dma2 semaphore(%run_scoped3A : memref<!tpu.dma_semaphore, #tpu.memory_space<semaphore_mem>>) src(%arg12 : memref<64x128xf32, #tpu.memory_space<vmem>>) dst(%dma_wait3A_50 : memref<64x128xf32, #tpu.memory_space<vmem_shared>>)
      tpu.yield
    }) : () -> ()
    %add3A_22 = arith.constant 512 : i32
    %add3A_23 = arith.addi %mul3A_6, %add3A_22 : i32
    "tpu.region"() ({
      %run_scoped3A = tpu.sem_alloc : memref<!tpu.dma_semaphore, #tpu.memory_space<semaphore_mem>>
      %dma_start3A = arith.constant 0 : i32
      %dma_start3A_45 = tpu.memref_slice %arg7[%add3A_23, %dma_start3A] : memref<10000x128xf32, #tpu.memory_space<vmem_shared>> -> memref<64x128xf32, #tpu.memory_space<vmem_shared>>
      %dma_start3A_46 = arith.constant 0 : i32
      %dma_start3A_47 = tpu.memref_slice %arg7[%add3A_23, %dma_start3A_46] : memref<10000x128xf32, #tpu.memory_space<vmem_shared>> -> memref<64x128xf32, #tpu.memory_space<vmem_shared>>
      tpu.enqueue_dma source(%arg12 : memref<64x128xf32, #tpu.memory_space<vmem>>) target(%dma_start3A_47 : memref<64x128xf32, #tpu.memory_space<vmem_shared>>) target_semaphore(%run_scoped3A : memref<!tpu.dma_semaphore, #tpu.memory_space<semaphore_mem>>)
      %dma_wait3A = arith.constant 0 : i32
      %dma_wait3A_48 = tpu.memref_slice %arg7[%add3A_23, %dma_wait3A] : memref<10000x128xf32, #tpu.memory_space<vmem_shared>> -> memref<64x128xf32, #tpu.memory_space<vmem_shared>>
      %dma_wait3A_49 = arith.constant 0 : i32
      %dma_wait3A_50 = tpu.memref_slice %arg7[%add3A_23, %dma_wait3A_49] : memref<10000x128xf32, #tpu.memory_space<vmem_shared>> -> memref<64x128xf32, #tpu.memory_space<vmem_shared>>
      tpu.wait_dma2 semaphore(%run_scoped3A : memref<!tpu.dma_semaphore, #tpu.memory_space<semaphore_mem>>) src(%arg12 : memref<64x128xf32, #tpu.memory_space<vmem>>) dst(%dma_wait3A_50 : memref<64x128xf32, #tpu.memory_space<vmem_shared>>)
      tpu.yield
    }) : () -> ()
    %add3A_24 = arith.constant 576 : i32
    %add3A_25 = arith.addi %mul3A_6, %add3A_24 : i32
    "tpu.region"() ({
      %run_scoped3A = tpu.sem_alloc : memref<!tpu.dma_semaphore, #tpu.memory_space<semaphore_mem>>
      %dma_start3A = arith.constant 0 : i32
      %dma_start3A_45 = arith.constant 0 : i32
      %dma_start3A_46 = tpu.memref_slice %arg12[%dma_start3A, %dma_start3A_45] : memref<64x128xf32, #tpu.memory_space<vmem>> -> memref<48x128xf32, #tpu.memory_space<vmem>>
      %dma_start3A_47 = arith.constant 0 : i32
      %dma_start3A_48 = tpu.memref_slice %arg7[%add3A_25, %dma_start3A_47] : memref<10000x128xf32, #tpu.memory_space<vmem_shared>> -> memref<48x128xf32, #tpu.memory_space<vmem_shared>>
      %dma_start3A_49 = arith.constant 0 : i32
      %dma_start3A_50 = tpu.memref_slice %arg7[%add3A_25, %dma_start3A_49] : memref<10000x128xf32, #tpu.memory_space<vmem_shared>> -> memref<48x128xf32, #tpu.memory_space<vmem_shared>>
      %dma_start3A_51 = arith.constant 0 : i32
      %dma_start3A_52 = arith.constant 0 : i32
      %dma_start3A_53 = tpu.memref_slice %arg12[%dma_start3A_51, %dma_start3A_52] : memref<64x128xf32, #tpu.memory_space<vmem>> -> memref<48x128xf32, #tpu.memory_space<vmem>>
      tpu.enqueue_dma source(%dma_start3A_53 : memref<48x128xf32, #tpu.memory_space<vmem>>) target(%dma_start3A_50 : memref<48x128xf32, #tpu.memory_space<vmem_shared>>) target_semaphore(%run_scoped3A : memref<!tpu.dma_semaphore, #tpu.memory_space<semaphore_mem>>)
      %dma_wait3A = arith.constant 0 : i32
      %dma_wait3A_54 = arith.constant 0 : i32
      %dma_wait3A_55 = tpu.memref_slice %arg12[%dma_wait3A, %dma_wait3A_54] : memref<64x128xf32, #tpu.memory_space<vmem>> -> memref<48x128xf32, #tpu.memory_space<vmem>>
      %dma_wait3A_56 = arith.constant 0 : i32
      %dma_wait3A_57 = tpu.memref_slice %arg7[%add3A_25, %dma_wait3A_56] : memref<10000x128xf32, #tpu.memory_space<vmem_shared>> -> memref<48x128xf32, #tpu.memory_space<vmem_shared>>
      %dma_wait3A_58 = arith.constant 0 : i32
      %dma_wait3A_59 = tpu.memref_slice %arg7[%add3A_25, %dma_wait3A_58] : memref<10000x128xf32, #tpu.memory_space<vmem_shared>> -> memref<48x128xf32, #tpu.memory_space<vmem_shared>>
      %dma_wait3A_60 = arith.constant 0 : i32
      %dma_wait3A_61 = arith.constant 0 : i32
      %dma_wait3A_62 = tpu.memref_slice %arg12[%dma_wait3A_60, %dma_wait3A_61] : memref<64x128xf32, #tpu.memory_space<vmem>> -> memref<48x128xf32, #tpu.memory_space<vmem>>
      tpu.wait_dma2 semaphore(%run_scoped3A : memref<!tpu.dma_semaphore, #tpu.memory_space<semaphore_mem>>) src(%dma_wait3A_62 : memref<48x128xf32, #tpu.memory_space<vmem>>) dst(%dma_wait3A_59 : memref<48x128xf32, #tpu.memory_space<vmem_shared>>)
      tpu.yield
    }) : () -> ()
    %eq3A = arith.constant 15 : i32
    %eq3A_26 = arith.cmpi eq, %arg1, %eq3A : i32
    %convert_element_type3A = arith.extui %eq3A_26 : i1 to i32
    %cond3A = arith.constant 0 : i32
    %cond3A_27 = arith.cmpi ne, %convert_element_type3A, %cond3A : i32
    scf.if %cond3A_27 {
      "tpu.region"() ({
        %run_scoped3A = tpu.sem_alloc : memref<!tpu.dma_semaphore, #tpu.memory_space<semaphore_mem>>
        %dma_start3A = arith.constant 0 : i32
        %dma_start3A_45 = arith.constant 0 : i32
        %dma_start3A_46 = tpu.memref_slice %arg12[%dma_start3A, %dma_start3A_45] : memref<64x128xf32, #tpu.memory_space<vmem>> -> memref<16x128xf32, #tpu.memory_space<vmem>>
        %dma_start3A_47 = arith.constant 9984 : i32
        %dma_start3A_48 = arith.constant 0 : i32
        %dma_start3A_49 = tpu.memref_slice %arg7[%dma_start3A_47, %dma_start3A_48] : memref<10000x128xf32, #tpu.memory_space<vmem_shared>> -> memref<16x128xf32, #tpu.memory_space<vmem_shared>>
        %dma_start3A_50 = arith.constant 9984 : i32
        %dma_start3A_51 = arith.constant 0 : i32
        %dma_start3A_52 = tpu.memref_slice %arg7[%dma_start3A_50, %dma_start3A_51] : memref<10000x128xf32, #tpu.memory_space<vmem_shared>> -> memref<16x128xf32, #tpu.memory_space<vmem_shared>>
        %dma_start3A_53 = arith.constant 0 : i32
        %dma_start3A_54 = arith.constant 0 : i32
        %dma_start3A_55 = tpu.memref_slice %arg12[%dma_start3A_53, %dma_start3A_54] : memref<64x128xf32, #tpu.memory_space<vmem>> -> memref<16x128xf32, #tpu.memory_space<vmem>>
        tpu.enqueue_dma source(%dma_start3A_55 : memref<16x128xf32, #tpu.memory_space<vmem>>) target(%dma_start3A_52 : memref<16x128xf32, #tpu.memory_space<vmem_shared>>) target_semaphore(%run_scoped3A : memref<!tpu.dma_semaphore, #tpu.memory_space<semaphore_mem>>)
        %dma_wait3A = arith.constant 0 : i32
        %dma_wait3A_56 = arith.constant 0 : i32
        %dma_wait3A_57 = tpu.memref_slice %arg12[%dma_wait3A, %dma_wait3A_56] : memref<64x128xf32, #tpu.memory_space<vmem>> -> memref<16x128xf32, #tpu.memory_space<vmem>>
        %dma_wait3A_58 = arith.constant 9984 : i32
        %dma_wait3A_59 = arith.constant 0 : i32
        %dma_wait3A_60 = tpu.memref_slice %arg7[%dma_wait3A_58, %dma_wait3A_59] : memref<10000x128xf32, #tpu.memory_space<vmem_shared>> -> memref<16x128xf32, #tpu.memory_space<vmem_shared>>
        %dma_wait3A_61 = arith.constant 9984 : i32
        %dma_wait3A_62 = arith.constant 0 : i32
        %dma_wait3A_63 = tpu.memref_slice %arg7[%dma_wait3A_61, %dma_wait3A_62] : memref<10000x128xf32, #tpu.memory_space<vmem_shared>> -> memref<16x128xf32, #tpu.memory_space<vmem_shared>>
        %dma_wait3A_64 = arith.constant 0 : i32
        %dma_wait3A_65 = arith.constant 0 : i32
        %dma_wait3A_66 = tpu.memref_slice %arg12[%dma_wait3A_64, %dma_wait3A_65] : memref<64x128xf32, #tpu.memory_space<vmem>> -> memref<16x128xf32, #tpu.memory_space<vmem>>
        tpu.wait_dma2 semaphore(%run_scoped3A : memref<!tpu.dma_semaphore, #tpu.memory_space<semaphore_mem>>) src(%dma_wait3A_66 : memref<16x128xf32, #tpu.memory_space<vmem>>) dst(%dma_wait3A_63 : memref<16x128xf32, #tpu.memory_space<vmem_shared>>)
        tpu.yield
      }) : () -> ()
    } else {
    }
    %barrier3A = arith.constant 0 : index
    tpu.barrier barrier_id(%barrier3A)
    %mul3A_28 = arith.constant 16 : i32
    %mul3A_29 = arith.muli %arg0, %mul3A_28 : i32
    %add3A_30 = arith.addi %mul3A_29, %arg1 : i32
    %mul3A_31 = arith.constant 10752 : i32
    %mul3A_32 = arith.muli %add3A_30, %mul3A_31 : i32
    %scan3A_33 = arith.constant 0 : i32
    %scan3A_34 = arith.constant 0 : i32
    %scan3A_35 = arith.constant 84 : i32
    %scan3A_36 = arith.addi %scan3A_34, %scan3A_35 : i32
    %scan3A_37 = arith.constant 1 : i32
    scf.for %scan3A_45 = %scan3A_34 to %scan3A_36 step %scan3A_37  : i32 {
      %mul3A_46 = arith.constant 128 : i32
      %mul3A_47 = arith.muli %scan3A_45, %mul3A_46 : i32
      %add3A_48 = arith.addi %mul3A_32, %mul3A_47 : i32
      "tpu.region"() ({
        %run_scoped3A = tpu.sem_alloc : memref<!tpu.dma_semaphore, #tpu.memory_space<semaphore_mem>>
        %dma_start3A = tpu.memref_slice %arg3[%add3A_48] : memref<344064xi32, #tpu.memory_space<hbm>> -> memref<128xi32, #tpu.memory_space<hbm>>
        %dma_start3A_57 = tpu.memref_slice %arg3[%add3A_48] : memref<344064xi32, #tpu.memory_space<hbm>> -> memref<128xi32, #tpu.memory_space<hbm>>
        tpu.enqueue_dma source(%dma_start3A_57 : memref<128xi32, #tpu.memory_space<hbm>>) target(%arg8 : memref<128xi32, #tpu.memory_space<vmem>>) target_semaphore(%run_scoped3A : memref<!tpu.dma_semaphore, #tpu.memory_space<semaphore_mem>>)
        %dma_wait3A = tpu.memref_slice %arg3[%add3A_48] : memref<344064xi32, #tpu.memory_space<hbm>> -> memref<128xi32, #tpu.memory_space<hbm>>
        %dma_wait3A_58 = tpu.memref_slice %arg3[%add3A_48] : memref<344064xi32, #tpu.memory_space<hbm>> -> memref<128xi32, #tpu.memory_space<hbm>>
        tpu.wait_dma2 semaphore(%run_scoped3A : memref<!tpu.dma_semaphore, #tpu.memory_space<semaphore_mem>>) src(%dma_wait3A_58 : memref<128xi32, #tpu.memory_space<hbm>>) dst(%arg8 : memref<128xi32, #tpu.memory_space<vmem>>)
        tpu.yield
      }) : () -> ()
      %mul3A_49 = arith.constant 16 : i32
      %mul3A_50 = arith.muli %add3A_48, %mul3A_49 : i32
      "tpu.region"() ({
        %run_scoped3A = tpu.sem_alloc : memref<!tpu.dma_semaphore, #tpu.memory_space<semaphore_mem>>
        %dma_start3A = tpu.memref_slice %arg5[%mul3A_50] : memref<5505024xf32, #tpu.memory_space<hbm>> -> memref<2048xf32, #tpu.memory_space<hbm>>
        %dma_start3A_57 = tpu.memref_slice %arg5[%mul3A_50] : memref<5505024xf32, #tpu.memory_space<hbm>> -> memref<2048xf32, #tpu.memory_space<hbm>>
        tpu.enqueue_dma source(%dma_start3A_57 : memref<2048xf32, #tpu.memory_space<hbm>>) target(%arg10 : memref<2048xf32, #tpu.memory_space<vmem>>) target_semaphore(%run_scoped3A : memref<!tpu.dma_semaphore, #tpu.memory_space<semaphore_mem>>)
        %dma_wait3A = tpu.memref_slice %arg5[%mul3A_50] : memref<5505024xf32, #tpu.memory_space<hbm>> -> memref<2048xf32, #tpu.memory_space<hbm>>
        %dma_wait3A_58 = tpu.memref_slice %arg5[%mul3A_50] : memref<5505024xf32, #tpu.memory_space<hbm>> -> memref<2048xf32, #tpu.memory_space<hbm>>
        tpu.wait_dma2 semaphore(%run_scoped3A : memref<!tpu.dma_semaphore, #tpu.memory_space<semaphore_mem>>) src(%dma_wait3A_58 : memref<2048xf32, #tpu.memory_space<hbm>>) dst(%arg10 : memref<2048xf32, #tpu.memory_space<vmem>>)
        tpu.yield
      }) : () -> ()
      "tpu.region"() ({
        %run_scoped3A = tpu.sem_alloc : memref<!tpu.dma_semaphore, #tpu.memory_space<semaphore_mem>>
        %dma_start3A = tpu.memref_slice %arg4[%add3A_48] : memref<344064xi32, #tpu.memory_space<hbm>> -> memref<128xi32, #tpu.memory_space<hbm>>
        %dma_start3A_57 = tpu.memref_slice %arg4[%add3A_48] : memref<344064xi32, #tpu.memory_space<hbm>> -> memref<128xi32, #tpu.memory_space<hbm>>
        tpu.enqueue_dma source(%dma_start3A_57 : memref<128xi32, #tpu.memory_space<hbm>>) target(%arg9 : memref<128xi32, #tpu.memory_space<vmem>>) target_semaphore(%run_scoped3A : memref<!tpu.dma_semaphore, #tpu.memory_space<semaphore_mem>>)
        %dma_wait3A = tpu.memref_slice %arg4[%add3A_48] : memref<344064xi32, #tpu.memory_space<hbm>> -> memref<128xi32, #tpu.memory_space<hbm>>
        %dma_wait3A_58 = tpu.memref_slice %arg4[%add3A_48] : memref<344064xi32, #tpu.memory_space<hbm>> -> memref<128xi32, #tpu.memory_space<hbm>>
        tpu.wait_dma2 semaphore(%run_scoped3A : memref<!tpu.dma_semaphore, #tpu.memory_space<semaphore_mem>>) src(%dma_wait3A_58 : memref<128xi32, #tpu.memory_space<hbm>>) dst(%arg9 : memref<128xi32, #tpu.memory_space<vmem>>)
        tpu.yield
      }) : () -> ()
      "tpu.region"() ({
        %run_scoped3A = tpu.sem_alloc : memref<!tpu.dma_semaphore, #tpu.memory_space<semaphore_mem>>
        %dma_start3A = arith.constant 0 : i32
        %dma_start3A_57 = arith.constant 0 : i32
        %dma_start3A_58 = tpu.memref_slice %arg2[%dma_start3A, %dma_start3A_57] : memref<10000x128xf32, #tpu.memory_space<hbm>> -> memref<10000x128xf32, #tpu.memory_space<hbm>>
        tpu.enqueue_indirect_dma source(%dma_start3A_58 : memref<10000x128xf32, #tpu.memory_space<hbm>>) target(%arg11 : memref<128x128xf32, #tpu.memory_space<vmem>>) offsets(%arg8 : memref<128xi32, #tpu.memory_space<vmem>>) semaphore(%run_scoped3A : memref<!tpu.dma_semaphore, #tpu.memory_space<semaphore_mem>>)
        %dma_wait3A = arith.constant 0 : i32
        %dma_wait3A_59 = arith.constant 0 : i32
        %dma_wait3A_60 = tpu.memref_slice %arg2[%dma_wait3A, %dma_wait3A_59] : memref<10000x128xf32, #tpu.memory_space<hbm>> -> memref<10000x128xf32, #tpu.memory_space<hbm>>
        tpu.wait_indirect_dma semaphore(%run_scoped3A : memref<!tpu.dma_semaphore, #tpu.memory_space<semaphore_mem>>) src(%dma_wait3A_60 : memref<10000x128xf32, #tpu.memory_space<hbm>>) dst(%arg11 : memref<128x128xf32, #tpu.memory_space<vmem>>)
        tpu.yield
      }) : () -> ()
      %scan3A_51 = arith.constant 0 : i32
      %scan3A_52 = arith.constant 0 : i32
      %scan3A_53 = arith.constant 128 : i32
      %scan3A_54 = arith.addi %scan3A_52, %scan3A_53 : i32
      %scan3A_55 = arith.constant 1 : i32
      scf.for %scan3A_57 = %scan3A_52 to %scan3A_54 step %scan3A_55  : i32 {
        %mul3A_58 = arith.constant 16 : i32
        %mul3A_59 = arith.muli %scan3A_57, %mul3A_58 : i32
        %get3A = arith.index_cast %mul3A_59 : i32 to index
        %get3A_60 = tpu.vector_load %arg10[%get3A] {strides = array<i32>} : memref<2048xf32, #tpu.memory_space<vmem>>, vector<16xf32>,
        %get3A_61 = vector.shape_cast %get3A_60 : vector<16xf32> to vector<16xf32>
        %get3A_62 = arith.index_cast %scan3A_57 : i32 to index
        %get3A_63 = arith.constant 0 : index
        %get3A_64 = tpu.vector_load %arg11[%get3A_62, %get3A_63] {strides = array<i32>} : memref<128x128xf32, #tpu.memory_space<vmem>>, vector<1x16xf32>,
        %get3A_65 = vector.shape_cast %get3A_64 : vector<1x16xf32> to vector<16xf32>
        %mul3A_66 = arith.mulf %get3A_65, %get3A_61 : vector<16xf32>
        %swap3A = arith.index_cast %scan3A_57 : i32 to index
        %swap3A_67 = arith.constant 0 : index
        %swap3A_68 = tpu.vector_load %arg11[%swap3A, %swap3A_67] {strides = array<i32>} : memref<128x128xf32, #tpu.memory_space<vmem>>, vector<1x16xf32>,
        %swap3A_69 = vector.shape_cast %swap3A_68 : vector<1x16xf32> to vector<16xf32>
        %swap3A_70 = vector.shape_cast %mul3A_66 : vector<16xf32> to vector<1x16xf32>
        tpu.vector_store %arg11[%swap3A, %swap3A_67], %swap3A_70 {strides = array<i32>} : memref<128x128xf32, #tpu.memory_space<vmem>>, vector<1x16xf32>,
        %get3A_71 = arith.index_cast %scan3A_57 : i32 to index
        %get3A_72 = arith.constant 16 : index
        %get3A_73 = tpu.vector_load %arg11[%get3A_71, %get3A_72] {strides = array<i32>} : memref<128x128xf32, #tpu.memory_space<vmem>>, vector<1x16xf32>,
        %get3A_74 = vector.shape_cast %get3A_73 : vector<1x16xf32> to vector<16xf32>
        %mul3A_75 = arith.mulf %get3A_74, %get3A_61 : vector<16xf32>
        %swap3A_76 = arith.index_cast %scan3A_57 : i32 to index
        %swap3A_77 = arith.constant 16 : index
        %swap3A_78 = tpu.vector_load %arg11[%swap3A_76, %swap3A_77] {strides = array<i32>} : memref<128x128xf32, #tpu.memory_space<vmem>>, vector<1x16xf32>,
        %swap3A_79 = vector.shape_cast %swap3A_78 : vector<1x16xf32> to vector<16xf32>
        %swap3A_80 = vector.shape_cast %mul3A_75 : vector<16xf32> to vector<1x16xf32>
        tpu.vector_store %arg11[%swap3A_76, %swap3A_77], %swap3A_80 {strides = array<i32>} : memref<128x128xf32, #tpu.memory_space<vmem>>, vector<1x16xf32>,
        %get3A_81 = arith.index_cast %scan3A_57 : i32 to index
        %get3A_82 = arith.constant 32 : index
        %get3A_83 = tpu.vector_load %arg11[%get3A_81, %get3A_82] {strides = array<i32>} : memref<128x128xf32, #tpu.memory_space<vmem>>, vector<1x16xf32>,
        %get3A_84 = vector.shape_cast %get3A_83 : vector<1x16xf32> to vector<16xf32>
        %mul3A_85 = arith.mulf %get3A_84, %get3A_61 : vector<16xf32>
        %swap3A_86 = arith.index_cast %scan3A_57 : i32 to index
        %swap3A_87 = arith.constant 32 : index
        %swap3A_88 = tpu.vector_load %arg11[%swap3A_86, %swap3A_87] {strides = array<i32>} : memref<128x128xf32, #tpu.memory_space<vmem>>, vector<1x16xf32>,
        %swap3A_89 = vector.shape_cast %swap3A_88 : vector<1x16xf32> to vector<16xf32>
        %swap3A_90 = vector.shape_cast %mul3A_85 : vector<16xf32> to vector<1x16xf32>
        tpu.vector_store %arg11[%swap3A_86, %swap3A_87], %swap3A_90 {strides = array<i32>} : memref<128x128xf32, #tpu.memory_space<vmem>>, vector<1x16xf32>,
        %get3A_91 = arith.index_cast %scan3A_57 : i32 to index
        %get3A_92 = arith.constant 48 : index
        %get3A_93 = tpu.vector_load %arg11[%get3A_91, %get3A_92] {strides = array<i32>} : memref<128x128xf32, #tpu.memory_space<vmem>>, vector<1x16xf32>,
        %get3A_94 = vector.shape_cast %get3A_93 : vector<1x16xf32> to vector<16xf32>
        %mul3A_95 = arith.mulf %get3A_94, %get3A_61 : vector<16xf32>
        %swap3A_96 = arith.index_cast %scan3A_57 : i32 to index
        %swap3A_97 = arith.constant 48 : index
        %swap3A_98 = tpu.vector_load %arg11[%swap3A_96, %swap3A_97] {strides = array<i32>} : memref<128x128xf32, #tpu.memory_space<vmem>>, vector<1x16xf32>,
        %swap3A_99 = vector.shape_cast %swap3A_98 : vector<1x16xf32> to vector<16xf32>
        %swap3A_100 = vector.shape_cast %mul3A_95 : vector<16xf32> to vector<1x16xf32>
        tpu.vector_store %arg11[%swap3A_96, %swap3A_97], %swap3A_100 {strides = array<i32>} : memref<128x128xf32, #tpu.memory_space<vmem>>, vector<1x16xf32>,
        %get3A_101 = arith.index_cast %scan3A_57 : i32 to index
        %get3A_102 = arith.constant 64 : index
        %get3A_103 = tpu.vector_load %arg11[%get3A_101, %get3A_102] {strides = array<i32>} : memref<128x128xf32, #tpu.memory_space<vmem>>, vector<1x16xf32>,
        %get3A_104 = vector.shape_cast %get3A_103 : vector<1x16xf32> to vector<16xf32>
        %mul3A_105 = arith.mulf %get3A_104, %get3A_61 : vector<16xf32>
        %swap3A_106 = arith.index_cast %scan3A_57 : i32 to index
        %swap3A_107 = arith.constant 64 : index
        %swap3A_108 = tpu.vector_load %arg11[%swap3A_106, %swap3A_107] {strides = array<i32>} : memref<128x128xf32, #tpu.memory_space<vmem>>, vector<1x16xf32>,
        %swap3A_109 = vector.shape_cast %swap3A_108 : vector<1x16xf32> to vector<16xf32>
        %swap3A_110 = vector.shape_cast %mul3A_105 : vector<16xf32> to vector<1x16xf32>
        tpu.vector_store %arg11[%swap3A_106, %swap3A_107], %swap3A_110 {strides = array<i32>} : memref<128x128xf32, #tpu.memory_space<vmem>>, vector<1x16xf32>,
        %get3A_111 = arith.index_cast %scan3A_57 : i32 to index
        %get3A_112 = arith.constant 80 : index
        %get3A_113 = tpu.vector_load %arg11[%get3A_111, %get3A_112] {strides = array<i32>} : memref<128x128xf32, #tpu.memory_space<vmem>>, vector<1x16xf32>,
        %get3A_114 = vector.shape_cast %get3A_113 : vector<1x16xf32> to vector<16xf32>
        %mul3A_115 = arith.mulf %get3A_114, %get3A_61 : vector<16xf32>
        %swap3A_116 = arith.index_cast %scan3A_57 : i32 to index
        %swap3A_117 = arith.constant 80 : index
        %swap3A_118 = tpu.vector_load %arg11[%swap3A_116, %swap3A_117] {strides = array<i32>} : memref<128x128xf32, #tpu.memory_space<vmem>>, vector<1x16xf32>,
        %swap3A_119 = vector.shape_cast %swap3A_118 : vector<1x16xf32> to vector<16xf32>
        %swap3A_120 = vector.shape_cast %mul3A_115 : vector<16xf32> to vector<1x16xf32>
        tpu.vector_store %arg11[%swap3A_116, %swap3A_117], %swap3A_120 {strides = array<i32>} : memref<128x128xf32, #tpu.memory_space<vmem>>, vector<1x16xf32>,
        %get3A_121 = arith.index_cast %scan3A_57 : i32 to index
        %get3A_122 = arith.constant 96 : index
        %get3A_123 = tpu.vector_load %arg11[%get3A_121, %get3A_122] {strides = array<i32>} : memref<128x128xf32, #tpu.memory_space<vmem>>, vector<1x16xf32>,
        %get3A_124 = vector.shape_cast %get3A_123 : vector<1x16xf32> to vector<16xf32>
        %mul3A_125 = arith.mulf %get3A_124, %get3A_61 : vector<16xf32>
        %swap3A_126 = arith.index_cast %scan3A_57 : i32 to index
        %swap3A_127 = arith.constant 96 : index
        %swap3A_128 = tpu.vector_load %arg11[%swap3A_126, %swap3A_127] {strides = array<i32>} : memref<128x128xf32, #tpu.memory_space<vmem>>, vector<1x16xf32>,
        %swap3A_129 = vector.shape_cast %swap3A_128 : vector<1x16xf32> to vector<16xf32>
        %swap3A_130 = vector.shape_cast %mul3A_125 : vector<16xf32> to vector<1x16xf32>
        tpu.vector_store %arg11[%swap3A_126, %swap3A_127], %swap3A_130 {strides = array<i32>} : memref<128x128xf32, #tpu.memory_space<vmem>>, vector<1x16xf32>,
        %get3A_131 = arith.index_cast %scan3A_57 : i32 to index
        %get3A_132 = arith.constant 112 : index
        %get3A_133 = tpu.vector_load %arg11[%get3A_131, %get3A_132] {strides = array<i32>} : memref<128x128xf32, #tpu.memory_space<vmem>>, vector<1x16xf32>,
        %get3A_134 = vector.shape_cast %get3A_133 : vector<1x16xf32> to vector<16xf32>
        %mul3A_135 = arith.mulf %get3A_134, %get3A_61 : vector<16xf32>
        %swap3A_136 = arith.index_cast %scan3A_57 : i32 to index
        %swap3A_137 = arith.constant 112 : index
        %swap3A_138 = tpu.vector_load %arg11[%swap3A_136, %swap3A_137] {strides = array<i32>} : memref<128x128xf32, #tpu.memory_space<vmem>>, vector<1x16xf32>,
        %swap3A_139 = vector.shape_cast %swap3A_138 : vector<1x16xf32> to vector<16xf32>
        %swap3A_140 = vector.shape_cast %mul3A_135 : vector<16xf32> to vector<1x16xf32>
        tpu.vector_store %arg11[%swap3A_136, %swap3A_137], %swap3A_140 {strides = array<i32>} : memref<128x128xf32, #tpu.memory_space<vmem>>, vector<1x16xf32>,
      }
      %scan3A_56 = arith.constant 128 : i32
      "tpu.region"() ({
        %run_scoped3A = tpu.sem_alloc : memref<!tpu.dma_semaphore, #tpu.memory_space<semaphore_mem>>
        %dma_start3A = arith.constant 0 : i32
        %dma_start3A_57 = arith.constant 0 : i32
        %dma_start3A_58 = tpu.memref_slice %arg7[%dma_start3A, %dma_start3A_57] : memref<10000x128xf32, #tpu.memory_space<vmem_shared>> -> memref<10000x128xf32, #tpu.memory_space<vmem_shared>>
        tpu.enqueue_indirect_dma source(%arg11 : memref<128x128xf32, #tpu.memory_space<vmem>>) target(%dma_start3A_58 : memref<10000x128xf32, #tpu.memory_space<vmem_shared>>) offsets(%arg9 : memref<128xi32, #tpu.memory_space<vmem>>) semaphore(%run_scoped3A : memref<!tpu.dma_semaphore, #tpu.memory_space<semaphore_mem>>) {add = true}
        %dma_wait3A = arith.constant 0 : i32
        %dma_wait3A_59 = arith.constant 0 : i32
        %dma_wait3A_60 = tpu.memref_slice %arg7[%dma_wait3A, %dma_wait3A_59] : memref<10000x128xf32, #tpu.memory_space<vmem_shared>> -> memref<10000x128xf32, #tpu.memory_space<vmem_shared>>
        tpu.wait_indirect_dma semaphore(%run_scoped3A : memref<!tpu.dma_semaphore, #tpu.memory_space<semaphore_mem>>) src(%arg11 : memref<128x128xf32, #tpu.memory_space<vmem>>) dst(%dma_wait3A_60 : memref<10000x128xf32, #tpu.memory_space<vmem_shared>>)
        tpu.yield
      }) : () -> ()
    }
    %scan3A_38 = arith.constant 84 : i32
    %barrier3A_39 = arith.constant 0 : index
    tpu.barrier barrier_id(%barrier3A_39)
    "tpu.region"() ({
      %run_scoped3A = tpu.sem_alloc : memref<!tpu.dma_semaphore, #tpu.memory_space<semaphore_mem>>
      %dma_start3A = arith.constant 0 : i32
      %dma_start3A_45 = tpu.memref_slice %arg6[%arg0, %mul3A_6, %dma_start3A] : memref<2x10000x128xf32, #tpu.memory_space<hbm>> -> memref<1x624x128xf32, #tpu.memory_space<hbm>>
      %dma_start3A_46 = tpu.memref_squeeze %dma_start3A_45 : memref<1x624x128xf32, #tpu.memory_space<hbm>> -> memref<624x128xf32, #tpu.memory_space<hbm>>
      %dma_start3A_47 = arith.constant 0 : i32
      %dma_start3A_48 = tpu.memref_slice %arg7[%mul3A_6, %dma_start3A_47] : memref<10000x128xf32, #tpu.memory_space<vmem_shared>> -> memref<624x128xf32, #tpu.memory_space<vmem_shared>>
      tpu.enqueue_dma source(%dma_start3A_48 : memref<624x128xf32, #tpu.memory_space<vmem_shared>>) target(%dma_start3A_46 : memref<624x128xf32, #tpu.memory_space<hbm>>) target_semaphore(%run_scoped3A : memref<!tpu.dma_semaphore, #tpu.memory_space<semaphore_mem>>)
      %dma_wait3A = arith.constant 0 : i32
      %dma_wait3A_49 = tpu.memref_slice %arg6[%arg0, %mul3A_6, %dma_wait3A] : memref<2x10000x128xf32, #tpu.memory_space<hbm>> -> memref<1x624x128xf32, #tpu.memory_space<hbm>>
      %dma_wait3A_50 = tpu.memref_squeeze %dma_wait3A_49 : memref<1x624x128xf32, #tpu.memory_space<hbm>> -> memref<624x128xf32, #tpu.memory_space<hbm>>
      %dma_wait3A_51 = arith.constant 0 : i32
      %dma_wait3A_52 = tpu.memref_slice %arg7[%mul3A_6, %dma_wait3A_51] : memref<10000x128xf32, #tpu.memory_space<vmem_shared>> -> memref<624x128xf32, #tpu.memory_space<vmem_shared>>
      tpu.wait_dma2 semaphore(%run_scoped3A : memref<!tpu.dma_semaphore, #tpu.memory_space<semaphore_mem>>) src(%dma_wait3A_52 : memref<624x128xf32, #tpu.memory_space<vmem_shared>>) dst(%dma_wait3A_50 : memref<624x128xf32, #tpu.memory_space<hbm>>)
      tpu.yield
    }) : () -> ()
    %eq3A_40 = arith.constant 15 : i32
    %eq3A_41 = arith.cmpi eq, %arg1, %eq3A_40 : i32
    %convert_element_type3A_42 = arith.extui %eq3A_41 : i1 to i32
    %cond3A_43 = arith.constant 0 : i32
    %cond3A_44 = arith.cmpi ne, %convert_element_type3A_42, %cond3A_43 : i32
    scf.if %cond3A_44 {
      "tpu.region"() ({
        %run_scoped3A = tpu.sem_alloc : memref<!tpu.dma_semaphore, #tpu.memory_space<semaphore_mem>>
        %dma_start3A = arith.constant 9984 : i32
        %dma_start3A_45 = arith.constant 0 : i32
        %dma_start3A_46 = tpu.memref_slice %arg6[%arg0, %dma_start3A, %dma_start3A_45] : memref<2x10000x128xf32, #tpu.memory_space<hbm>> -> memref<1x16x128xf32, #tpu.memory_space<hbm>>
        %dma_start3A_47 = tpu.memref_squeeze %dma_start3A_46 : memref<1x16x128xf32, #tpu.memory_space<hbm>> -> memref<16x128xf32, #tpu.memory_space<hbm>>
        %dma_start3A_48 = arith.constant 9984 : i32
        %dma_start3A_49 = arith.constant 0 : i32
        %dma_start3A_50 = tpu.memref_slice %arg7[%dma_start3A_48, %dma_start3A_49] : memref<10000x128xf32, #tpu.memory_space<vmem_shared>> -> memref<16x128xf32, #tpu.memory_space<vmem_shared>>
        tpu.enqueue_dma source(%dma_start3A_50 : memref<16x128xf32, #tpu.memory_space<vmem_shared>>) target(%dma_start3A_47 : memref<16x128xf32, #tpu.memory_space<hbm>>) target_semaphore(%run_scoped3A : memref<!tpu.dma_semaphore, #tpu.memory_space<semaphore_mem>>)
        %dma_wait3A = arith.constant 9984 : i32
        %dma_wait3A_51 = arith.constant 0 : i32
        %dma_wait3A_52 = tpu.memref_slice %arg6[%arg0, %dma_wait3A, %dma_wait3A_51] : memref<2x10000x128xf32, #tpu.memory_space<hbm>> -> memref<1x16x128xf32, #tpu.memory_space<hbm>>
        %dma_wait3A_53 = tpu.memref_squeeze %dma_wait3A_52 : memref<1x16x128xf32, #tpu.memory_space<hbm>> -> memref<16x128xf32, #tpu.memory_space<hbm>>
        %dma_wait3A_54 = arith.constant 9984 : i32
        %dma_wait3A_55 = arith.constant 0 : i32
        %dma_wait3A_56 = tpu.memref_slice %arg7[%dma_wait3A_54, %dma_wait3A_55] : memref<10000x128xf32, #tpu.memory_space<vmem_shared>> -> memref<16x128xf32, #tpu.memory_space<vmem_shared>>
        tpu.wait_dma2 semaphore(%run_scoped3A : memref<!tpu.dma_semaphore, #tpu.memory_space<semaphore_mem>>) src(%dma_wait3A_56 : memref<16x128xf32, #tpu.memory_space<vmem_shared>>) dst(%dma_wait3A_53 : memref<16x128xf32, #tpu.memory_space<hbm>>)
        tpu.yield
      }) : () -> ()
    } else {
    }
    return
  }
}

#map = affine_map<(d0, d1) -> (0)>
#map1 = affine_map<(d0, d1) -> (0, 0)>
module attributes {stable_mosaic.version = 14 : i64} {
  func.func @_sc_deg_body(%arg0: i32, %arg1: i32, %arg2: memref<344064xi32, #tpu.memory_space<hbm>>, %arg3: memref<344064xf32, #tpu.memory_space<hbm>>, %arg4: memref<2x10240xf32, #tpu.memory_space<hbm>>, %arg5: memref<10240xf32, #tpu.memory_space<vmem_shared>>, %arg6: memref<640xf32, #tpu.memory_space<vmem>>, %arg7: memref<128xi32, #tpu.memory_space<vmem>>, %arg8: memref<128xf32, #tpu.memory_space<vmem>>) attributes {dimension_semantics = [#tpu.dimension_semantics<core_parallel>, #tpu.dimension_semantics<subcore_parallel>], iteration_bounds = array<i64: 2, 16>, scalar_prefetch = 0 : i64, scratch_operands = 4 : i64, tpu.core_type = #tpu.core_type<sc_vector_subcore>, window_params = [{transform_indices = #map}, {transform_indices = #map}, {transform_indices = #map1}]} {
    %broadcast_in_dim3A = arith.constant 0.000000e+00 : f32
    %broadcast_in_dim3A_0 = vector.broadcast %broadcast_in_dim3A : f32 to vector<16xf32>
    %scan3A = arith.constant 0 : i32
    %scan3A_1 = arith.constant 0 : i32
    %scan3A_2 = arith.constant 40 : i32
    %scan3A_3 = arith.addi %scan3A_1, %scan3A_2 : i32
    %scan3A_4 = arith.constant 1 : i32
    scf.for %scan3A_18 = %scan3A_1 to %scan3A_3 step %scan3A_4  : i32 {
      %mul3A_19 = arith.constant 16 : i32
      %mul3A_20 = arith.muli %scan3A_18, %mul3A_19 : i32
      %swap3A = arith.index_cast %mul3A_20 : i32 to index
      %swap3A_21 = tpu.vector_load %arg6[%swap3A] {strides = array<i32>} : memref<640xf32, #tpu.memory_space<vmem>>, vector<16xf32>,
      %swap3A_22 = vector.shape_cast %swap3A_21 : vector<16xf32> to vector<16xf32>
      %swap3A_23 = vector.shape_cast %broadcast_in_dim3A_0 : vector<16xf32> to vector<16xf32>
      tpu.vector_store %arg6[%swap3A], %swap3A_23 {strides = array<i32>} : memref<640xf32, #tpu.memory_space<vmem>>, vector<16xf32>,
    }
    %scan3A_5 = arith.constant 40 : i32
    %mul3A = arith.constant 640 : i32
    %mul3A_6 = arith.muli %arg1, %mul3A : i32
    "tpu.region"() ({
      %run_scoped3A = tpu.sem_alloc : memref<!tpu.dma_semaphore, #tpu.memory_space<semaphore_mem>>
      %dma_start3A = tpu.memref_slice %arg5[%mul3A_6] : memref<10240xf32, #tpu.memory_space<vmem_shared>> -> memref<640xf32, #tpu.memory_space<vmem_shared>>
      %dma_start3A_18 = tpu.memref_slice %arg5[%mul3A_6] : memref<10240xf32, #tpu.memory_space<vmem_shared>> -> memref<640xf32, #tpu.memory_space<vmem_shared>>
      tpu.enqueue_dma source(%arg6 : memref<640xf32, #tpu.memory_space<vmem>>) target(%dma_start3A_18 : memref<640xf32, #tpu.memory_space<vmem_shared>>) target_semaphore(%run_scoped3A : memref<!tpu.dma_semaphore, #tpu.memory_space<semaphore_mem>>)
      %dma_wait3A = tpu.memref_slice %arg5[%mul3A_6] : memref<10240xf32, #tpu.memory_space<vmem_shared>> -> memref<640xf32, #tpu.memory_space<vmem_shared>>
      %dma_wait3A_19 = tpu.memref_slice %arg5[%mul3A_6] : memref<10240xf32, #tpu.memory_space<vmem_shared>> -> memref<640xf32, #tpu.memory_space<vmem_shared>>
      tpu.wait_dma2 semaphore(%run_scoped3A : memref<!tpu.dma_semaphore, #tpu.memory_space<semaphore_mem>>) src(%arg6 : memref<640xf32, #tpu.memory_space<vmem>>) dst(%dma_wait3A_19 : memref<640xf32, #tpu.memory_space<vmem_shared>>)
      tpu.yield
    }) : () -> ()
    %barrier3A = arith.constant 0 : index
    tpu.barrier barrier_id(%barrier3A)
    %mul3A_7 = arith.constant 16 : i32
    %mul3A_8 = arith.muli %arg0, %mul3A_7 : i32
    %add3A = arith.addi %mul3A_8, %arg1 : i32
    %mul3A_9 = arith.constant 10752 : i32
    %mul3A_10 = arith.muli %add3A, %mul3A_9 : i32
    %scan3A_11 = arith.constant 0 : i32
    %scan3A_12 = arith.constant 0 : i32
    %scan3A_13 = arith.constant 84 : i32
    %scan3A_14 = arith.addi %scan3A_12, %scan3A_13 : i32
    %scan3A_15 = arith.constant 1 : i32
    scf.for %scan3A_18 = %scan3A_12 to %scan3A_14 step %scan3A_15  : i32 {
      %mul3A_19 = arith.constant 128 : i32
      %mul3A_20 = arith.muli %scan3A_18, %mul3A_19 : i32
      %add3A_21 = arith.addi %mul3A_10, %mul3A_20 : i32
      "tpu.region"() ({
        %run_scoped3A = tpu.sem_alloc : memref<!tpu.dma_semaphore, #tpu.memory_space<semaphore_mem>>
        %dma_start3A = tpu.memref_slice %arg2[%add3A_21] : memref<344064xi32, #tpu.memory_space<hbm>> -> memref<128xi32, #tpu.memory_space<hbm>>
        %dma_start3A_22 = tpu.memref_slice %arg2[%add3A_21] : memref<344064xi32, #tpu.memory_space<hbm>> -> memref<128xi32, #tpu.memory_space<hbm>>
        tpu.enqueue_dma source(%dma_start3A_22 : memref<128xi32, #tpu.memory_space<hbm>>) target(%arg7 : memref<128xi32, #tpu.memory_space<vmem>>) target_semaphore(%run_scoped3A : memref<!tpu.dma_semaphore, #tpu.memory_space<semaphore_mem>>)
        %dma_wait3A = tpu.memref_slice %arg2[%add3A_21] : memref<344064xi32, #tpu.memory_space<hbm>> -> memref<128xi32, #tpu.memory_space<hbm>>
        %dma_wait3A_23 = tpu.memref_slice %arg2[%add3A_21] : memref<344064xi32, #tpu.memory_space<hbm>> -> memref<128xi32, #tpu.memory_space<hbm>>
        tpu.wait_dma2 semaphore(%run_scoped3A : memref<!tpu.dma_semaphore, #tpu.memory_space<semaphore_mem>>) src(%dma_wait3A_23 : memref<128xi32, #tpu.memory_space<hbm>>) dst(%arg7 : memref<128xi32, #tpu.memory_space<vmem>>)
        tpu.yield
      }) : () -> ()
      "tpu.region"() ({
        %run_scoped3A = tpu.sem_alloc : memref<!tpu.dma_semaphore, #tpu.memory_space<semaphore_mem>>
        %dma_start3A = tpu.memref_slice %arg3[%add3A_21] : memref<344064xf32, #tpu.memory_space<hbm>> -> memref<128xf32, #tpu.memory_space<hbm>>
        %dma_start3A_22 = tpu.memref_slice %arg3[%add3A_21] : memref<344064xf32, #tpu.memory_space<hbm>> -> memref<128xf32, #tpu.memory_space<hbm>>
        tpu.enqueue_dma source(%dma_start3A_22 : memref<128xf32, #tpu.memory_space<hbm>>) target(%arg8 : memref<128xf32, #tpu.memory_space<vmem>>) target_semaphore(%run_scoped3A : memref<!tpu.dma_semaphore, #tpu.memory_space<semaphore_mem>>)
        %dma_wait3A = tpu.memref_slice %arg3[%add3A_21] : memref<344064xf32, #tpu.memory_space<hbm>> -> memref<128xf32, #tpu.memory_space<hbm>>
        %dma_wait3A_23 = tpu.memref_slice %arg3[%add3A_21] : memref<344064xf32, #tpu.memory_space<hbm>> -> memref<128xf32, #tpu.memory_space<hbm>>
        tpu.wait_dma2 semaphore(%run_scoped3A : memref<!tpu.dma_semaphore, #tpu.memory_space<semaphore_mem>>) src(%dma_wait3A_23 : memref<128xf32, #tpu.memory_space<hbm>>) dst(%arg8 : memref<128xf32, #tpu.memory_space<vmem>>)
        tpu.yield
      }) : () -> ()
      "tpu.region"() ({
        %run_scoped3A = tpu.sem_alloc : memref<!tpu.dma_semaphore, #tpu.memory_space<semaphore_mem>>
        %dma_start3A = arith.constant 0 : i32
        %dma_start3A_22 = tpu.memref_slice %arg5[%dma_start3A] : memref<10240xf32, #tpu.memory_space<vmem_shared>> -> memref<10240xf32, #tpu.memory_space<vmem_shared>>
        tpu.enqueue_indirect_dma source(%arg8 : memref<128xf32, #tpu.memory_space<vmem>>) target(%dma_start3A_22 : memref<10240xf32, #tpu.memory_space<vmem_shared>>) offsets(%arg7 : memref<128xi32, #tpu.memory_space<vmem>>) semaphore(%run_scoped3A : memref<!tpu.dma_semaphore, #tpu.memory_space<semaphore_mem>>) {add = true}
        %dma_wait3A = arith.constant 0 : i32
        %dma_wait3A_23 = tpu.memref_slice %arg5[%dma_wait3A] : memref<10240xf32, #tpu.memory_space<vmem_shared>> -> memref<10240xf32, #tpu.memory_space<vmem_shared>>
        tpu.wait_indirect_dma semaphore(%run_scoped3A : memref<!tpu.dma_semaphore, #tpu.memory_space<semaphore_mem>>) src(%arg8 : memref<128xf32, #tpu.memory_space<vmem>>) dst(%dma_wait3A_23 : memref<10240xf32, #tpu.memory_space<vmem_shared>>)
        tpu.yield
      }) : () -> ()
    }
    %scan3A_16 = arith.constant 84 : i32
    %barrier3A_17 = arith.constant 0 : index
    tpu.barrier barrier_id(%barrier3A_17)
    "tpu.region"() ({
      %run_scoped3A = tpu.sem_alloc : memref<!tpu.dma_semaphore, #tpu.memory_space<semaphore_mem>>
      %dma_start3A = tpu.memref_slice %arg4[%arg0, %mul3A_6] : memref<2x10240xf32, #tpu.memory_space<hbm>> -> memref<1x640xf32, #tpu.memory_space<hbm>>
      %dma_start3A_18 = tpu.memref_squeeze %dma_start3A : memref<1x640xf32, #tpu.memory_space<hbm>> -> memref<640xf32, #tpu.memory_space<hbm>>
      %dma_start3A_19 = tpu.memref_slice %arg5[%mul3A_6] : memref<10240xf32, #tpu.memory_space<vmem_shared>> -> memref<640xf32, #tpu.memory_space<vmem_shared>>
      tpu.enqueue_dma source(%dma_start3A_19 : memref<640xf32, #tpu.memory_space<vmem_shared>>) target(%dma_start3A_18 : memref<640xf32, #tpu.memory_space<hbm>>) target_semaphore(%run_scoped3A : memref<!tpu.dma_semaphore, #tpu.memory_space<semaphore_mem>>)
      %dma_wait3A = tpu.memref_slice %arg4[%arg0, %mul3A_6] : memref<2x10240xf32, #tpu.memory_space<hbm>> -> memref<1x640xf32, #tpu.memory_space<hbm>>
      %dma_wait3A_20 = tpu.memref_squeeze %dma_wait3A : memref<1x640xf32, #tpu.memory_space<hbm>> -> memref<640xf32, #tpu.memory_space<hbm>>
      %dma_wait3A_21 = tpu.memref_slice %arg5[%mul3A_6] : memref<10240xf32, #tpu.memory_space<vmem_shared>> -> memref<640xf32, #tpu.memory_space<vmem_shared>>
      tpu.wait_dma2 semaphore(%run_scoped3A : memref<!tpu.dma_semaphore, #tpu.memory_space<semaphore_mem>>) src(%dma_wait3A_21 : memref<640xf32, #tpu.memory_space<vmem_shared>>) dst(%dma_wait3A_20 : memref<640xf32, #tpu.memory_space<hbm>>)
      tpu.yield
    }) : () -> ()
    return
  }
}

#map = affine_map<(d0, d1) -> (0, 0)>
#map1 = affine_map<(d0, d1) -> (0)>
#map2 = affine_map<(d0, d1) -> (0, 0, 0)>
module attributes {stable_mosaic.version = 14 : i64} {
  func.func @_sc_scatter_body(%arg0: i32, %arg1: i32, %arg2: memref<10000x128xf32, #tpu.memory_space<hbm>>, %arg3: memref<344064xi32, #tpu.memory_space<hbm>>, %arg4: memref<344064xi32, #tpu.memory_space<hbm>>, %arg5: memref<5505024xf32, #tpu.memory_space<hbm>>, %arg6: memref<2x10000x128xf32, #tpu.memory_space<hbm>>, %arg7: memref<10000x128xf32, #tpu.memory_space<vmem_shared>>, %arg8: memref<128xi32, #tpu.memory_space<vmem>>, %arg9: memref<128xi32, #tpu.memory_space<vmem>>, %arg10: memref<2048xf32, #tpu.memory_space<vmem>>, %arg11: memref<128x128xf32, #tpu.memory_space<vmem>>, %arg12: memref<64x128xf32, #tpu.memory_space<vmem>>) attributes {dimension_semantics = [#tpu.dimension_semantics<core_parallel>, #tpu.dimension_semantics<subcore_parallel>], iteration_bounds = array<i64: 2, 16>, scalar_prefetch = 0 : i64, scratch_operands = 6 : i64, tpu.core_type = #tpu.core_type<sc_vector_subcore>, window_params = [{transform_indices = #map}, {transform_indices = #map1}, {transform_indices = #map1}, {transform_indices = #map1}, {transform_indices = #map2}]} {
    %broadcast_in_dim3A = arith.constant 0.000000e+00 : f32
    %broadcast_in_dim3A_0 = vector.broadcast %broadcast_in_dim3A : f32 to vector<16xf32>
    %scan3A = arith.constant 0 : i32
    %scan3A_1 = arith.constant 0 : i32
    %scan3A_2 = arith.constant 64 : i32
    %scan3A_3 = arith.addi %scan3A_1, %scan3A_2 : i32
    %scan3A_4 = arith.constant 1 : i32
    scf.for %scan3A_45 = %scan3A_1 to %scan3A_3 step %scan3A_4  : i32 {
      %swap3A = arith.index_cast %scan3A_45 : i32 to index
      %swap3A_46 = arith.constant 0 : index
      %swap3A_47 = tpu.vector_load %arg12[%swap3A, %swap3A_46] {strides = array<i32>} : memref<64x128xf32, #tpu.memory_space<vmem>>, vector<1x16xf32>,
      %swap3A_48 = vector.shape_cast %swap3A_47 : vector<1x16xf32> to vector<16xf32>
      %swap3A_49 = vector.shape_cast %broadcast_in_dim3A_0 : vector<16xf32> to vector<1x16xf32>
      tpu.vector_store %arg12[%swap3A, %swap3A_46], %swap3A_49 {strides = array<i32>} : memref<64x128xf32, #tpu.memory_space<vmem>>, vector<1x16xf32>,
      %swap3A_50 = arith.index_cast %scan3A_45 : i32 to index
      %swap3A_51 = arith.constant 16 : index
      %swap3A_52 = tpu.vector_load %arg12[%swap3A_50, %swap3A_51] {strides = array<i32>} : memref<64x128xf32, #tpu.memory_space<vmem>>, vector<1x16xf32>,
      %swap3A_53 = vector.shape_cast %swap3A_52 : vector<1x16xf32> to vector<16xf32>
      %swap3A_54 = vector.shape_cast %broadcast_in_dim3A_0 : vector<16xf32> to vector<1x16xf32>
      tpu.vector_store %arg12[%swap3A_50, %swap3A_51], %swap3A_54 {strides = array<i32>} : memref<64x128xf32, #tpu.memory_space<vmem>>, vector<1x16xf32>,
      %swap3A_55 = arith.index_cast %scan3A_45 : i32 to index
      %swap3A_56 = arith.constant 32 : index
      %swap3A_57 = tpu.vector_load %arg12[%swap3A_55, %swap3A_56] {strides = array<i32>} : memref<64x128xf32, #tpu.memory_space<vmem>>, vector<1x16xf32>,
      %swap3A_58 = vector.shape_cast %swap3A_57 : vector<1x16xf32> to vector<16xf32>
      %swap3A_59 = vector.shape_cast %broadcast_in_dim3A_0 : vector<16xf32> to vector<1x16xf32>
      tpu.vector_store %arg12[%swap3A_55, %swap3A_56], %swap3A_59 {strides = array<i32>} : memref<64x128xf32, #tpu.memory_space<vmem>>, vector<1x16xf32>,
      %swap3A_60 = arith.index_cast %scan3A_45 : i32 to index
      %swap3A_61 = arith.constant 48 : index
      %swap3A_62 = tpu.vector_load %arg12[%swap3A_60, %swap3A_61] {strides = array<i32>} : memref<64x128xf32, #tpu.memory_space<vmem>>, vector<1x16xf32>,
      %swap3A_63 = vector.shape_cast %swap3A_62 : vector<1x16xf32> to vector<16xf32>
      %swap3A_64 = vector.shape_cast %broadcast_in_dim3A_0 : vector<16xf32> to vector<1x16xf32>
      tpu.vector_store %arg12[%swap3A_60, %swap3A_61], %swap3A_64 {strides = array<i32>} : memref<64x128xf32, #tpu.memory_space<vmem>>, vector<1x16xf32>,
      %swap3A_65 = arith.index_cast %scan3A_45 : i32 to index
      %swap3A_66 = arith.constant 64 : index
      %swap3A_67 = tpu.vector_load %arg12[%swap3A_65, %swap3A_66] {strides = array<i32>} : memref<64x128xf32, #tpu.memory_space<vmem>>, vector<1x16xf32>,
      %swap3A_68 = vector.shape_cast %swap3A_67 : vector<1x16xf32> to vector<16xf32>
      %swap3A_69 = vector.shape_cast %broadcast_in_dim3A_0 : vector<16xf32> to vector<1x16xf32>
      tpu.vector_store %arg12[%swap3A_65, %swap3A_66], %swap3A_69 {strides = array<i32>} : memref<64x128xf32, #tpu.memory_space<vmem>>, vector<1x16xf32>,
      %swap3A_70 = arith.index_cast %scan3A_45 : i32 to index
      %swap3A_71 = arith.constant 80 : index
      %swap3A_72 = tpu.vector_load %arg12[%swap3A_70, %swap3A_71] {strides = array<i32>} : memref<64x128xf32, #tpu.memory_space<vmem>>, vector<1x16xf32>,
      %swap3A_73 = vector.shape_cast %swap3A_72 : vector<1x16xf32> to vector<16xf32>
      %swap3A_74 = vector.shape_cast %broadcast_in_dim3A_0 : vector<16xf32> to vector<1x16xf32>
      tpu.vector_store %arg12[%swap3A_70, %swap3A_71], %swap3A_74 {strides = array<i32>} : memref<64x128xf32, #tpu.memory_space<vmem>>, vector<1x16xf32>,
      %swap3A_75 = arith.index_cast %scan3A_45 : i32 to index
      %swap3A_76 = arith.constant 96 : index
      %swap3A_77 = tpu.vector_load %arg12[%swap3A_75, %swap3A_76] {strides = array<i32>} : memref<64x128xf32, #tpu.memory_space<vmem>>, vector<1x16xf32>,
      %swap3A_78 = vector.shape_cast %swap3A_77 : vector<1x16xf32> to vector<16xf32>
      %swap3A_79 = vector.shape_cast %broadcast_in_dim3A_0 : vector<16xf32> to vector<1x16xf32>
      tpu.vector_store %arg12[%swap3A_75, %swap3A_76], %swap3A_79 {strides = array<i32>} : memref<64x128xf32, #tpu.memory_space<vmem>>, vector<1x16xf32>,
      %swap3A_80 = arith.index_cast %scan3A_45 : i32 to index
      %swap3A_81 = arith.constant 112 : index
      %swap3A_82 = tpu.vector_load %arg12[%swap3A_80, %swap3A_81] {strides = array<i32>} : memref<64x128xf32, #tpu.memory_space<vmem>>, vector<1x16xf32>,
      %swap3A_83 = vector.shape_cast %swap3A_82 : vector<1x16xf32> to vector<16xf32>
      %swap3A_84 = vector.shape_cast %broadcast_in_dim3A_0 : vector<16xf32> to vector<1x16xf32>
      tpu.vector_store %arg12[%swap3A_80, %swap3A_81], %swap3A_84 {strides = array<i32>} : memref<64x128xf32, #tpu.memory_space<vmem>>, vector<1x16xf32>,
    }
    %scan3A_5 = arith.constant 64 : i32
    %mul3A = arith.constant 624 : i32
    %mul3A_6 = arith.muli %arg1, %mul3A : i32
    %add3A = arith.constant 0 : i32
    %add3A_7 = arith.addi %mul3A_6, %add3A : i32
    "tpu.region"() ({
      %run_scoped3A = tpu.sem_alloc : memref<!tpu.dma_semaphore, #tpu.memory_space<semaphore_mem>>
      %dma_start3A = arith.constant 0 : i32
      %dma_start3A_45 = tpu.memref_slice %arg7[%add3A_7, %dma_start3A] : memref<10000x128xf32, #tpu.memory_space<vmem_shared>> -> memref<64x128xf32, #tpu.memory_space<vmem_shared>>
      %dma_start3A_46 = arith.constant 0 : i32
      %dma_start3A_47 = tpu.memref_slice %arg7[%add3A_7, %dma_start3A_46] : memref<10000x128xf32, #tpu.memory_space<vmem_shared>> -> memref<64x128xf32, #tpu.memory_space<vmem_shared>>
      tpu.enqueue_dma source(%arg12 : memref<64x128xf32, #tpu.memory_space<vmem>>) target(%dma_start3A_47 : memref<64x128xf32, #tpu.memory_space<vmem_shared>>) target_semaphore(%run_scoped3A : memref<!tpu.dma_semaphore, #tpu.memory_space<semaphore_mem>>)
      %dma_wait3A = arith.constant 0 : i32
      %dma_wait3A_48 = tpu.memref_slice %arg7[%add3A_7, %dma_wait3A] : memref<10000x128xf32, #tpu.memory_space<vmem_shared>> -> memref<64x128xf32, #tpu.memory_space<vmem_shared>>
      %dma_wait3A_49 = arith.constant 0 : i32
      %dma_wait3A_50 = tpu.memref_slice %arg7[%add3A_7, %dma_wait3A_49] : memref<10000x128xf32, #tpu.memory_space<vmem_shared>> -> memref<64x128xf32, #tpu.memory_space<vmem_shared>>
      tpu.wait_dma2 semaphore(%run_scoped3A : memref<!tpu.dma_semaphore, #tpu.memory_space<semaphore_mem>>) src(%arg12 : memref<64x128xf32, #tpu.memory_space<vmem>>) dst(%dma_wait3A_50 : memref<64x128xf32, #tpu.memory_space<vmem_shared>>)
      tpu.yield
    }) : () -> ()
    %add3A_8 = arith.constant 64 : i32
    %add3A_9 = arith.addi %mul3A_6, %add3A_8 : i32
    "tpu.region"() ({
      %run_scoped3A = tpu.sem_alloc : memref<!tpu.dma_semaphore, #tpu.memory_space<semaphore_mem>>
      %dma_start3A = arith.constant 0 : i32
      %dma_start3A_45 = tpu.memref_slice %arg7[%add3A_9, %dma_start3A] : memref<10000x128xf32, #tpu.memory_space<vmem_shared>> -> memref<64x128xf32, #tpu.memory_space<vmem_shared>>
      %dma_start3A_46 = arith.constant 0 : i32
      %dma_start3A_47 = tpu.memref_slice %arg7[%add3A_9, %dma_start3A_46] : memref<10000x128xf32, #tpu.memory_space<vmem_shared>> -> memref<64x128xf32, #tpu.memory_space<vmem_shared>>
      tpu.enqueue_dma source(%arg12 : memref<64x128xf32, #tpu.memory_space<vmem>>) target(%dma_start3A_47 : memref<64x128xf32, #tpu.memory_space<vmem_shared>>) target_semaphore(%run_scoped3A : memref<!tpu.dma_semaphore, #tpu.memory_space<semaphore_mem>>)
      %dma_wait3A = arith.constant 0 : i32
      %dma_wait3A_48 = tpu.memref_slice %arg7[%add3A_9, %dma_wait3A] : memref<10000x128xf32, #tpu.memory_space<vmem_shared>> -> memref<64x128xf32, #tpu.memory_space<vmem_shared>>
      %dma_wait3A_49 = arith.constant 0 : i32
      %dma_wait3A_50 = tpu.memref_slice %arg7[%add3A_9, %dma_wait3A_49] : memref<10000x128xf32, #tpu.memory_space<vmem_shared>> -> memref<64x128xf32, #tpu.memory_space<vmem_shared>>
      tpu.wait_dma2 semaphore(%run_scoped3A : memref<!tpu.dma_semaphore, #tpu.memory_space<semaphore_mem>>) src(%arg12 : memref<64x128xf32, #tpu.memory_space<vmem>>) dst(%dma_wait3A_50 : memref<64x128xf32, #tpu.memory_space<vmem_shared>>)
      tpu.yield
    }) : () -> ()
    %add3A_10 = arith.constant 128 : i32
    %add3A_11 = arith.addi %mul3A_6, %add3A_10 : i32
    "tpu.region"() ({
      %run_scoped3A = tpu.sem_alloc : memref<!tpu.dma_semaphore, #tpu.memory_space<semaphore_mem>>
      %dma_start3A = arith.constant 0 : i32
      %dma_start3A_45 = tpu.memref_slice %arg7[%add3A_11, %dma_start3A] : memref<10000x128xf32, #tpu.memory_space<vmem_shared>> -> memref<64x128xf32, #tpu.memory_space<vmem_shared>>
      %dma_start3A_46 = arith.constant 0 : i32
      %dma_start3A_47 = tpu.memref_slice %arg7[%add3A_11, %dma_start3A_46] : memref<10000x128xf32, #tpu.memory_space<vmem_shared>> -> memref<64x128xf32, #tpu.memory_space<vmem_shared>>
      tpu.enqueue_dma source(%arg12 : memref<64x128xf32, #tpu.memory_space<vmem>>) target(%dma_start3A_47 : memref<64x128xf32, #tpu.memory_space<vmem_shared>>) target_semaphore(%run_scoped3A : memref<!tpu.dma_semaphore, #tpu.memory_space<semaphore_mem>>)
      %dma_wait3A = arith.constant 0 : i32
      %dma_wait3A_48 = tpu.memref_slice %arg7[%add3A_11, %dma_wait3A] : memref<10000x128xf32, #tpu.memory_space<vmem_shared>> -> memref<64x128xf32, #tpu.memory_space<vmem_shared>>
      %dma_wait3A_49 = arith.constant 0 : i32
      %dma_wait3A_50 = tpu.memref_slice %arg7[%add3A_11, %dma_wait3A_49] : memref<10000x128xf32, #tpu.memory_space<vmem_shared>> -> memref<64x128xf32, #tpu.memory_space<vmem_shared>>
      tpu.wait_dma2 semaphore(%run_scoped3A : memref<!tpu.dma_semaphore, #tpu.memory_space<semaphore_mem>>) src(%arg12 : memref<64x128xf32, #tpu.memory_space<vmem>>) dst(%dma_wait3A_50 : memref<64x128xf32, #tpu.memory_space<vmem_shared>>)
      tpu.yield
    }) : () -> ()
    %add3A_12 = arith.constant 192 : i32
    %add3A_13 = arith.addi %mul3A_6, %add3A_12 : i32
    "tpu.region"() ({
      %run_scoped3A = tpu.sem_alloc : memref<!tpu.dma_semaphore, #tpu.memory_space<semaphore_mem>>
      %dma_start3A = arith.constant 0 : i32
      %dma_start3A_45 = tpu.memref_slice %arg7[%add3A_13, %dma_start3A] : memref<10000x128xf32, #tpu.memory_space<vmem_shared>> -> memref<64x128xf32, #tpu.memory_space<vmem_shared>>
      %dma_start3A_46 = arith.constant 0 : i32
      %dma_start3A_47 = tpu.memref_slice %arg7[%add3A_13, %dma_start3A_46] : memref<10000x128xf32, #tpu.memory_space<vmem_shared>> -> memref<64x128xf32, #tpu.memory_space<vmem_shared>>
      tpu.enqueue_dma source(%arg12 : memref<64x128xf32, #tpu.memory_space<vmem>>) target(%dma_start3A_47 : memref<64x128xf32, #tpu.memory_space<vmem_shared>>) target_semaphore(%run_scoped3A : memref<!tpu.dma_semaphore, #tpu.memory_space<semaphore_mem>>)
      %dma_wait3A = arith.constant 0 : i32
      %dma_wait3A_48 = tpu.memref_slice %arg7[%add3A_13, %dma_wait3A] : memref<10000x128xf32, #tpu.memory_space<vmem_shared>> -> memref<64x128xf32, #tpu.memory_space<vmem_shared>>
      %dma_wait3A_49 = arith.constant 0 : i32
      %dma_wait3A_50 = tpu.memref_slice %arg7[%add3A_13, %dma_wait3A_49] : memref<10000x128xf32, #tpu.memory_space<vmem_shared>> -> memref<64x128xf32, #tpu.memory_space<vmem_shared>>
      tpu.wait_dma2 semaphore(%run_scoped3A : memref<!tpu.dma_semaphore, #tpu.memory_space<semaphore_mem>>) src(%arg12 : memref<64x128xf32, #tpu.memory_space<vmem>>) dst(%dma_wait3A_50 : memref<64x128xf32, #tpu.memory_space<vmem_shared>>)
      tpu.yield
    }) : () -> ()
    %add3A_14 = arith.constant 256 : i32
    %add3A_15 = arith.addi %mul3A_6, %add3A_14 : i32
    "tpu.region"() ({
      %run_scoped3A = tpu.sem_alloc : memref<!tpu.dma_semaphore, #tpu.memory_space<semaphore_mem>>
      %dma_start3A = arith.constant 0 : i32
      %dma_start3A_45 = tpu.memref_slice %arg7[%add3A_15, %dma_start3A] : memref<10000x128xf32, #tpu.memory_space<vmem_shared>> -> memref<64x128xf32, #tpu.memory_space<vmem_shared>>
      %dma_start3A_46 = arith.constant 0 : i32
      %dma_start3A_47 = tpu.memref_slice %arg7[%add3A_15, %dma_start3A_46] : memref<10000x128xf32, #tpu.memory_space<vmem_shared>> -> memref<64x128xf32, #tpu.memory_space<vmem_shared>>
      tpu.enqueue_dma source(%arg12 : memref<64x128xf32, #tpu.memory_space<vmem>>) target(%dma_start3A_47 : memref<64x128xf32, #tpu.memory_space<vmem_shared>>) target_semaphore(%run_scoped3A : memref<!tpu.dma_semaphore, #tpu.memory_space<semaphore_mem>>)
      %dma_wait3A = arith.constant 0 : i32
      %dma_wait3A_48 = tpu.memref_slice %arg7[%add3A_15, %dma_wait3A] : memref<10000x128xf32, #tpu.memory_space<vmem_shared>> -> memref<64x128xf32, #tpu.memory_space<vmem_shared>>
      %dma_wait3A_49 = arith.constant 0 : i32
      %dma_wait3A_50 = tpu.memref_slice %arg7[%add3A_15, %dma_wait3A_49] : memref<10000x128xf32, #tpu.memory_space<vmem_shared>> -> memref<64x128xf32, #tpu.memory_space<vmem_shared>>
      tpu.wait_dma2 semaphore(%run_scoped3A : memref<!tpu.dma_semaphore, #tpu.memory_space<semaphore_mem>>) src(%arg12 : memref<64x128xf32, #tpu.memory_space<vmem>>) dst(%dma_wait3A_50 : memref<64x128xf32, #tpu.memory_space<vmem_shared>>)
      tpu.yield
    }) : () -> ()
    %add3A_16 = arith.constant 320 : i32
    %add3A_17 = arith.addi %mul3A_6, %add3A_16 : i32
    "tpu.region"() ({
      %run_scoped3A = tpu.sem_alloc : memref<!tpu.dma_semaphore, #tpu.memory_space<semaphore_mem>>
      %dma_start3A = arith.constant 0 : i32
      %dma_start3A_45 = tpu.memref_slice %arg7[%add3A_17, %dma_start3A] : memref<10000x128xf32, #tpu.memory_space<vmem_shared>> -> memref<64x128xf32, #tpu.memory_space<vmem_shared>>
      %dma_start3A_46 = arith.constant 0 : i32
      %dma_start3A_47 = tpu.memref_slice %arg7[%add3A_17, %dma_start3A_46] : memref<10000x128xf32, #tpu.memory_space<vmem_shared>> -> memref<64x128xf32, #tpu.memory_space<vmem_shared>>
      tpu.enqueue_dma source(%arg12 : memref<64x128xf32, #tpu.memory_space<vmem>>) target(%dma_start3A_47 : memref<64x128xf32, #tpu.memory_space<vmem_shared>>) target_semaphore(%run_scoped3A : memref<!tpu.dma_semaphore, #tpu.memory_space<semaphore_mem>>)
      %dma_wait3A = arith.constant 0 : i32
      %dma_wait3A_48 = tpu.memref_slice %arg7[%add3A_17, %dma_wait3A] : memref<10000x128xf32, #tpu.memory_space<vmem_shared>> -> memref<64x128xf32, #tpu.memory_space<vmem_shared>>
      %dma_wait3A_49 = arith.constant 0 : i32
      %dma_wait3A_50 = tpu.memref_slice %arg7[%add3A_17, %dma_wait3A_49] : memref<10000x128xf32, #tpu.memory_space<vmem_shared>> -> memref<64x128xf32, #tpu.memory_space<vmem_shared>>
      tpu.wait_dma2 semaphore(%run_scoped3A : memref<!tpu.dma_semaphore, #tpu.memory_space<semaphore_mem>>) src(%arg12 : memref<64x128xf32, #tpu.memory_space<vmem>>) dst(%dma_wait3A_50 : memref<64x128xf32, #tpu.memory_space<vmem_shared>>)
      tpu.yield
    }) : () -> ()
    %add3A_18 = arith.constant 384 : i32
    %add3A_19 = arith.addi %mul3A_6, %add3A_18 : i32
    "tpu.region"() ({
      %run_scoped3A = tpu.sem_alloc : memref<!tpu.dma_semaphore, #tpu.memory_space<semaphore_mem>>
      %dma_start3A = arith.constant 0 : i32
      %dma_start3A_45 = tpu.memref_slice %arg7[%add3A_19, %dma_start3A] : memref<10000x128xf32, #tpu.memory_space<vmem_shared>> -> memref<64x128xf32, #tpu.memory_space<vmem_shared>>
      %dma_start3A_46 = arith.constant 0 : i32
      %dma_start3A_47 = tpu.memref_slice %arg7[%add3A_19, %dma_start3A_46] : memref<10000x128xf32, #tpu.memory_space<vmem_shared>> -> memref<64x128xf32, #tpu.memory_space<vmem_shared>>
      tpu.enqueue_dma source(%arg12 : memref<64x128xf32, #tpu.memory_space<vmem>>) target(%dma_start3A_47 : memref<64x128xf32, #tpu.memory_space<vmem_shared>>) target_semaphore(%run_scoped3A : memref<!tpu.dma_semaphore, #tpu.memory_space<semaphore_mem>>)
      %dma_wait3A = arith.constant 0 : i32
      %dma_wait3A_48 = tpu.memref_slice %arg7[%add3A_19, %dma_wait3A] : memref<10000x128xf32, #tpu.memory_space<vmem_shared>> -> memref<64x128xf32, #tpu.memory_space<vmem_shared>>
      %dma_wait3A_49 = arith.constant 0 : i32
      %dma_wait3A_50 = tpu.memref_slice %arg7[%add3A_19, %dma_wait3A_49] : memref<10000x128xf32, #tpu.memory_space<vmem_shared>> -> memref<64x128xf32, #tpu.memory_space<vmem_shared>>
      tpu.wait_dma2 semaphore(%run_scoped3A : memref<!tpu.dma_semaphore, #tpu.memory_space<semaphore_mem>>) src(%arg12 : memref<64x128xf32, #tpu.memory_space<vmem>>) dst(%dma_wait3A_50 : memref<64x128xf32, #tpu.memory_space<vmem_shared>>)
      tpu.yield
    }) : () -> ()
    %add3A_20 = arith.constant 448 : i32
    %add3A_21 = arith.addi %mul3A_6, %add3A_20 : i32
    "tpu.region"() ({
      %run_scoped3A = tpu.sem_alloc : memref<!tpu.dma_semaphore, #tpu.memory_space<semaphore_mem>>
      %dma_start3A = arith.constant 0 : i32
      %dma_start3A_45 = tpu.memref_slice %arg7[%add3A_21, %dma_start3A] : memref<10000x128xf32, #tpu.memory_space<vmem_shared>> -> memref<64x128xf32, #tpu.memory_space<vmem_shared>>
      %dma_start3A_46 = arith.constant 0 : i32
      %dma_start3A_47 = tpu.memref_slice %arg7[%add3A_21, %dma_start3A_46] : memref<10000x128xf32, #tpu.memory_space<vmem_shared>> -> memref<64x128xf32, #tpu.memory_space<vmem_shared>>
      tpu.enqueue_dma source(%arg12 : memref<64x128xf32, #tpu.memory_space<vmem>>) target(%dma_start3A_47 : memref<64x128xf32, #tpu.memory_space<vmem_shared>>) target_semaphore(%run_scoped3A : memref<!tpu.dma_semaphore, #tpu.memory_space<semaphore_mem>>)
      %dma_wait3A = arith.constant 0 : i32
      %dma_wait3A_48 = tpu.memref_slice %arg7[%add3A_21, %dma_wait3A] : memref<10000x128xf32, #tpu.memory_space<vmem_shared>> -> memref<64x128xf32, #tpu.memory_space<vmem_shared>>
      %dma_wait3A_49 = arith.constant 0 : i32
      %dma_wait3A_50 = tpu.memref_slice %arg7[%add3A_21, %dma_wait3A_49] : memref<10000x128xf32, #tpu.memory_space<vmem_shared>> -> memref<64x128xf32, #tpu.memory_space<vmem_shared>>
      tpu.wait_dma2 semaphore(%run_scoped3A : memref<!tpu.dma_semaphore, #tpu.memory_space<semaphore_mem>>) src(%arg12 : memref<64x128xf32, #tpu.memory_space<vmem>>) dst(%dma_wait3A_50 : memref<64x128xf32, #tpu.memory_space<vmem_shared>>)
      tpu.yield
    }) : () -> ()
    %add3A_22 = arith.constant 512 : i32
    %add3A_23 = arith.addi %mul3A_6, %add3A_22 : i32
    "tpu.region"() ({
      %run_scoped3A = tpu.sem_alloc : memref<!tpu.dma_semaphore, #tpu.memory_space<semaphore_mem>>
      %dma_start3A = arith.constant 0 : i32
      %dma_start3A_45 = tpu.memref_slice %arg7[%add3A_23, %dma_start3A] : memref<10000x128xf32, #tpu.memory_space<vmem_shared>> -> memref<64x128xf32, #tpu.memory_space<vmem_shared>>
      %dma_start3A_46 = arith.constant 0 : i32
      %dma_start3A_47 = tpu.memref_slice %arg7[%add3A_23, %dma_start3A_46] : memref<10000x128xf32, #tpu.memory_space<vmem_shared>> -> memref<64x128xf32, #tpu.memory_space<vmem_shared>>
      tpu.enqueue_dma source(%arg12 : memref<64x128xf32, #tpu.memory_space<vmem>>) target(%dma_start3A_47 : memref<64x128xf32, #tpu.memory_space<vmem_shared>>) target_semaphore(%run_scoped3A : memref<!tpu.dma_semaphore, #tpu.memory_space<semaphore_mem>>)
      %dma_wait3A = arith.constant 0 : i32
      %dma_wait3A_48 = tpu.memref_slice %arg7[%add3A_23, %dma_wait3A] : memref<10000x128xf32, #tpu.memory_space<vmem_shared>> -> memref<64x128xf32, #tpu.memory_space<vmem_shared>>
      %dma_wait3A_49 = arith.constant 0 : i32
      %dma_wait3A_50 = tpu.memref_slice %arg7[%add3A_23, %dma_wait3A_49] : memref<10000x128xf32, #tpu.memory_space<vmem_shared>> -> memref<64x128xf32, #tpu.memory_space<vmem_shared>>
      tpu.wait_dma2 semaphore(%run_scoped3A : memref<!tpu.dma_semaphore, #tpu.memory_space<semaphore_mem>>) src(%arg12 : memref<64x128xf32, #tpu.memory_space<vmem>>) dst(%dma_wait3A_50 : memref<64x128xf32, #tpu.memory_space<vmem_shared>>)
      tpu.yield
    }) : () -> ()
    %add3A_24 = arith.constant 576 : i32
    %add3A_25 = arith.addi %mul3A_6, %add3A_24 : i32
    "tpu.region"() ({
      %run_scoped3A = tpu.sem_alloc : memref<!tpu.dma_semaphore, #tpu.memory_space<semaphore_mem>>
      %dma_start3A = arith.constant 0 : i32
      %dma_start3A_45 = arith.constant 0 : i32
      %dma_start3A_46 = tpu.memref_slice %arg12[%dma_start3A, %dma_start3A_45] : memref<64x128xf32, #tpu.memory_space<vmem>> -> memref<48x128xf32, #tpu.memory_space<vmem>>
      %dma_start3A_47 = arith.constant 0 : i32
      %dma_start3A_48 = tpu.memref_slice %arg7[%add3A_25, %dma_start3A_47] : memref<10000x128xf32, #tpu.memory_space<vmem_shared>> -> memref<48x128xf32, #tpu.memory_space<vmem_shared>>
      %dma_start3A_49 = arith.constant 0 : i32
      %dma_start3A_50 = tpu.memref_slice %arg7[%add3A_25, %dma_start3A_49] : memref<10000x128xf32, #tpu.memory_space<vmem_shared>> -> memref<48x128xf32, #tpu.memory_space<vmem_shared>>
      %dma_start3A_51 = arith.constant 0 : i32
      %dma_start3A_52 = arith.constant 0 : i32
      %dma_start3A_53 = tpu.memref_slice %arg12[%dma_start3A_51, %dma_start3A_52] : memref<64x128xf32, #tpu.memory_space<vmem>> -> memref<48x128xf32, #tpu.memory_space<vmem>>
      tpu.enqueue_dma source(%dma_start3A_53 : memref<48x128xf32, #tpu.memory_space<vmem>>) target(%dma_start3A_50 : memref<48x128xf32, #tpu.memory_space<vmem_shared>>) target_semaphore(%run_scoped3A : memref<!tpu.dma_semaphore, #tpu.memory_space<semaphore_mem>>)
      %dma_wait3A = arith.constant 0 : i32
      %dma_wait3A_54 = arith.constant 0 : i32
      %dma_wait3A_55 = tpu.memref_slice %arg12[%dma_wait3A, %dma_wait3A_54] : memref<64x128xf32, #tpu.memory_space<vmem>> -> memref<48x128xf32, #tpu.memory_space<vmem>>
      %dma_wait3A_56 = arith.constant 0 : i32
      %dma_wait3A_57 = tpu.memref_slice %arg7[%add3A_25, %dma_wait3A_56] : memref<10000x128xf32, #tpu.memory_space<vmem_shared>> -> memref<48x128xf32, #tpu.memory_space<vmem_shared>>
      %dma_wait3A_58 = arith.constant 0 : i32
      %dma_wait3A_59 = tpu.memref_slice %arg7[%add3A_25, %dma_wait3A_58] : memref<10000x128xf32, #tpu.memory_space<vmem_shared>> -> memref<48x128xf32, #tpu.memory_space<vmem_shared>>
      %dma_wait3A_60 = arith.constant 0 : i32
      %dma_wait3A_61 = arith.constant 0 : i32
      %dma_wait3A_62 = tpu.memref_slice %arg12[%dma_wait3A_60, %dma_wait3A_61] : memref<64x128xf32, #tpu.memory_space<vmem>> -> memref<48x128xf32, #tpu.memory_space<vmem>>
      tpu.wait_dma2 semaphore(%run_scoped3A : memref<!tpu.dma_semaphore, #tpu.memory_space<semaphore_mem>>) src(%dma_wait3A_62 : memref<48x128xf32, #tpu.memory_space<vmem>>) dst(%dma_wait3A_59 : memref<48x128xf32, #tpu.memory_space<vmem_shared>>)
      tpu.yield
    }) : () -> ()
    %eq3A = arith.constant 15 : i32
    %eq3A_26 = arith.cmpi eq, %arg1, %eq3A : i32
    %convert_element_type3A = arith.extui %eq3A_26 : i1 to i32
    %cond3A = arith.constant 0 : i32
    %cond3A_27 = arith.cmpi ne, %convert_element_type3A, %cond3A : i32
    scf.if %cond3A_27 {
      "tpu.region"() ({
        %run_scoped3A = tpu.sem_alloc : memref<!tpu.dma_semaphore, #tpu.memory_space<semaphore_mem>>
        %dma_start3A = arith.constant 0 : i32
        %dma_start3A_45 = arith.constant 0 : i32
        %dma_start3A_46 = tpu.memref_slice %arg12[%dma_start3A, %dma_start3A_45] : memref<64x128xf32, #tpu.memory_space<vmem>> -> memref<16x128xf32, #tpu.memory_space<vmem>>
        %dma_start3A_47 = arith.constant 9984 : i32
        %dma_start3A_48 = arith.constant 0 : i32
        %dma_start3A_49 = tpu.memref_slice %arg7[%dma_start3A_47, %dma_start3A_48] : memref<10000x128xf32, #tpu.memory_space<vmem_shared>> -> memref<16x128xf32, #tpu.memory_space<vmem_shared>>
        %dma_start3A_50 = arith.constant 9984 : i32
        %dma_start3A_51 = arith.constant 0 : i32
        %dma_start3A_52 = tpu.memref_slice %arg7[%dma_start3A_50, %dma_start3A_51] : memref<10000x128xf32, #tpu.memory_space<vmem_shared>> -> memref<16x128xf32, #tpu.memory_space<vmem_shared>>
        %dma_start3A_53 = arith.constant 0 : i32
        %dma_start3A_54 = arith.constant 0 : i32
        %dma_start3A_55 = tpu.memref_slice %arg12[%dma_start3A_53, %dma_start3A_54] : memref<64x128xf32, #tpu.memory_space<vmem>> -> memref<16x128xf32, #tpu.memory_space<vmem>>
        tpu.enqueue_dma source(%dma_start3A_55 : memref<16x128xf32, #tpu.memory_space<vmem>>) target(%dma_start3A_52 : memref<16x128xf32, #tpu.memory_space<vmem_shared>>) target_semaphore(%run_scoped3A : memref<!tpu.dma_semaphore, #tpu.memory_space<semaphore_mem>>)
        %dma_wait3A = arith.constant 0 : i32
        %dma_wait3A_56 = arith.constant 0 : i32
        %dma_wait3A_57 = tpu.memref_slice %arg12[%dma_wait3A, %dma_wait3A_56] : memref<64x128xf32, #tpu.memory_space<vmem>> -> memref<16x128xf32, #tpu.memory_space<vmem>>
        %dma_wait3A_58 = arith.constant 9984 : i32
        %dma_wait3A_59 = arith.constant 0 : i32
        %dma_wait3A_60 = tpu.memref_slice %arg7[%dma_wait3A_58, %dma_wait3A_59] : memref<10000x128xf32, #tpu.memory_space<vmem_shared>> -> memref<16x128xf32, #tpu.memory_space<vmem_shared>>
        %dma_wait3A_61 = arith.constant 9984 : i32
        %dma_wait3A_62 = arith.constant 0 : i32
        %dma_wait3A_63 = tpu.memref_slice %arg7[%dma_wait3A_61, %dma_wait3A_62] : memref<10000x128xf32, #tpu.memory_space<vmem_shared>> -> memref<16x128xf32, #tpu.memory_space<vmem_shared>>
        %dma_wait3A_64 = arith.constant 0 : i32
        %dma_wait3A_65 = arith.constant 0 : i32
        %dma_wait3A_66 = tpu.memref_slice %arg12[%dma_wait3A_64, %dma_wait3A_65] : memref<64x128xf32, #tpu.memory_space<vmem>> -> memref<16x128xf32, #tpu.memory_space<vmem>>
        tpu.wait_dma2 semaphore(%run_scoped3A : memref<!tpu.dma_semaphore, #tpu.memory_space<semaphore_mem>>) src(%dma_wait3A_66 : memref<16x128xf32, #tpu.memory_space<vmem>>) dst(%dma_wait3A_63 : memref<16x128xf32, #tpu.memory_space<vmem_shared>>)
        tpu.yield
      }) : () -> ()
    } else {
    }
    %barrier3A = arith.constant 0 : index
    tpu.barrier barrier_id(%barrier3A)
    %mul3A_28 = arith.constant 16 : i32
    %mul3A_29 = arith.muli %arg0, %mul3A_28 : i32
    %add3A_30 = arith.addi %mul3A_29, %arg1 : i32
    %mul3A_31 = arith.constant 10752 : i32
    %mul3A_32 = arith.muli %add3A_30, %mul3A_31 : i32
    %scan3A_33 = arith.constant 0 : i32
    %scan3A_34 = arith.constant 0 : i32
    %scan3A_35 = arith.constant 84 : i32
    %scan3A_36 = arith.addi %scan3A_34, %scan3A_35 : i32
    %scan3A_37 = arith.constant 1 : i32
    scf.for %scan3A_45 = %scan3A_34 to %scan3A_36 step %scan3A_37  : i32 {
      %mul3A_46 = arith.constant 128 : i32
      %mul3A_47 = arith.muli %scan3A_45, %mul3A_46 : i32
      %add3A_48 = arith.addi %mul3A_32, %mul3A_47 : i32
      "tpu.region"() ({
        %run_scoped3A = tpu.sem_alloc : memref<!tpu.dma_semaphore, #tpu.memory_space<semaphore_mem>>
        %dma_start3A = tpu.memref_slice %arg3[%add3A_48] : memref<344064xi32, #tpu.memory_space<hbm>> -> memref<128xi32, #tpu.memory_space<hbm>>
        %dma_start3A_57 = tpu.memref_slice %arg3[%add3A_48] : memref<344064xi32, #tpu.memory_space<hbm>> -> memref<128xi32, #tpu.memory_space<hbm>>
        tpu.enqueue_dma source(%dma_start3A_57 : memref<128xi32, #tpu.memory_space<hbm>>) target(%arg8 : memref<128xi32, #tpu.memory_space<vmem>>) target_semaphore(%run_scoped3A : memref<!tpu.dma_semaphore, #tpu.memory_space<semaphore_mem>>)
        %dma_wait3A = tpu.memref_slice %arg3[%add3A_48] : memref<344064xi32, #tpu.memory_space<hbm>> -> memref<128xi32, #tpu.memory_space<hbm>>
        %dma_wait3A_58 = tpu.memref_slice %arg3[%add3A_48] : memref<344064xi32, #tpu.memory_space<hbm>> -> memref<128xi32, #tpu.memory_space<hbm>>
        tpu.wait_dma2 semaphore(%run_scoped3A : memref<!tpu.dma_semaphore, #tpu.memory_space<semaphore_mem>>) src(%dma_wait3A_58 : memref<128xi32, #tpu.memory_space<hbm>>) dst(%arg8 : memref<128xi32, #tpu.memory_space<vmem>>)
        tpu.yield
      }) : () -> ()
      %mul3A_49 = arith.constant 16 : i32
      %mul3A_50 = arith.muli %add3A_48, %mul3A_49 : i32
      "tpu.region"() ({
        %run_scoped3A = tpu.sem_alloc : memref<!tpu.dma_semaphore, #tpu.memory_space<semaphore_mem>>
        %dma_start3A = tpu.memref_slice %arg5[%mul3A_50] : memref<5505024xf32, #tpu.memory_space<hbm>> -> memref<2048xf32, #tpu.memory_space<hbm>>
        %dma_start3A_57 = tpu.memref_slice %arg5[%mul3A_50] : memref<5505024xf32, #tpu.memory_space<hbm>> -> memref<2048xf32, #tpu.memory_space<hbm>>
        tpu.enqueue_dma source(%dma_start3A_57 : memref<2048xf32, #tpu.memory_space<hbm>>) target(%arg10 : memref<2048xf32, #tpu.memory_space<vmem>>) target_semaphore(%run_scoped3A : memref<!tpu.dma_semaphore, #tpu.memory_space<semaphore_mem>>)
        %dma_wait3A = tpu.memref_slice %arg5[%mul3A_50] : memref<5505024xf32, #tpu.memory_space<hbm>> -> memref<2048xf32, #tpu.memory_space<hbm>>
        %dma_wait3A_58 = tpu.memref_slice %arg5[%mul3A_50] : memref<5505024xf32, #tpu.memory_space<hbm>> -> memref<2048xf32, #tpu.memory_space<hbm>>
        tpu.wait_dma2 semaphore(%run_scoped3A : memref<!tpu.dma_semaphore, #tpu.memory_space<semaphore_mem>>) src(%dma_wait3A_58 : memref<2048xf32, #tpu.memory_space<hbm>>) dst(%arg10 : memref<2048xf32, #tpu.memory_space<vmem>>)
        tpu.yield
      }) : () -> ()
      "tpu.region"() ({
        %run_scoped3A = tpu.sem_alloc : memref<!tpu.dma_semaphore, #tpu.memory_space<semaphore_mem>>
        %dma_start3A = tpu.memref_slice %arg4[%add3A_48] : memref<344064xi32, #tpu.memory_space<hbm>> -> memref<128xi32, #tpu.memory_space<hbm>>
        %dma_start3A_57 = tpu.memref_slice %arg4[%add3A_48] : memref<344064xi32, #tpu.memory_space<hbm>> -> memref<128xi32, #tpu.memory_space<hbm>>
        tpu.enqueue_dma source(%dma_start3A_57 : memref<128xi32, #tpu.memory_space<hbm>>) target(%arg9 : memref<128xi32, #tpu.memory_space<vmem>>) target_semaphore(%run_scoped3A : memref<!tpu.dma_semaphore, #tpu.memory_space<semaphore_mem>>)
        %dma_wait3A = tpu.memref_slice %arg4[%add3A_48] : memref<344064xi32, #tpu.memory_space<hbm>> -> memref<128xi32, #tpu.memory_space<hbm>>
        %dma_wait3A_58 = tpu.memref_slice %arg4[%add3A_48] : memref<344064xi32, #tpu.memory_space<hbm>> -> memref<128xi32, #tpu.memory_space<hbm>>
        tpu.wait_dma2 semaphore(%run_scoped3A : memref<!tpu.dma_semaphore, #tpu.memory_space<semaphore_mem>>) src(%dma_wait3A_58 : memref<128xi32, #tpu.memory_space<hbm>>) dst(%arg9 : memref<128xi32, #tpu.memory_space<vmem>>)
        tpu.yield
      }) : () -> ()
      "tpu.region"() ({
        %run_scoped3A = tpu.sem_alloc : memref<!tpu.dma_semaphore, #tpu.memory_space<semaphore_mem>>
        %dma_start3A = arith.constant 0 : i32
        %dma_start3A_57 = arith.constant 0 : i32
        %dma_start3A_58 = tpu.memref_slice %arg2[%dma_start3A, %dma_start3A_57] : memref<10000x128xf32, #tpu.memory_space<hbm>> -> memref<10000x128xf32, #tpu.memory_space<hbm>>
        tpu.enqueue_indirect_dma source(%dma_start3A_58 : memref<10000x128xf32, #tpu.memory_space<hbm>>) target(%arg11 : memref<128x128xf32, #tpu.memory_space<vmem>>) offsets(%arg8 : memref<128xi32, #tpu.memory_space<vmem>>) semaphore(%run_scoped3A : memref<!tpu.dma_semaphore, #tpu.memory_space<semaphore_mem>>)
        %dma_wait3A = arith.constant 0 : i32
        %dma_wait3A_59 = arith.constant 0 : i32
        %dma_wait3A_60 = tpu.memref_slice %arg2[%dma_wait3A, %dma_wait3A_59] : memref<10000x128xf32, #tpu.memory_space<hbm>> -> memref<10000x128xf32, #tpu.memory_space<hbm>>
        tpu.wait_indirect_dma semaphore(%run_scoped3A : memref<!tpu.dma_semaphore, #tpu.memory_space<semaphore_mem>>) src(%dma_wait3A_60 : memref<10000x128xf32, #tpu.memory_space<hbm>>) dst(%arg11 : memref<128x128xf32, #tpu.memory_space<vmem>>)
        tpu.yield
      }) : () -> ()
      %scan3A_51 = arith.constant 0 : i32
      %scan3A_52 = arith.constant 0 : i32
      %scan3A_53 = arith.constant 128 : i32
      %scan3A_54 = arith.addi %scan3A_52, %scan3A_53 : i32
      %scan3A_55 = arith.constant 1 : i32
      scf.for %scan3A_57 = %scan3A_52 to %scan3A_54 step %scan3A_55  : i32 {
        %mul3A_58 = arith.constant 16 : i32
        %mul3A_59 = arith.muli %scan3A_57, %mul3A_58 : i32
        %get3A = arith.index_cast %mul3A_59 : i32 to index
        %get3A_60 = tpu.vector_load %arg10[%get3A] {strides = array<i32>} : memref<2048xf32, #tpu.memory_space<vmem>>, vector<16xf32>,
        %get3A_61 = vector.shape_cast %get3A_60 : vector<16xf32> to vector<16xf32>
        %get3A_62 = arith.index_cast %scan3A_57 : i32 to index
        %get3A_63 = arith.constant 0 : index
        %get3A_64 = tpu.vector_load %arg11[%get3A_62, %get3A_63] {strides = array<i32>} : memref<128x128xf32, #tpu.memory_space<vmem>>, vector<1x16xf32>,
        %get3A_65 = vector.shape_cast %get3A_64 : vector<1x16xf32> to vector<16xf32>
        %mul3A_66 = arith.mulf %get3A_65, %get3A_61 : vector<16xf32>
        %swap3A = arith.index_cast %scan3A_57 : i32 to index
        %swap3A_67 = arith.constant 0 : index
        %swap3A_68 = tpu.vector_load %arg11[%swap3A, %swap3A_67] {strides = array<i32>} : memref<128x128xf32, #tpu.memory_space<vmem>>, vector<1x16xf32>,
        %swap3A_69 = vector.shape_cast %swap3A_68 : vector<1x16xf32> to vector<16xf32>
        %swap3A_70 = vector.shape_cast %mul3A_66 : vector<16xf32> to vector<1x16xf32>
        tpu.vector_store %arg11[%swap3A, %swap3A_67], %swap3A_70 {strides = array<i32>} : memref<128x128xf32, #tpu.memory_space<vmem>>, vector<1x16xf32>,
        %get3A_71 = arith.index_cast %scan3A_57 : i32 to index
        %get3A_72 = arith.constant 16 : index
        %get3A_73 = tpu.vector_load %arg11[%get3A_71, %get3A_72] {strides = array<i32>} : memref<128x128xf32, #tpu.memory_space<vmem>>, vector<1x16xf32>,
        %get3A_74 = vector.shape_cast %get3A_73 : vector<1x16xf32> to vector<16xf32>
        %mul3A_75 = arith.mulf %get3A_74, %get3A_61 : vector<16xf32>
        %swap3A_76 = arith.index_cast %scan3A_57 : i32 to index
        %swap3A_77 = arith.constant 16 : index
        %swap3A_78 = tpu.vector_load %arg11[%swap3A_76, %swap3A_77] {strides = array<i32>} : memref<128x128xf32, #tpu.memory_space<vmem>>, vector<1x16xf32>,
        %swap3A_79 = vector.shape_cast %swap3A_78 : vector<1x16xf32> to vector<16xf32>
        %swap3A_80 = vector.shape_cast %mul3A_75 : vector<16xf32> to vector<1x16xf32>
        tpu.vector_store %arg11[%swap3A_76, %swap3A_77], %swap3A_80 {strides = array<i32>} : memref<128x128xf32, #tpu.memory_space<vmem>>, vector<1x16xf32>,
        %get3A_81 = arith.index_cast %scan3A_57 : i32 to index
        %get3A_82 = arith.constant 32 : index
        %get3A_83 = tpu.vector_load %arg11[%get3A_81, %get3A_82] {strides = array<i32>} : memref<128x128xf32, #tpu.memory_space<vmem>>, vector<1x16xf32>,
        %get3A_84 = vector.shape_cast %get3A_83 : vector<1x16xf32> to vector<16xf32>
        %mul3A_85 = arith.mulf %get3A_84, %get3A_61 : vector<16xf32>
        %swap3A_86 = arith.index_cast %scan3A_57 : i32 to index
        %swap3A_87 = arith.constant 32 : index
        %swap3A_88 = tpu.vector_load %arg11[%swap3A_86, %swap3A_87] {strides = array<i32>} : memref<128x128xf32, #tpu.memory_space<vmem>>, vector<1x16xf32>,
        %swap3A_89 = vector.shape_cast %swap3A_88 : vector<1x16xf32> to vector<16xf32>
        %swap3A_90 = vector.shape_cast %mul3A_85 : vector<16xf32> to vector<1x16xf32>
        tpu.vector_store %arg11[%swap3A_86, %swap3A_87], %swap3A_90 {strides = array<i32>} : memref<128x128xf32, #tpu.memory_space<vmem>>, vector<1x16xf32>,
        %get3A_91 = arith.index_cast %scan3A_57 : i32 to index
        %get3A_92 = arith.constant 48 : index
        %get3A_93 = tpu.vector_load %arg11[%get3A_91, %get3A_92] {strides = array<i32>} : memref<128x128xf32, #tpu.memory_space<vmem>>, vector<1x16xf32>,
        %get3A_94 = vector.shape_cast %get3A_93 : vector<1x16xf32> to vector<16xf32>
        %mul3A_95 = arith.mulf %get3A_94, %get3A_61 : vector<16xf32>
        %swap3A_96 = arith.index_cast %scan3A_57 : i32 to index
        %swap3A_97 = arith.constant 48 : index
        %swap3A_98 = tpu.vector_load %arg11[%swap3A_96, %swap3A_97] {strides = array<i32>} : memref<128x128xf32, #tpu.memory_space<vmem>>, vector<1x16xf32>,
        %swap3A_99 = vector.shape_cast %swap3A_98 : vector<1x16xf32> to vector<16xf32>
        %swap3A_100 = vector.shape_cast %mul3A_95 : vector<16xf32> to vector<1x16xf32>
        tpu.vector_store %arg11[%swap3A_96, %swap3A_97], %swap3A_100 {strides = array<i32>} : memref<128x128xf32, #tpu.memory_space<vmem>>, vector<1x16xf32>,
        %get3A_101 = arith.index_cast %scan3A_57 : i32 to index
        %get3A_102 = arith.constant 64 : index
        %get3A_103 = tpu.vector_load %arg11[%get3A_101, %get3A_102] {strides = array<i32>} : memref<128x128xf32, #tpu.memory_space<vmem>>, vector<1x16xf32>,
        %get3A_104 = vector.shape_cast %get3A_103 : vector<1x16xf32> to vector<16xf32>
        %mul3A_105 = arith.mulf %get3A_104, %get3A_61 : vector<16xf32>
        %swap3A_106 = arith.index_cast %scan3A_57 : i32 to index
        %swap3A_107 = arith.constant 64 : index
        %swap3A_108 = tpu.vector_load %arg11[%swap3A_106, %swap3A_107] {strides = array<i32>} : memref<128x128xf32, #tpu.memory_space<vmem>>, vector<1x16xf32>,
        %swap3A_109 = vector.shape_cast %swap3A_108 : vector<1x16xf32> to vector<16xf32>
        %swap3A_110 = vector.shape_cast %mul3A_105 : vector<16xf32> to vector<1x16xf32>
        tpu.vector_store %arg11[%swap3A_106, %swap3A_107], %swap3A_110 {strides = array<i32>} : memref<128x128xf32, #tpu.memory_space<vmem>>, vector<1x16xf32>,
        %get3A_111 = arith.index_cast %scan3A_57 : i32 to index
        %get3A_112 = arith.constant 80 : index
        %get3A_113 = tpu.vector_load %arg11[%get3A_111, %get3A_112] {strides = array<i32>} : memref<128x128xf32, #tpu.memory_space<vmem>>, vector<1x16xf32>,
        %get3A_114 = vector.shape_cast %get3A_113 : vector<1x16xf32> to vector<16xf32>
        %mul3A_115 = arith.mulf %get3A_114, %get3A_61 : vector<16xf32>
        %swap3A_116 = arith.index_cast %scan3A_57 : i32 to index
        %swap3A_117 = arith.constant 80 : index
        %swap3A_118 = tpu.vector_load %arg11[%swap3A_116, %swap3A_117] {strides = array<i32>} : memref<128x128xf32, #tpu.memory_space<vmem>>, vector<1x16xf32>,
        %swap3A_119 = vector.shape_cast %swap3A_118 : vector<1x16xf32> to vector<16xf32>
        %swap3A_120 = vector.shape_cast %mul3A_115 : vector<16xf32> to vector<1x16xf32>
        tpu.vector_store %arg11[%swap3A_116, %swap3A_117], %swap3A_120 {strides = array<i32>} : memref<128x128xf32, #tpu.memory_space<vmem>>, vector<1x16xf32>,
        %get3A_121 = arith.index_cast %scan3A_57 : i32 to index
        %get3A_122 = arith.constant 96 : index
        %get3A_123 = tpu.vector_load %arg11[%get3A_121, %get3A_122] {strides = array<i32>} : memref<128x128xf32, #tpu.memory_space<vmem>>, vector<1x16xf32>,
        %get3A_124 = vector.shape_cast %get3A_123 : vector<1x16xf32> to vector<16xf32>
        %mul3A_125 = arith.mulf %get3A_124, %get3A_61 : vector<16xf32>
        %swap3A_126 = arith.index_cast %scan3A_57 : i32 to index
        %swap3A_127 = arith.constant 96 : index
        %swap3A_128 = tpu.vector_load %arg11[%swap3A_126, %swap3A_127] {strides = array<i32>} : memref<128x128xf32, #tpu.memory_space<vmem>>, vector<1x16xf32>,
        %swap3A_129 = vector.shape_cast %swap3A_128 : vector<1x16xf32> to vector<16xf32>
        %swap3A_130 = vector.shape_cast %mul3A_125 : vector<16xf32> to vector<1x16xf32>
        tpu.vector_store %arg11[%swap3A_126, %swap3A_127], %swap3A_130 {strides = array<i32>} : memref<128x128xf32, #tpu.memory_space<vmem>>, vector<1x16xf32>,
        %get3A_131 = arith.index_cast %scan3A_57 : i32 to index
        %get3A_132 = arith.constant 112 : index
        %get3A_133 = tpu.vector_load %arg11[%get3A_131, %get3A_132] {strides = array<i32>} : memref<128x128xf32, #tpu.memory_space<vmem>>, vector<1x16xf32>,
        %get3A_134 = vector.shape_cast %get3A_133 : vector<1x16xf32> to vector<16xf32>
        %mul3A_135 = arith.mulf %get3A_134, %get3A_61 : vector<16xf32>
        %swap3A_136 = arith.index_cast %scan3A_57 : i32 to index
        %swap3A_137 = arith.constant 112 : index
        %swap3A_138 = tpu.vector_load %arg11[%swap3A_136, %swap3A_137] {strides = array<i32>} : memref<128x128xf32, #tpu.memory_space<vmem>>, vector<1x16xf32>,
        %swap3A_139 = vector.shape_cast %swap3A_138 : vector<1x16xf32> to vector<16xf32>
        %swap3A_140 = vector.shape_cast %mul3A_135 : vector<16xf32> to vector<1x16xf32>
        tpu.vector_store %arg11[%swap3A_136, %swap3A_137], %swap3A_140 {strides = array<i32>} : memref<128x128xf32, #tpu.memory_space<vmem>>, vector<1x16xf32>,
      }
      %scan3A_56 = arith.constant 128 : i32
      "tpu.region"() ({
        %run_scoped3A = tpu.sem_alloc : memref<!tpu.dma_semaphore, #tpu.memory_space<semaphore_mem>>
        %dma_start3A = arith.constant 0 : i32
        %dma_start3A_57 = arith.constant 0 : i32
        %dma_start3A_58 = tpu.memref_slice %arg7[%dma_start3A, %dma_start3A_57] : memref<10000x128xf32, #tpu.memory_space<vmem_shared>> -> memref<10000x128xf32, #tpu.memory_space<vmem_shared>>
        tpu.enqueue_indirect_dma source(%arg11 : memref<128x128xf32, #tpu.memory_space<vmem>>) target(%dma_start3A_58 : memref<10000x128xf32, #tpu.memory_space<vmem_shared>>) offsets(%arg9 : memref<128xi32, #tpu.memory_space<vmem>>) semaphore(%run_scoped3A : memref<!tpu.dma_semaphore, #tpu.memory_space<semaphore_mem>>) {add = true}
        %dma_wait3A = arith.constant 0 : i32
        %dma_wait3A_59 = arith.constant 0 : i32
        %dma_wait3A_60 = tpu.memref_slice %arg7[%dma_wait3A, %dma_wait3A_59] : memref<10000x128xf32, #tpu.memory_space<vmem_shared>> -> memref<10000x128xf32, #tpu.memory_space<vmem_shared>>
        tpu.wait_indirect_dma semaphore(%run_scoped3A : memref<!tpu.dma_semaphore, #tpu.memory_space<semaphore_mem>>) src(%arg11 : memref<128x128xf32, #tpu.memory_space<vmem>>) dst(%dma_wait3A_60 : memref<10000x128xf32, #tpu.memory_space<vmem_shared>>)
        tpu.yield
      }) : () -> ()
    }
    %scan3A_38 = arith.constant 84 : i32
    %barrier3A_39 = arith.constant 0 : index
    tpu.barrier barrier_id(%barrier3A_39)
    "tpu.region"() ({
      %run_scoped3A = tpu.sem_alloc : memref<!tpu.dma_semaphore, #tpu.memory_space<semaphore_mem>>
      %dma_start3A = arith.constant 0 : i32
      %dma_start3A_45 = tpu.memref_slice %arg6[%arg0, %mul3A_6, %dma_start3A] : memref<2x10000x128xf32, #tpu.memory_space<hbm>> -> memref<1x624x128xf32, #tpu.memory_space<hbm>>
      %dma_start3A_46 = tpu.memref_squeeze %dma_start3A_45 : memref<1x624x128xf32, #tpu.memory_space<hbm>> -> memref<624x128xf32, #tpu.memory_space<hbm>>
      %dma_start3A_47 = arith.constant 0 : i32
      %dma_start3A_48 = tpu.memref_slice %arg7[%mul3A_6, %dma_start3A_47] : memref<10000x128xf32, #tpu.memory_space<vmem_shared>> -> memref<624x128xf32, #tpu.memory_space<vmem_shared>>
      tpu.enqueue_dma source(%dma_start3A_48 : memref<624x128xf32, #tpu.memory_space<vmem_shared>>) target(%dma_start3A_46 : memref<624x128xf32, #tpu.memory_space<hbm>>) target_semaphore(%run_scoped3A : memref<!tpu.dma_semaphore, #tpu.memory_space<semaphore_mem>>)
      %dma_wait3A = arith.constant 0 : i32
      %dma_wait3A_49 = tpu.memref_slice %arg6[%arg0, %mul3A_6, %dma_wait3A] : memref<2x10000x128xf32, #tpu.memory_space<hbm>> -> memref<1x624x128xf32, #tpu.memory_space<hbm>>
      %dma_wait3A_50 = tpu.memref_squeeze %dma_wait3A_49 : memref<1x624x128xf32, #tpu.memory_space<hbm>> -> memref<624x128xf32, #tpu.memory_space<hbm>>
      %dma_wait3A_51 = arith.constant 0 : i32
      %dma_wait3A_52 = tpu.memref_slice %arg7[%mul3A_6, %dma_wait3A_51] : memref<10000x128xf32, #tpu.memory_space<vmem_shared>> -> memref<624x128xf32, #tpu.memory_space<vmem_shared>>
      tpu.wait_dma2 semaphore(%run_scoped3A : memref<!tpu.dma_semaphore, #tpu.memory_space<semaphore_mem>>) src(%dma_wait3A_52 : memref<624x128xf32, #tpu.memory_space<vmem_shared>>) dst(%dma_wait3A_50 : memref<624x128xf32, #tpu.memory_space<hbm>>)
      tpu.yield
    }) : () -> ()
    %eq3A_40 = arith.constant 15 : i32
    %eq3A_41 = arith.cmpi eq, %arg1, %eq3A_40 : i32
    %convert_element_type3A_42 = arith.extui %eq3A_41 : i1 to i32
    %cond3A_43 = arith.constant 0 : i32
    %cond3A_44 = arith.cmpi ne, %convert_element_type3A_42, %cond3A_43 : i32
    scf.if %cond3A_44 {
      "tpu.region"() ({
        %run_scoped3A = tpu.sem_alloc : memref<!tpu.dma_semaphore, #tpu.memory_space<semaphore_mem>>
        %dma_start3A = arith.constant 9984 : i32
        %dma_start3A_45 = arith.constant 0 : i32
        %dma_start3A_46 = tpu.memref_slice %arg6[%arg0, %dma_start3A, %dma_start3A_45] : memref<2x10000x128xf32, #tpu.memory_space<hbm>> -> memref<1x16x128xf32, #tpu.memory_space<hbm>>
        %dma_start3A_47 = tpu.memref_squeeze %dma_start3A_46 : memref<1x16x128xf32, #tpu.memory_space<hbm>> -> memref<16x128xf32, #tpu.memory_space<hbm>>
        %dma_start3A_48 = arith.constant 9984 : i32
        %dma_start3A_49 = arith.constant 0 : i32
        %dma_start3A_50 = tpu.memref_slice %arg7[%dma_start3A_48, %dma_start3A_49] : memref<10000x128xf32, #tpu.memory_space<vmem_shared>> -> memref<16x128xf32, #tpu.memory_space<vmem_shared>>
        tpu.enqueue_dma source(%dma_start3A_50 : memref<16x128xf32, #tpu.memory_space<vmem_shared>>) target(%dma_start3A_47 : memref<16x128xf32, #tpu.memory_space<hbm>>) target_semaphore(%run_scoped3A : memref<!tpu.dma_semaphore, #tpu.memory_space<semaphore_mem>>)
        %dma_wait3A = arith.constant 9984 : i32
        %dma_wait3A_51 = arith.constant 0 : i32
        %dma_wait3A_52 = tpu.memref_slice %arg6[%arg0, %dma_wait3A, %dma_wait3A_51] : memref<2x10000x128xf32, #tpu.memory_space<hbm>> -> memref<1x16x128xf32, #tpu.memory_space<hbm>>
        %dma_wait3A_53 = tpu.memref_squeeze %dma_wait3A_52 : memref<1x16x128xf32, #tpu.memory_space<hbm>> -> memref<16x128xf32, #tpu.memory_space<hbm>>
        %dma_wait3A_54 = arith.constant 9984 : i32
        %dma_wait3A_55 = arith.constant 0 : i32
        %dma_wait3A_56 = tpu.memref_slice %arg7[%dma_wait3A_54, %dma_wait3A_55] : memref<10000x128xf32, #tpu.memory_space<vmem_shared>> -> memref<16x128xf32, #tpu.memory_space<vmem_shared>>
        tpu.wait_dma2 semaphore(%run_scoped3A : memref<!tpu.dma_semaphore, #tpu.memory_space<semaphore_mem>>) src(%dma_wait3A_56 : memref<16x128xf32, #tpu.memory_space<vmem_shared>>) dst(%dma_wait3A_53 : memref<16x128xf32, #tpu.memory_space<hbm>>)
        tpu.yield
      }) : () -> ()
    } else {
    }
    return
  }
}

module attributes {stable_mosaic.version = 14 : i64} {
  func.func @_dis_body(%arg0: memref<2x80x128xf32, #tpu.memory_space<vmem>>, %arg1: memref<80x128xf32, #tpu.memory_space<vmem>>) attributes {dimension_semantics = [], scalar_prefetch = 0 : i64, scratch_operands = 0 : i64, tpu.core_type = #tpu.core_type<tc>} {
    %get3A = arith.constant 0 : index
    %get3A_0 = arith.constant 0 : index
    %get3A_1 = arith.constant 0 : index
    %get3A_2 = vector.load %arg0[%get3A, %get3A_0, %get3A_1] : memref<2x80x128xf32, #tpu.memory_space<vmem>>, vector<2x80x128xf32>
    %reduce_sum3A = arith.constant dense<0.000000e+00> : vector<80x128xf32>
    %reduce_sum3A_3 = vector.multi_reduction <add>, %get3A_2, %reduce_sum3A [0] : vector<2x80x128xf32> to vector<80x128xf32>
    %gt3A = arith.constant 0.000000e+00 : f32
    %gt3A_4 = vector.broadcast %gt3A : f32 to vector<80x128xf32>
    %gt3A_5 = arith.cmpf ogt, %reduce_sum3A_3, %gt3A_4 : vector<80x128xf32>
    %jit3A = arith.constant 1.000000e+00 : f32
    %broadcast_in_dim3A = vector.broadcast %jit3A : f32 to vector<80x128xf32>
    %select_n3A = arith.select %gt3A_5, %reduce_sum3A_3, %broadcast_in_dim3A : vector<80x128xi1>, vector<80x128xf32>
    %rsqrt3A = math.rsqrt %select_n3A : vector<80x128xf32>
    %jit3A_6 = arith.constant 0.000000e+00 : f32
    %broadcast_in_dim3A_7 = vector.broadcast %jit3A_6 : f32 to vector<80x128xf32>
    %select_n3A_8 = arith.select %gt3A_5, %rsqrt3A, %broadcast_in_dim3A_7 : vector<80x128xi1>, vector<80x128xf32>
    %swap3A = arith.constant 0 : index
    %swap3A_9 = arith.constant 0 : index
    %swap3A_10 = vector.load %arg1[%swap3A, %swap3A_9] : memref<80x128xf32, #tpu.memory_space<vmem>>, vector<80x128xf32>
    tpu.vector_store %arg1[%swap3A, %swap3A_9], %select_n3A_8 {strides = array<i32>} : memref<80x128xf32, #tpu.memory_space<vmem>>, vector<80x128xf32>,
    return
  }
}

module attributes {stable_mosaic.version = 14 : i64} {
  func.func @_in_body(%arg0: i32, %arg1: memref<1000x128xf32, #tpu.memory_space<vmem>>, %arg2: memref<128x128xf32, #tpu.memory_space<vmem>>, %arg3: memref<1000x1xf32, #tpu.memory_space<vmem>>, %arg4: memref<1000x128xf32, #tpu.memory_space<vmem>>) attributes {dimension_semantics = [#tpu.dimension_semantics<arbitrary>], iteration_bounds = array<i64: 10>, scalar_prefetch = 0 : i64, scratch_operands = 0 : i64, tpu.core_type = #tpu.core_type<tc>, window_params = [{transform_indices = @transform_0, window_bounds = array<i64: 1000, 128>}, {pipeline_mode = #tpu.pipeline_mode<synchronous>, transform_indices = @transform_1, window_bounds = array<i64: 128, 128>}, {transform_indices = @transform_2, window_bounds = array<i64: 1000, 1>}, {transform_indices = @transform_3, window_bounds = array<i64: 1000, 128>}]} {
    %get3A = arith.constant 0 : index
    %get3A_0 = arith.constant 0 : index
    %get3A_1 = vector.load %arg3[%get3A, %get3A_0] : memref<1000x1xf32, #tpu.memory_space<vmem>>, vector<1000x1xf32>
    %get3A_2 = arith.constant 0 : index
    %get3A_3 = arith.constant 0 : index
    %get3A_4 = vector.load %arg1[%get3A_2, %get3A_3] : memref<1000x128xf32, #tpu.memory_space<vmem>>, vector<1000x128xf32>
    %get3A_5 = arith.constant 0 : index
    %get3A_6 = arith.constant 0 : index
    %get3A_7 = vector.load %arg2[%get3A_5, %get3A_6] : memref<128x128xf32, #tpu.memory_space<vmem>>, vector<128x128xf32>
    %dot_general3A = arith.constant dense<0.000000e+00> : vector<1000x128xf32>
    %dot_general3A_8 = tpu.matmul %get3A_4, %get3A_7, %dot_general3A {dimension_numbers = #tpu.dot_dimension_numbers<[1], [0], [0], [1], [0, 0, 1, 1], [], []>, precision = #tpu.contract_precision<fp32>, transpose_lhs_hint = false} : vector<1000x128xf32>, vector<128x128xf32>, vector<1000x128xf32> -> vector<1000x128xf32>
    %mul3A = vector.broadcast %get3A_1 : vector<1000x1xf32> to vector<1000x128xf32>
    %mul3A_9 = arith.mulf %mul3A, %dot_general3A_8 : vector<1000x128xf32>
    %swap3A = arith.constant 0 : index
    %swap3A_10 = arith.constant 0 : index
    %swap3A_11 = vector.load %arg4[%swap3A, %swap3A_10] : memref<1000x128xf32, #tpu.memory_space<vmem>>, vector<1000x128xf32>
    tpu.vector_store %arg4[%swap3A, %swap3A_10], %mul3A_9 {strides = array<i32>} : memref<1000x128xf32, #tpu.memory_space<vmem>>, vector<1000x128xf32>,
    return
  }
  func.func @transform_0(%arg0: i32) -> (i32, i32) {
    %c0_i32 = arith.constant 0 : i32
    %c0_i32_0 = arith.constant 0 : i32
    return %arg0, %c0_i32 : i32, i32
  }
  func.func @transform_1(%arg0: i32) -> (i32, i32) {
    %c0_i32 = arith.constant 0 : i32
    %c0_i32_0 = arith.constant 0 : i32
    %c0_i32_1 = arith.constant 0 : i32
    return %c0_i32, %c0_i32_0 : i32, i32
  }
  func.func @transform_2(%arg0: i32) -> (i32, i32) {
    %c0_i32 = arith.constant 0 : i32
    %c0_i32_0 = arith.constant 0 : i32
    return %arg0, %c0_i32 : i32, i32
  }
  func.func @transform_3(%arg0: i32) -> (i32, i32) {
    %c0_i32 = arith.constant 0 : i32
    %c0_i32_0 = arith.constant 0 : i32
    return %arg0, %c0_i32 : i32, i32
  }
}

module attributes {stable_mosaic.version = 14 : i64} {
  func.func @_mid_body(%arg0: i32, %arg1: memref<2x1000x128xf32, #tpu.memory_space<vmem>>, %arg2: memref<1x128xf32, #tpu.memory_space<vmem>>, %arg3: memref<1000x1xf32, #tpu.memory_space<vmem>>, %arg4: memref<128x128xf32, #tpu.memory_space<vmem>>, %arg5: memref<1000x128xf32, #tpu.memory_space<vmem>>, %arg6: memref<1000x128xf32, #tpu.memory_space<vmem>>) attributes {dimension_semantics = [#tpu.dimension_semantics<arbitrary>], iteration_bounds = array<i64: 10>, scalar_prefetch = 0 : i64, scratch_operands = 0 : i64, tpu.core_type = #tpu.core_type<tc>, window_params = [{transform_indices = @transform_0, window_bounds = array<i64: 2, 1000, 128>}, {pipeline_mode = #tpu.pipeline_mode<synchronous>, transform_indices = @transform_1, window_bounds = array<i64: 1, 128>}, {transform_indices = @transform_2, window_bounds = array<i64: 1000, 1>}, {pipeline_mode = #tpu.pipeline_mode<synchronous>, transform_indices = @transform_3, window_bounds = array<i64: 128, 128>}, {transform_indices = @transform_4, window_bounds = array<i64: 1000, 128>}, {transform_indices = @transform_5, window_bounds = array<i64: 1000, 128>}]} {
    %get3A = arith.constant 0 : index
    %get3A_0 = arith.constant 0 : index
    %get3A_1 = arith.constant 0 : index
    %get3A_2 = vector.load %arg1[%get3A, %get3A_0, %get3A_1] : memref<2x1000x128xf32, #tpu.memory_space<vmem>>, vector<1x1000x128xf32>
    %get3A_3 = vector.shape_cast %get3A_2 : vector<1x1000x128xf32> to vector<1000x128xf32>
    %get3A_4 = arith.constant 1 : index
    %get3A_5 = arith.constant 0 : index
    %get3A_6 = arith.constant 0 : index
    %get3A_7 = vector.load %arg1[%get3A_4, %get3A_5, %get3A_6] : memref<2x1000x128xf32, #tpu.memory_space<vmem>>, vector<1x1000x128xf32>
    %get3A_8 = vector.shape_cast %get3A_7 : vector<1x1000x128xf32> to vector<1000x128xf32>
    %add3A = arith.addf %get3A_3, %get3A_8 : vector<1000x128xf32>
    %get3A_9 = arith.constant 0 : index
    %get3A_10 = arith.constant 0 : index
    %get3A_11 = vector.load %arg3[%get3A_9, %get3A_10] : memref<1000x1xf32, #tpu.memory_space<vmem>>, vector<1000x1xf32>
    %mul3A = vector.broadcast %get3A_11 : vector<1000x1xf32> to vector<1000x128xf32>
    %mul3A_12 = arith.mulf %mul3A, %add3A : vector<1000x128xf32>
    %get3A_13 = arith.constant 0 : index
    %get3A_14 = arith.constant 0 : index
    %get3A_15 = vector.load %arg2[%get3A_13, %get3A_14] : memref<1x128xf32, #tpu.memory_space<vmem>>, vector<1x128xf32>
    %add3A_16 = vector.broadcast %get3A_15 : vector<1x128xf32> to vector<1000x128xf32>
    %add3A_17 = arith.addf %mul3A_12, %add3A_16 : vector<1000x128xf32>
    %max3A = arith.constant 0.000000e+00 : f32
    %max3A_18 = vector.broadcast %max3A : f32 to vector<1000x128xf32>
    %max3A_19 = arith.maximumf %add3A_17, %max3A_18 : vector<1000x128xf32>
    %swap3A = arith.constant 0 : index
    %swap3A_20 = arith.constant 0 : index
    %swap3A_21 = vector.load %arg5[%swap3A, %swap3A_20] : memref<1000x128xf32, #tpu.memory_space<vmem>>, vector<1000x128xf32>
    tpu.vector_store %arg5[%swap3A, %swap3A_20], %max3A_19 {strides = array<i32>} : memref<1000x128xf32, #tpu.memory_space<vmem>>, vector<1000x128xf32>,
    %get3A_22 = arith.constant 0 : index
    %get3A_23 = arith.constant 0 : index
    %get3A_24 = vector.load %arg3[%get3A_22, %get3A_23] : memref<1000x1xf32, #tpu.memory_space<vmem>>, vector<1000x1xf32>
    %get3A_25 = arith.constant 0 : index
    %get3A_26 = arith.constant 0 : index
    %get3A_27 = vector.load %arg4[%get3A_25, %get3A_26] : memref<128x128xf32, #tpu.memory_space<vmem>>, vector<128x128xf32>
    %dot_general3A = arith.constant dense<0.000000e+00> : vector<1000x128xf32>
    %dot_general3A_28 = tpu.matmul %max3A_19, %get3A_27, %dot_general3A {dimension_numbers = #tpu.dot_dimension_numbers<[1], [0], [0], [1], [0, 0, 1, 1], [], []>, precision = #tpu.contract_precision<fp32>, transpose_lhs_hint = false} : vector<1000x128xf32>, vector<128x128xf32>, vector<1000x128xf32> -> vector<1000x128xf32>
    %mul3A_29 = vector.broadcast %get3A_24 : vector<1000x1xf32> to vector<1000x128xf32>
    %mul3A_30 = arith.mulf %mul3A_29, %dot_general3A_28 : vector<1000x128xf32>
    %swap3A_31 = arith.constant 0 : index
    %swap3A_32 = arith.constant 0 : index
    %swap3A_33 = vector.load %arg6[%swap3A_31, %swap3A_32] : memref<1000x128xf32, #tpu.memory_space<vmem>>, vector<1000x128xf32>
    tpu.vector_store %arg6[%swap3A_31, %swap3A_32], %mul3A_30 {strides = array<i32>} : memref<1000x128xf32, #tpu.memory_space<vmem>>, vector<1000x128xf32>,
    return
  }
  func.func @transform_0(%arg0: i32) -> (i32, i32, i32) {
    %c0_i32 = arith.constant 0 : i32
    %c0_i32_0 = arith.constant 0 : i32
    %c0_i32_1 = arith.constant 0 : i32
    return %c0_i32, %arg0, %c0_i32_0 : i32, i32, i32
  }
  func.func @transform_1(%arg0: i32) -> (i32, i32) {
    %c0_i32 = arith.constant 0 : i32
    %c0_i32_0 = arith.constant 0 : i32
    %c0_i32_1 = arith.constant 0 : i32
    return %c0_i32, %c0_i32_0 : i32, i32
  }
  func.func @transform_2(%arg0: i32) -> (i32, i32) {
    %c0_i32 = arith.constant 0 : i32
    %c0_i32_0 = arith.constant 0 : i32
    return %arg0, %c0_i32 : i32, i32
  }
  func.func @transform_3(%arg0: i32) -> (i32, i32) {
    %c0_i32 = arith.constant 0 : i32
    %c0_i32_0 = arith.constant 0 : i32
    %c0_i32_1 = arith.constant 0 : i32
    return %c0_i32, %c0_i32_0 : i32, i32
  }
  func.func @transform_4(%arg0: i32) -> (i32, i32) {
    %c0_i32 = arith.constant 0 : i32
    %c0_i32_0 = arith.constant 0 : i32
    return %arg0, %c0_i32 : i32, i32
  }
  func.func @transform_5(%arg0: i32) -> (i32, i32) {
    %c0_i32 = arith.constant 0 : i32
    %c0_i32_0 = arith.constant 0 : i32
    return %arg0, %c0_i32 : i32, i32
  }
}

module attributes {stable_mosaic.version = 14 : i64} {
  func.func @_out_body(%arg0: i32, %arg1: memref<2x1000x128xf32, #tpu.memory_space<vmem>>, %arg2: memref<1x128xf32, #tpu.memory_space<vmem>>, %arg3: memref<1000x1xf32, #tpu.memory_space<vmem>>, %arg4: memref<1000x128xf32, #tpu.memory_space<vmem>>) attributes {dimension_semantics = [#tpu.dimension_semantics<arbitrary>], iteration_bounds = array<i64: 10>, scalar_prefetch = 0 : i64, scratch_operands = 0 : i64, tpu.core_type = #tpu.core_type<tc>, window_params = [{transform_indices = @transform_0, window_bounds = array<i64: 2, 1000, 128>}, {pipeline_mode = #tpu.pipeline_mode<synchronous>, transform_indices = @transform_1, window_bounds = array<i64: 1, 128>}, {transform_indices = @transform_2, window_bounds = array<i64: 1000, 1>}, {transform_indices = @transform_3, window_bounds = array<i64: 1000, 128>}]} {
    %get3A = arith.constant 0 : index
    %get3A_0 = arith.constant 0 : index
    %get3A_1 = arith.constant 0 : index
    %get3A_2 = vector.load %arg1[%get3A, %get3A_0, %get3A_1] : memref<2x1000x128xf32, #tpu.memory_space<vmem>>, vector<1x1000x128xf32>
    %get3A_3 = vector.shape_cast %get3A_2 : vector<1x1000x128xf32> to vector<1000x128xf32>
    %get3A_4 = arith.constant 1 : index
    %get3A_5 = arith.constant 0 : index
    %get3A_6 = arith.constant 0 : index
    %get3A_7 = vector.load %arg1[%get3A_4, %get3A_5, %get3A_6] : memref<2x1000x128xf32, #tpu.memory_space<vmem>>, vector<1x1000x128xf32>
    %get3A_8 = vector.shape_cast %get3A_7 : vector<1x1000x128xf32> to vector<1000x128xf32>
    %add3A = arith.addf %get3A_3, %get3A_8 : vector<1000x128xf32>
    %get3A_9 = arith.constant 0 : index
    %get3A_10 = arith.constant 0 : index
    %get3A_11 = vector.load %arg3[%get3A_9, %get3A_10] : memref<1000x1xf32, #tpu.memory_space<vmem>>, vector<1000x1xf32>
    %mul3A = vector.broadcast %get3A_11 : vector<1000x1xf32> to vector<1000x128xf32>
    %mul3A_12 = arith.mulf %mul3A, %add3A : vector<1000x128xf32>
    %get3A_13 = arith.constant 0 : index
    %get3A_14 = arith.constant 0 : index
    %get3A_15 = vector.load %arg2[%get3A_13, %get3A_14] : memref<1x128xf32, #tpu.memory_space<vmem>>, vector<1x128xf32>
    %add3A_16 = vector.broadcast %get3A_15 : vector<1x128xf32> to vector<1000x128xf32>
    %add3A_17 = arith.addf %mul3A_12, %add3A_16 : vector<1000x128xf32>
    %max3A = arith.constant 0.000000e+00 : f32
    %max3A_18 = vector.broadcast %max3A : f32 to vector<1000x128xf32>
    %max3A_19 = arith.maximumf %add3A_17, %max3A_18 : vector<1000x128xf32>
    %swap3A = arith.constant 0 : index
    %swap3A_20 = arith.constant 0 : index
    %swap3A_21 = vector.load %arg4[%swap3A, %swap3A_20] : memref<1000x128xf32, #tpu.memory_space<vmem>>, vector<1000x128xf32>
    tpu.vector_store %arg4[%swap3A, %swap3A_20], %max3A_19 {strides = array<i32>} : memref<1000x128xf32, #tpu.memory_space<vmem>>, vector<1000x128xf32>,
    return
  }
  func.func @transform_0(%arg0: i32) -> (i32, i32, i32) {
    %c0_i32 = arith.constant 0 : i32
    %c0_i32_0 = arith.constant 0 : i32
    %c0_i32_1 = arith.constant 0 : i32
    return %c0_i32, %arg0, %c0_i32_0 : i32, i32, i32
  }
  func.func @transform_1(%arg0: i32) -> (i32, i32) {
    %c0_i32 = arith.constant 0 : i32
    %c0_i32_0 = arith.constant 0 : i32
    %c0_i32_1 = arith.constant 0 : i32
    return %c0_i32, %c0_i32_0 : i32, i32
  }
  func.func @transform_2(%arg0: i32) -> (i32, i32) {
    %c0_i32 = arith.constant 0 : i32
    %c0_i32_0 = arith.constant 0 : i32
    return %arg0, %c0_i32 : i32, i32
  }
  func.func @transform_3(%arg0: i32) -> (i32, i32) {
    %c0_i32 = arith.constant 0 : i32
    %c0_i32_0 = arith.constant 0 : i32
    return %arg0, %c0_i32 : i32, i32
  }
}

module attributes {stable_mosaic.version = 14 : i64} {
  func.func @_pad_body(%arg0: memref<10000x128xf32, #tpu.memory_space<vmem>>, %arg1: memref<10000x128xf32, #tpu.memory_space<vmem>>, %arg2: memref<10000x128xf32, #tpu.memory_space<vmem>>, %arg3: memref<10080x384xf32, #tpu.memory_space<vmem>>) attributes {dimension_semantics = [], scalar_prefetch = 0 : i64, scratch_operands = 0 : i64, tpu.core_type = #tpu.core_type<tc>} {
    %get3A = arith.constant 0 : index
    %get3A_0 = arith.constant 0 : index
    %get3A_1 = vector.load %arg0[%get3A, %get3A_0] : memref<10000x128xf32, #tpu.memory_space<vmem>>, vector<10000x128xf32>
    %get3A_2 = arith.constant 0 : index
    %get3A_3 = arith.constant 0 : index
    %get3A_4 = vector.load %arg1[%get3A_2, %get3A_3] : memref<10000x128xf32, #tpu.memory_space<vmem>>, vector<10000x128xf32>
    %get3A_5 = arith.constant 0 : index
    %get3A_6 = arith.constant 0 : index
    %get3A_7 = vector.load %arg2[%get3A_5, %get3A_6] : memref<10000x128xf32, #tpu.memory_space<vmem>>, vector<10000x128xf32>
    %reduce_min3A = vector.shape_cast %get3A_1 : vector<10000x128xf32> to vector<1x10000x128xf32>
    %reduce_min3A_8 = arith.constant dense<0x7F800000> : vector<1xf32>
    %reduce_min3A_9 = vector.multi_reduction <minimumf>, %reduce_min3A, %reduce_min3A_8 [1, 2] : vector<1x10000x128xf32> to vector<1xf32>
    %reduce_min3A_10 = vector.shape_cast %reduce_min3A_9 : vector<1xf32> to vector<1x1x1xf32>
    %reduce_min3A_11 = vector.extract %reduce_min3A_10[0, 0, 0] : f32 from vector<1x1x1xf32>
    %reduce_min3A_12 = vector.shape_cast %get3A_4 : vector<10000x128xf32> to vector<1x10000x128xf32>
    %reduce_min3A_13 = arith.constant dense<0x7F800000> : vector<1xf32>
    %reduce_min3A_14 = vector.multi_reduction <minimumf>, %reduce_min3A_12, %reduce_min3A_13 [1, 2] : vector<1x10000x128xf32> to vector<1xf32>
    %reduce_min3A_15 = vector.shape_cast %reduce_min3A_14 : vector<1xf32> to vector<1x1x1xf32>
    %reduce_min3A_16 = vector.extract %reduce_min3A_15[0, 0, 0] : f32 from vector<1x1x1xf32>
    %min3A = arith.minimumf %reduce_min3A_11, %reduce_min3A_16 : f32
    %reduce_min3A_17 = vector.shape_cast %get3A_7 : vector<10000x128xf32> to vector<1x10000x128xf32>
    %reduce_min3A_18 = arith.constant dense<0x7F800000> : vector<1xf32>
    %reduce_min3A_19 = vector.multi_reduction <minimumf>, %reduce_min3A_17, %reduce_min3A_18 [1, 2] : vector<1x10000x128xf32> to vector<1xf32>
    %reduce_min3A_20 = vector.shape_cast %reduce_min3A_19 : vector<1xf32> to vector<1x1x1xf32>
    %reduce_min3A_21 = vector.extract %reduce_min3A_20[0, 0, 0] : f32 from vector<1x1x1xf32>
    %min3A_22 = arith.minimumf %min3A, %reduce_min3A_21 : f32
    %sub3A = arith.constant 1.000000e+00 : f32
    %sub3A_23 = arith.subf %min3A_22, %sub3A : f32
    %swap3A = arith.constant 0 : index
    %swap3A_24 = arith.constant 0 : index
    %swap3A_25 = vector.load %arg3[%swap3A, %swap3A_24] : memref<10080x384xf32, #tpu.memory_space<vmem>>, vector<10000x128xf32>
    tpu.vector_store %arg3[%swap3A, %swap3A_24], %get3A_1 {strides = array<i32>} : memref<10080x384xf32, #tpu.memory_space<vmem>>, vector<10000x128xf32>,
    %swap3A_26 = arith.constant 0 : index
    %swap3A_27 = arith.constant 128 : index
    %swap3A_28 = vector.load %arg3[%swap3A_26, %swap3A_27] : memref<10080x384xf32, #tpu.memory_space<vmem>>, vector<10000x128xf32>
    tpu.vector_store %arg3[%swap3A_26, %swap3A_27], %get3A_4 {strides = array<i32>} : memref<10080x384xf32, #tpu.memory_space<vmem>>, vector<10000x128xf32>,
    %swap3A_29 = arith.constant 0 : index
    %swap3A_30 = arith.constant 256 : index
    %swap3A_31 = vector.load %arg3[%swap3A_29, %swap3A_30] : memref<10080x384xf32, #tpu.memory_space<vmem>>, vector<10000x128xf32>
    tpu.vector_store %arg3[%swap3A_29, %swap3A_30], %get3A_7 {strides = array<i32>} : memref<10080x384xf32, #tpu.memory_space<vmem>>, vector<10000x128xf32>,
    %broadcast_in_dim3A = vector.broadcast %sub3A_23 : f32 to vector<80x384xf32>
    %swap3A_32 = arith.constant 10000 : index
    %swap3A_33 = arith.constant 0 : index
    %swap3A_34 = vector.load %arg3[%swap3A_32, %swap3A_33] : memref<10080x384xf32, #tpu.memory_space<vmem>>, vector<80x384xf32>
    tpu.vector_store %arg3[%swap3A_32, %swap3A_33], %broadcast_in_dim3A {strides = array<i32>} : memref<10080x384xf32, #tpu.memory_space<vmem>>, vector<80x384xf32>,
    return
  }
}

module attributes {stable_mosaic.version = 14 : i64} {
  func.func @_mlp_body(%arg0: memref<112x34560xf32, #tpu.memory_space<vmem>>, %arg1: memref<34560x64xf32, #tpu.memory_space<vmem>>, %arg2: memref<1x64xf32, #tpu.memory_space<vmem>>, %arg3: memref<64x10xf32, #tpu.memory_space<vmem>>, %arg4: memref<1x10xf32, #tpu.memory_space<vmem>>, %arg5: memref<112x10xf32, #tpu.memory_space<vmem>>) attributes {dimension_semantics = [], scalar_prefetch = 0 : i64, scratch_operands = 0 : i64, tpu.core_type = #tpu.core_type<tc>} {
    %get3A = arith.constant 0 : index
    %get3A_0 = arith.constant 0 : index
    %get3A_1 = vector.load %arg0[%get3A, %get3A_0] : memref<112x34560xf32, #tpu.memory_space<vmem>>, vector<112x34560xf32>
    %get3A_2 = arith.constant 0 : index
    %get3A_3 = arith.constant 0 : index
    %get3A_4 = vector.load %arg1[%get3A_2, %get3A_3] : memref<34560x64xf32, #tpu.memory_space<vmem>>, vector<34560x64xf32>
    %dot_general3A = arith.constant dense<0.000000e+00> : vector<112x64xf32>
    %dot_general3A_5 = tpu.matmul %get3A_1, %get3A_4, %dot_general3A {dimension_numbers = #tpu.dot_dimension_numbers<[1], [0], [0], [1], [0, 0, 1, 1], [], []>, precision = #tpu.contract_precision<fp32>, transpose_lhs_hint = false} : vector<112x34560xf32>, vector<34560x64xf32>, vector<112x64xf32> -> vector<112x64xf32>
    %get3A_6 = arith.constant 0 : index
    %get3A_7 = arith.constant 0 : index
    %get3A_8 = vector.load %arg2[%get3A_6, %get3A_7] : memref<1x64xf32, #tpu.memory_space<vmem>>, vector<1x64xf32>
    %add3A = vector.broadcast %get3A_8 : vector<1x64xf32> to vector<112x64xf32>
    %add3A_9 = arith.addf %dot_general3A_5, %add3A : vector<112x64xf32>
    %max3A = arith.constant 0.000000e+00 : f32
    %max3A_10 = vector.broadcast %max3A : f32 to vector<112x64xf32>
    %max3A_11 = arith.maximumf %add3A_9, %max3A_10 : vector<112x64xf32>
    %get3A_12 = arith.constant 0 : index
    %get3A_13 = arith.constant 0 : index
    %get3A_14 = vector.load %arg3[%get3A_12, %get3A_13] : memref<64x10xf32, #tpu.memory_space<vmem>>, vector<64x10xf32>
    %dot_general3A_15 = arith.constant dense<0.000000e+00> : vector<112x10xf32>
    %dot_general3A_16 = tpu.matmul %max3A_11, %get3A_14, %dot_general3A_15 {dimension_numbers = #tpu.dot_dimension_numbers<[1], [0], [0], [1], [0, 0, 1, 1], [], []>, precision = #tpu.contract_precision<fp32>, transpose_lhs_hint = false} : vector<112x64xf32>, vector<64x10xf32>, vector<112x10xf32> -> vector<112x10xf32>
    %get3A_17 = arith.constant 0 : index
    %get3A_18 = arith.constant 0 : index
    %get3A_19 = vector.load %arg4[%get3A_17, %get3A_18] : memref<1x10xf32, #tpu.memory_space<vmem>>, vector<1x10xf32>
    %add3A_20 = vector.broadcast %get3A_19 : vector<1x10xf32> to vector<112x10xf32>
    %add3A_21 = arith.addf %dot_general3A_16, %add3A_20 : vector<112x10xf32>
    %reduce_max3A = arith.constant dense<0xFF800000> : vector<112xf32>
    %reduce_max3A_22 = vector.multi_reduction <maximumf>, %add3A_21, %reduce_max3A [1] : vector<112x10xf32> to vector<112xf32>
    %broadcast_in_dim3A = vector.shape_cast %reduce_max3A_22 : vector<112xf32> to vector<112x1xf32>
    %sub3A = vector.broadcast %broadcast_in_dim3A : vector<112x1xf32> to vector<112x10xf32>
    %sub3A_23 = arith.subf %add3A_21, %sub3A : vector<112x10xf32>
    %exp3A = math.exp %sub3A_23 : vector<112x10xf32>
    %reduce_sum3A = arith.constant dense<0.000000e+00> : vector<112xf32>
    %reduce_sum3A_24 = vector.multi_reduction <add>, %exp3A, %reduce_sum3A [1] : vector<112x10xf32> to vector<112xf32>
    %broadcast_in_dim3A_25 = vector.shape_cast %reduce_sum3A_24 : vector<112xf32> to vector<112x1xf32>
    %log3A = math.log %broadcast_in_dim3A_25 : vector<112x1xf32>
    %add3A_26 = arith.addf %log3A, %broadcast_in_dim3A : vector<112x1xf32>
    %sub3A_27 = vector.broadcast %add3A_26 : vector<112x1xf32> to vector<112x10xf32>
    %sub3A_28 = arith.subf %add3A_21, %sub3A_27 : vector<112x10xf32>
    %swap3A = arith.constant 0 : index
    %swap3A_29 = arith.constant 0 : index
    %swap3A_30 = vector.load %arg5[%swap3A, %swap3A_29] : memref<112x10xf32, #tpu.memory_space<vmem>>, vector<112x10xf32>
    tpu.vector_store %arg5[%swap3A, %swap3A_29], %sub3A_28 {strides = array<i32>} : memref<112x10xf32, #tpu.memory_space<vmem>>, vector<112x10xf32>,
    return
  }
}

</mosaic_0001>

<sc_bundles>
// kernel: kernel.13.cloned.1.call-start
scs
__scs_entry_jumppad:
0x0: {  	(pc) =	sbr.rel $0x88, $3  }
0x1: {  	(tag) =	ssettag $0x0;
	lr =	simm.s32 $0x1  }
0x2: {  	[smem:$0x3F94] =	sst lr;
	_ =	strace $0xD0000000  }
0x3: {  	_ = 	snop  }
0x4: {  	_ = 	snop  }
0x5: {  	_ = 	snop  }
0x6: {  	_ = 	snop  }
0x7: {  	_ = 	snop  }
__scs_overlays_trampoline_lowered:
0x8: {  	[smem:$0x3FA3] =	sst s0  }
0x9: {  	[smem:$0x3FA4] =	sst s1  }
0xa: {  	[smem:$0x3FA5] =	sst s2  }
0xb: {  	[smem:$0x3FA6] =	sst s3  }
0xc: {  	[smem:$0x3FA7] =	sst s4  }
0xd: {  	[smem:$0x3FA8] =	sst s5  }
0xe: {  	[smem:$0x3FA9] =	sst s6  }
0xf: {  	[smem:$0x3FAA] =	sst s7  }
0x10: {  	[smem:$0x3FAB] =	sst s8  }
0x11: {  	[smem:$0x3FAC] =	sst s9;
	s0 =	simm.s32 @!p0 $0x0  }
0x12: {  	s1 =	sld [smem:$0x3F92];
	s0 =	simm.s32 @p0 $0x1  }
0x13: {  	[smem:$0x3FAD] =	sst s0;
	s0 =	simm.s32 @!p1 $0x0  }
0x14: {  	s2 =	sld [smem:$0x3F91];
	s0 =	simm.s32 @p1 $0x1  }
0x15: {  	[smem:$0x3FAE] =	sst s0;
	s0 =	simm.s32 @!p2 $0x0  }
0x16: {  	s3 =	sld [smem:$0x3FDB];
	s0 =	simm.s32 @p2 $0x1  }
0x17: {  	s4 =	simm.s32 $0x1BF5;
	[smem:$0x3FB0] =	sst s0  }
0x18: {  	s0 =	sld [smem:$0x3F93];
	_ =	swait.ge [sflag:s4], $0x0  }
0x19: {  	s7 =	sld [smem:$0x3F94]  }
0x1a: {  	s8 =	sadd.s32 $0xFFFFE003, lr  }
0x1b: {  	s9 =	sadd.s32 $0xFFFFFEF7, lr;
	s5 =	simm.s32 $0xFFFFFFFF;
	p2 =	slt.u32 s8, $0xFFFFF086  }
0x1c: {  	p1 =	slt.u32 s9, $0xF7A;
	s5 =	simm.s32 @!p2 $0x0  }
0x1d: {  	s5 =	simm.s32 @p1 $0x1;
	p0 =	seq.s32 s7, s2  }
0x1e: {  	s7 =	smul.u32 @!p0 $0xF7A, s2;
	p2 =	seq.s32 @!p0 s5, $0x0  }
0x1f: {  	s9 =	smul.u32 $0xF7A, s1;
	s8 =	simm.s32 @!p0 $0x1BF5;
	p2 =	por !p2, p0  }
0x20: {  	[sflag:s8] =	ssyncset.s32 @!p0 $0xFFFFF086;
	s6 =	sadd.s32 @!p0 s3, s7;
	s7 =	simm.s32 @!p0 $0x108  }
0x21: {  	s3 =	sadd.s32 s3, s9;
	s6 =	sadd.s32 @!p0 $0x88, s6;
	s7 =	simm.s32 @p2 $0x1082  }
0x22: {  	[simem:s7], [sflag:s8] =	dma.local @!p0 [hbm:s6], $0xF7A  }
0x23: {  	s9 =	sor.u32 $0xD0000000, s2;
	s6 =	simm.s32 $0x108;
	_ =	swait.ge @!p0 [sflag:s8], $0x0  }
0x24: {  	s3 =	sadd.s32 $0x88, s3;
	s6 =	simm.s32 @!p1 $0x1082;
	[sflag:s4] =	ssyncset.s32 $0xFFFFF086  }
0x25: {  	[simem:s6], [sflag:s4] =	dma.local [hbm:s3], $0xF7A  }
0x26: {  	[smem:$0x3F94] =	sst s1;
	(tag) =	ssettag s2;
	_ =	strace s9  }
0x27: {  	s1 =	sld [smem:$0x3FA4]  }
0x28: {  	s2 =	sld [smem:$0x3FA5]  }
0x29: {  	s4 =	sld [smem:$0x3FA7]  }
0x2a: {  	p0 =	seq.s32 s5, $0x0;
	s5 =	sld [smem:$0x3FA8]  }
0x2b: {  	s6 =	sld [smem:$0x3FA9]  }
0x2c: {  	s7 =	sld [smem:$0x3FAA]  }
0x2d: {  	s3 =	simm.s32 $0x108;
	s8 =	sld [smem:$0x3FAB]  }
0x2e: {  	s3 =	simm.s32 @!p0 $0x1082;
	s9 =	sld [smem:$0x3FAC]  }
0x2f: {  	lr =	sadd.s32 s0, s3;
	s0 =	sld [smem:$0x3FA3]  }
0x30: {  	s3 =	sld [smem:$0x3FA6]  }
0x31: {  	[smem:$0x3FAF] =	sst s10  }
0x32: {  	s10 =	sld [smem:$0x3FAD];
	_ =	sdelay $0x3  }
0x33: {  	p0 =	seq.s32 s10, $0x1;
	s10 =	sld [smem:$0x3FAF];
	_ =	sdelay $0x3  }
0x34: {  	[smem:$0x3FAF] =	sst s10  }
0x35: {  	s10 =	sld [smem:$0x3FAE];
	_ =	sdelay $0x3  }
0x36: {  	p1 =	seq.s32 s10, $0x1;
	s10 =	sld [smem:$0x3FAF];
	_ =	sdelay $0x3  }
0x37: {  	[smem:$0x3FAF] =	sst s10  }
0x38: {  	s10 =	sld [smem:$0x3FB0]  }
0x39: {  	_ = 	snop;
	(pc) =	sbr.ind lr, $3  }
0x3a: {  	_ = 	snop  }
0x3b: {  	_ = 	snop  }
0x3c: {  	p2 =	seq.s32 s10, $0x1;
	s10 =	sld [smem:$0x3FAF]  }
0x3d: {  	_ =	shalt  }
0x3e: {  	_ =	shalt  }
0x3f: {  	_ =	shalt  }
0x40: {  	_ =	shalt  }
0x41: {  	_ =	shalt  }
0x42: {  	_ =	shalt  }
0x43: {  	_ =	shalt  }
0x44: {  	_ =	shalt  }
0x45: {  	_ =	shalt  }
0x46: {  	_ =	shalt  }
0x47: {  	_ =	shalt  }
0x48: {  	_ =	shalt  }
0x49: {  	_ =	shalt  }
0x4a: {  	_ =	shalt  }
0x4b: {  	_ =	shalt  }
0x4c: {  	_ =	shalt  }
0x4d: {  	_ =	shalt  }
0x4e: {  	_ =	shalt  }
0x4f: {  	_ =	shalt  }
0x50: {  	_ =	shalt  }
0x51: {  	_ =	shalt  }
0x52: {  	_ =	shalt  }
0x53: {  	_ =	shalt  }
0x54: {  	_ =	shalt  }
0x55: {  	_ =	shalt  }
0x56: {  	_ =	shalt  }
0x57: {  	_ =	shalt  }
0x58: {  	_ =	shalt  }
0x59: {  	_ =	shalt  }
0x5a: {  	_ =	shalt  }
0x5b: {  	_ =	shalt  }
0x5c: {  	_ =	shalt  }
0x5d: {  	_ =	shalt  }
0x5e: {  	_ =	shalt  }
0x5f: {  	_ =	shalt  }
0x60: {  	_ =	shalt  }
0x61: {  	_ =	shalt  }
0x62: {  	_ =	shalt  }
0x63: {  	_ =	shalt  }
0x64: {  	_ =	shalt  }
0x65: {  	_ =	shalt  }
0x66: {  	_ =	shalt  }
0x67: {  	_ =	shalt  }
0x68: {  	_ =	shalt  }
0x69: {  	_ =	shalt  }
0x6a: {  	_ =	shalt  }
0x6b: {  	_ =	shalt  }
0x6c: {  	_ =	shalt  }
0x6d: {  	_ =	shalt  }
0x6e: {  	_ =	shalt  }
0x6f: {  	_ =	shalt  }
0x70: {  	_ =	shalt  }
0x71: {  	_ =	shalt  }
0x72: {  	_ =	shalt  }
0x73: {  	_ =	shalt  }
0x74: {  	_ =	shalt  }
0x75: {  	_ =	shalt  }
0x76: {  	_ =	shalt  }
0x77: {  	_ =	shalt  }
0x78: {  	_ =	shalt  }
0x79: {  	_ =	shalt  }
0x7a: {  	_ =	shalt  }
0x7b: {  	_ =	shalt  }
0x7c: {  	_ =	shalt  }
0x7d: {  	_ =	shalt  }
0x7e: {  	_ =	shalt  }
0x7f: {  	_ =	shalt  }
0x80: {  	_ =	shalt  }
0x81: {  	_ =	shalt  }
0x82: {  	_ =	shalt  }
0x83: {  	_ =	shalt  }
0x84: {  	_ =	shalt  }
0x85: {  	_ =	shalt  }
0x86: {  	_ =	shalt  }
0x87: {  	_ =	shalt  }
.Lfunc_end0:
.L_simem_size_0:
called_computation_lowered:
.L_overlay_start_0:
0x88: {  	s2 =	sld [smem:$0x3FD9]  }
0x89: {  	s3 =	sld [smem:$0x3FFE];
	_ =	sdelay $0x1  }
0x8a: {  	s1 =	srdreg.scid  }
0x8b: {  	s0 =	sand.u32 $0x1, s1  }
0x8c: {  	s16 =	sshll.u32 s0, $0xA;
	s2 =	sadd.s32 s3, s2  }
0x8d: {  	s2 =	sadd.s32 s2, s16  }
0x8e: {  	[smem:$0x3FBB] =	sst s2  }
0x8f: {  	_ = 	snop  }
0x90: {  	(tm) =	ssettm $0x1  }
0x91: {  	s17 =	sld [smem:$0x3FFB];
	_ =	sdelay $0x3  }
0x92: {  	_ =	strace s17  }
0x93: {  	s2 =	sld [smem:$0x3FFC];
	_ =	sdelay $0x3  }
0x94: {  	_ =	strace s2  }
0x95: {  	s2 =	sld [smem:$0x3FFD];
	_ =	sdelay $0x3  }
0x96: {  	_ =	strace s2  }
0x97: {  	_ =	strace $0x8FFFFFFF  }
0x98: {  	s18 =	sld [smem:$0x3FDB];
	_ =	sdelay $0x1  }
0x99: {  	s19 =	simm.s32 $_scs_section_size  }
0x9a: {  	s4 =	simm.s32 $_size__tile_overlayer_lowered;
	s5 =	simm.s32 $_tile_overlayer_lowered  }
0x9b: {  	s22 =	simm.s32 $0x1BFF;
	s21 =	sshll.u32 s5, $0x1;
	s2 =	sadd.s32 s19, s18  }
0x9c: {  	s6 =	simm.s32 $0x0;
	s20 =	sshll.u32 s4, $0x1;
	s4 =	sadd.s32 s21, s2  }
0x9d: {  	[timem:s6], [sflag:s22] =	dma.local [hbm:s4], s20  }
0x9e: {  	_ =	swait.ge [sflag:s22], s20  }
0x9f: {  	s3 =	ssub.s32 $0x0, s20;
	[sflag:s22] =	ssyncset.done $0x0  }
0xa0: {  	[sflag:s22] =	ssyncadd.s32 s3;
	_ =	sdelay $0x1  }
0xa1: {  	s23 =	simm.s32 $0x1B8B  }
0xa2: {  	_ =	swait.ge [sflag:s23], $0x1  }
0xa3: {  	[sflag:s23] =	ssyncset.done $0x0  }
0xa4: {  	s25 =	simm.s32 $0x1B8E;
	s24 =	sld [smem:$0x3FFE];
	[sflag:s23] =	ssyncadd.s32 $0xFFFFFFFF  }
0xa5: {  	s26 =	simm.s32 $execute0_lowered;
	[smem:$0x3FD2] =	sst s25  }
0xa6: {  	s4 =	sshll.u32 s26, $0x1;
	_ =	strace $0x80000046;
	[dreg:$0x1] =	wrdreg $0xFFFFFFFF  }
0xa7: {  	s28 =	simm.s32 $_size_execute0_lowered;
	s2 =	sadd.s32 s2, s4;
	[dreg:$0x0] =	wrdreg $0x0  }
0xa8: {  	s4 =	sshll.u32 s28, $0x1;
	[dreg:$0x2] =	wrdreg s2  }
0xa9: {  	[dreg:$0x3] =	wrdreg s4  }
0xaa: {  	[dreg:$0x4] =	wrdreg $0xC0  }
0xab: {  	_ =	task [dreg:s6], $0x5FFFF  }
0xac: {  	[dreg:$0x1] =	wrdreg $0xFFFFFFFF  }
0xad: {  	[dreg:$0x0] =	wrdreg $0x60  }
0xae: {  	[dreg:$0x2] =	wrdreg s24  }
0xaf: {  	[dreg:$0x3] =	wrdreg $0x0  }
0xb0: {  	[dreg:$0x4] =	wrdreg $0x9  }
0xb1: {  	_ =	task.clear_ibuf [dreg:s6], $0x5FFFF;
	_ =	strace $0x90000046  }
0xb2: {  	s29 =	simm.s32 $0x9;
	_ =	strace $0x80000048  }
0xb3: {  	_ =	swait.ge [sflag:s29], $0x1  }
0xb4: {  	[sflag:s29] =	ssyncadd.s32 $0xFFFFFFFF  }
0xb5: {  	_ =	strace $0x90000048  }
0xb6: {  	_ =	sfence  }
0xb7: {  	s30 =	sld [smem:$0x0];
	_ =	sdelay $0x2  }
0xb8: {  	s31 =	sshll.u32 s1, $0xD;
	s1 =	sshrl.u32 s1, $0x2  }
0xb9: {  	s3 =	sand.u32 $0x4000, s31;
	s1 =	sadd.s32 s1, s30  }
0xba: {  	s0 =	sor.u32 s3, s0;
	s1 =	sshll.u32 s1, $0x11  }
0xbb: {  	s0 =	sor.u32 s1, s0  }
0xbc: {  	s0 =	sadd.s32 $0x8F2B, s0  }
0xbd: {  	[sflag:s0] =	ssyncadd.remote.s32 $0x1  }
0xbe: {  	_ =	sfence.sel $0xFFFF  }
0xbf: {  	[dreg:$0x0] =	wrdreg $0xFFFFFFFF;
	(pc) =	sbr.abs _section_cstart, $3  }
0xc0: {  	[dreg:$0x1] =	wrdreg $0xFFFFFFFF  }
0xc1: {  	_ =	task.clear_ibuf [dreg:s6], $0x2FFFF;
	_ =	strace $0x9FFFFFFF  }
0xc2: {  	(tm) =	ssettm $0x7FFFFFFF  }
0xc3: {  	_ =	shalt  }
tec
execute0_lowered:
.L_overlay_start_1:
0x0: {  	(tag) =	ssettag $0x1  }
0x1: {  	s4 =	rddreg [dreg:$0x0]  }
0x2: {  	s1 =	rddreg [dreg:$0x1];
	s2 =	srdreg.scid  }
0x3: {  	s0 =	rddreg [dreg:$0x2];
	s3 =	simm.s32 $0x0;
	s11 =	simm.s32 $0x500  }
0x4: {  	s12 =	simm.s32 $0x580;
	s13 =	simm.s32 $0x80;
	s16 =	simm.s32 $0x20  }
0x5: {  	s17 =	simm.s32 $0x10;
	s5 =	sand.u32 $0x1, s2;
	s2 =	stileid.u32  }
0x6: {  	s18 =	simm.s32 $0x0;
	[smem:$0x7FF] =	sst s3;
	s6 =	smul.u32 $0x5400, s5  }
0x7: {  	s7 =	smul.u32 $0x500, s2;
	_ =	strace $0x80000047;
	s8 =	sshll.u32 s5, $0x7  }
0x8: {  	s29 =	smul.u32 $0xA00, s2;
	s5 =	ssub.s32 $0x2, s5;
	s14 =	sshll.u32 s2, $0x6  }
0x9: {  	s9 =	smul.u32 $0x540, s2;
	s30 =	sshrl.u32 s5, $0x1;
	s14 =	sor.u32 $0x1C01, s14  }
0xa: {  	s6 =	sadd.s32 s6, s4;
	s7 =	sor.u32 s8, s7;
	s8 =	sshrl.u32 s29, $0x2  }
0xb: {  	s10 =	ssub.s32 s5, s30;
	s7 =	sshrl.u32 s7, $0x3;
	s31 =	sadd.s32 s9, s6  }
0xc: {  	s6 =	smax.u32 s10, $0x1;
	s9 =	simm.s32 $0x280;
	s10 =	simm.s32 $0x1  }
0xd: {  	s7 =	sadd.s32 s7, s4;
	s4 =	sadd.s32 s8, s1;
	s8 =	sadd.s32 $0x3E00, s31  }
0xe: {  	v0 =	vimm.f32 $0.0e+00;
	s5 =	sadd.s32 $0x18E00, s7;
	s7 =	sadd.s32 $0xE600, s31;
	s15 =	sshrl.u32 s4, $0x3  }
.LBB2_1:
0xf: {  	[tilespmem:$0x280] =	vst v0  }
0x10: {  	[tilespmem:$0x290] =	vst v0  }
0x11: {  	[tilespmem:$0x2A0] =	vst v0  }
0x12: {  	[tilespmem:$0x2B0] =	vst v0  }
0x13: {  	[tilespmem:$0x2C0] =	vst v0  }
0x14: {  	[tilespmem:$0x2D0] =	vst v0  }
0x15: {  	[tilespmem:$0x2E0] =	vst v0  }
0x16: {  	[tilespmem:$0x2F0] =	vst v0  }
0x17: {  	[tilespmem:$0x300] =	vst v0  }
0x18: {  	[tilespmem:$0x310] =	vst v0  }
0x19: {  	[tilespmem:$0x320] =	vst v0  }
0x1a: {  	[tilespmem:$0x330] =	vst v0  }
0x1b: {  	[tilespmem:$0x340] =	vst v0  }
0x1c: {  	[tilespmem:$0x350] =	vst v0  }
0x1d: {  	[tilespmem:$0x360] =	vst v0  }
0x1e: {  	[tilespmem:$0x370] =	vst v0  }
0x1f: {  	[tilespmem:$0x380] =	vst v0  }
0x20: {  	[tilespmem:$0x390] =	vst v0  }
0x21: {  	[tilespmem:$0x3A0] =	vst v0  }
0x22: {  	[tilespmem:$0x3B0] =	vst v0  }
0x23: {  	[tilespmem:$0x3C0] =	vst v0  }
0x24: {  	[tilespmem:$0x3D0] =	vst v0  }
0x25: {  	[tilespmem:$0x3E0] =	vst v0  }
0x26: {  	[tilespmem:$0x3F0] =	vst v0  }
0x27: {  	[tilespmem:$0x400] =	vst v0  }
0x28: {  	[tilespmem:$0x410] =	vst v0  }
0x29: {  	[tilespmem:$0x420] =	vst v0  }
0x2a: {  	[tilespmem:$0x430] =	vst v0  }
0x2b: {  	[tilespmem:$0x440] =	vst v0  }
0x2c: {  	[tilespmem:$0x450] =	vst v0  }
0x2d: {  	[tilespmem:$0x460] =	vst v0  }
0x2e: {  	[tilespmem:$0x470] =	vst v0  }
0x2f: {  	[tilespmem:$0x480] =	vst v0  }
0x30: {  	[tilespmem:$0x490] =	vst v0  }
0x31: {  	[tilespmem:$0x4A0] =	vst v0  }
0x32: {  	[tilespmem:$0x4B0] =	vst v0  }
0x33: {  	[tilespmem:$0x4C0] =	vst v0  }
0x34: {  	[tilespmem:$0x4D0] =	vst v0  }
0x35: {  	[tilespmem:$0x4E0] =	vst v0  }
0x36: {  	[tilespmem:$0x4F0] =	vst v0  }
0x37: {  	[spmem:s4] =	stream.linear.scatter [tilespmem:s9], [sflag:$0x1], $0x280, $0x38;
	[tilespmem:$0x600] =	vst v63  }
0x38: {  	_ =	swait.ge [sflag:s10], $0x280  }
0x39: {  	[sflag:s10] =	ssyncset.done $0x0  }
0x3a: {  	[sflag:s10] =	ssyncadd.s32 $0xFFFFFD80  }
0x3b: {  	s19 =	sadd.s32 $0x0, s8;
	[bflag:$0x0] =	sbarrier.arrive $0xFFFF  }
0x3c: {  	[tilespmem:s11], [sflag:$0x1] =	stream.linear.gather [hbm4b:s19+s3], $0x80, $0x38;
	[tilespmem:$0x600] =	vst v63  }
0x3d: {  	_ =	swait.ge [sflag:s10], $0x80  }
0x3e: {  	[sflag:s10] =	ssyncset.done $0x0  }
0x3f: {  	s31 =	sadd.s32 $0x0, s7;
	[sflag:s10] =	ssyncadd.s32 $0xFFFFFF80  }
0x40: {  	[tilespmem:s12], [sflag:$0x1] =	stream.linear.gather [hbm4b:s31+s3], $0x80, $0x38;
	[tilespmem:$0x600] =	vst v63  }
0x41: {  	_ =	swait.ge [sflag:s10], $0x80  }
0x42: {  	[sflag:s10] =	ssyncset.done $0x0  }
0x43: {  	[sflag:s10] =	ssyncadd.s32 $0xFFFFFF80  }
0x44: {  	[spmem:s1] =	stream.indirect.scatter.add.f32 [tilespmem:s12], [sflag:$0x1], $0x1, s11, s13, $0xb8;
	[tilespmem:$0x600] =	vst v63  }
0x45: {  	_ =	swait.ge [sflag:s10], $0x80  }
0x46: {  	s20 =	simm.s32 $0x20;
	s19 =	simm.s32 $0x10;
	[sflag:s10] =	ssyncset.done $0x0  }
.LBB2_2:
0x47: {  	s21 =	sadd.s32 s19, s8  }
0x48: {  	[sflag:s10] =	ssyncadd.s32 $0xFFFFFF80;
	s22 =	smov.u32 s20;
	s23 =	sadd.s32 $0x10, s20  }
0x49: {  	[tilespmem:s11], [sflag:$0x1] =	stream.linear.gather [hbm4b:s21+s3], $0x80, $0x38;
	[tilespmem:$0x600] =	vst v63  }
0x4a: {  	p0 =	sne.s32 s20, $0x530;
	_ =	swait.ge [sflag:s10], $0x80  }
0x4b: {  	[sflag:s10] =	ssyncset.done $0x0  }
0x4c: {  	s20 =	sadd.s32 s19, s7;
	s19 =	smov.u32 s22;
	[sflag:s10] =	ssyncadd.s32 $0xFFFFFF80  }
0x4d: {  	[tilespmem:s12], [sflag:$0x1] =	stream.linear.gather [hbm4b:s20+s3], $0x80, $0x38;
	[tilespmem:$0x600] =	vst v63  }
0x4e: {  	_ =	swait.ge [sflag:s10], $0x80  }
.Ltmp0:
0x4f: {  	[sflag:s10] =	ssyncset.done $0x0;
	(pc) =	sbr.rel @p0 .LBB2_2-.Ltmp0, $4  }
0x50: {  	[sflag:s10] =	ssyncadd.s32 $0xFFFFFF80  }
0x51: {  	[spmem:s1] =	stream.indirect.scatter.add.f32 [tilespmem:s12], [sflag:$0x1], $0x1, s11, s13, $0xb8;
	[tilespmem:$0x600] =	vst v63  }
0x52: {  	_ =	swait.ge [sflag:s10], $0x80  }
0x53: {  	s20 =	smov.u32 s23;
	[sflag:s10] =	ssyncset.done $0x0  }
0x54: {  	s20 =	sadd.s32 s19, s8;
	[sflag:s10] =	ssyncadd.s32 $0xFFFFFF80  }
0x55: {  	[tilespmem:s11], [sflag:$0x1] =	stream.linear.gather [hbm4b:s20+s3], $0x80, $0x38;
	[tilespmem:$0x600] =	vst v63  }
0x56: {  	_ =	swait.ge [sflag:s10], $0x80  }
0x57: {  	[sflag:s10] =	ssyncset.done $0x0  }
0x58: {  	s31 =	sadd.s32 s19, s7;
	[sflag:s10] =	ssyncadd.s32 $0xFFFFFF80  }
0x59: {  	[tilespmem:s12], [sflag:$0x1] =	stream.linear.gather [hbm4b:s31+s3], $0x80, $0x38;
	[tilespmem:$0x600] =	vst v63  }
0x5a: {  	_ =	swait.ge [sflag:s10], $0x80  }
0x5b: {  	[sflag:s10] =	ssyncset.done $0x0  }
0x5c: {  	[sflag:s10] =	ssyncadd.s32 $0xFFFFFF80  }
0x5d: {  	[spmem:s1] =	stream.indirect.scatter.add.f32 [tilespmem:s12], [sflag:$0x1], $0x1, s11, s13, $0xb8;
	[tilespmem:$0x600] =	vst v63  }
0x5e: {  	_ =	swait.ge [sflag:s10], $0x80  }
0x5f: {  	s18 =	sadd.s32 $0x1, s18;
	[sflag:s10] =	ssyncset.done $0x0  }
0x60: {  	p0 =	sne.s32 s18, s6;
	[sflag:s10] =	ssyncadd.s32 $0xFFFFFF80  }
.Ltmp1:
0x61: {  	[bflag:$0x0] =	sbarrier.arrive $0xFFFF;
	(pc) =	sbr.rel @p0 .LBB2_1-.Ltmp1, $4  }
0x62: {  	[hbm:s5@s16], [sflag:s14] =	dma.strided [spmem:s15@s17], $0x50, s10, $0x10   }
0x63: {  	_ =	swait.ge [sflag:s10], $0x50  }
0x64: {  	[sflag:s10] =	ssyncset.done $0x0  }
0x65: {  	[sflag:s10] =	ssyncadd.s32 $0xFFFFFFB0  }
0x66: {  	_ =	sfence.sel $0x180000  }
0x67: {  	[bflag:$0x0] =	sbarrier.arrive $0xFFFF  }
0x68: {  	p0 =	sne.s32 s2, $0x0;
	_ =	strace $0x90000047  }
0x69: {  	s0 =	sadd.s32 @!p0 $0x100000, s0;
	[bflag:$0x2] =	sbarrier.arrive $0xFFFF  }
0x6a: {  	[sflag:s0] =	ssyncadd.tile.s32 @!p0 $0x1;
	_ =	shalt  }
.Lfunc_end2:
_tile_overlayer_lowered:
.L_overlay_start_2:
0x6b: {  	(tag) =	ssettag $0x2  }
0x6c: {  	s0 =	rddreg [dreg:$0x0];
	s2 =	stileid.u32  }
0x6d: {  	s1 =	rddreg [dreg:$0x1];
	p0 =	sne.s32 s2, $0x0  }
0x6e: {  	s3 =	rddreg [dreg:$0x2];
	[bflag:$0x3] =	sbarrier.arrive $0xFFFF;
	s2 =	simm.s32 @!p0 $0x1C01  }
0x6f: {  	[timem:s3], [sflag:s2] =	dma.local @!p0 [hbm:s0], s1  }
0x70: {  	s0 =	simm.s32 @!p0 $0x1  }
0x71: {  	_ =	swait.ge @!p0 [sflag:s0], s1  }
0x72: {  	s1 =	ssub.s32 @!p0 $0x0, s1;
	[sflag:s0] =	ssyncset.done @!p0 $0x0  }
0x73: {  	[sflag:s0] =	ssyncadd.s32 @!p0 s1  }
0x74: {  	[bflag:$0x3] =	sbarrier.arrive $0xFFFF  }
0x75: {  	_ =	shalt  }

// kernel: kernel.16.cloned.1.call-start
scs
__scs_entry_jumppad:
0x0: {  	(pc) =	sbr.rel $0x88, $3  }
0x1: {  	(tag) =	ssettag $0x0;
	lr =	simm.s32 $0x1  }
0x2: {  	[smem:$0x3F94] =	sst lr;
	_ =	strace $0xD0000000  }
0x3: {  	_ = 	snop  }
0x4: {  	_ = 	snop  }
0x5: {  	_ = 	snop  }
0x6: {  	_ = 	snop  }
0x7: {  	_ = 	snop  }
__scs_overlays_trampoline_lowered:
0x8: {  	[smem:$0x3FA3] =	sst s0  }
0x9: {  	[smem:$0x3FA4] =	sst s1  }
0xa: {  	[smem:$0x3FA5] =	sst s2  }
0xb: {  	[smem:$0x3FA6] =	sst s3  }
0xc: {  	[smem:$0x3FA7] =	sst s4  }
0xd: {  	[smem:$0x3FA8] =	sst s5  }
0xe: {  	[smem:$0x3FA9] =	sst s6  }
0xf: {  	[smem:$0x3FAA] =	sst s7  }
0x10: {  	[smem:$0x3FAB] =	sst s8  }
0x11: {  	[smem:$0x3FAC] =	sst s9;
	s0 =	simm.s32 @!p0 $0x0  }
0x12: {  	s1 =	sld [smem:$0x3F92];
	s0 =	simm.s32 @p0 $0x1  }
0x13: {  	[smem:$0x3FAD] =	sst s0;
	s0 =	simm.s32 @!p1 $0x0  }
0x14: {  	s2 =	sld [smem:$0x3F91];
	s0 =	simm.s32 @p1 $0x1  }
0x15: {  	[smem:$0x3FAE] =	sst s0;
	s0 =	simm.s32 @!p2 $0x0  }
0x16: {  	s3 =	sld [smem:$0x3FDB];
	s0 =	simm.s32 @p2 $0x1  }
0x17: {  	s4 =	simm.s32 $0x1BF5;
	[smem:$0x3FB0] =	sst s0  }
0x18: {  	s0 =	sld [smem:$0x3F93];
	_ =	swait.ge [sflag:s4], $0x0  }
0x19: {  	s7 =	sld [smem:$0x3F94]  }
0x1a: {  	s8 =	sadd.s32 $0xFFFFE003, lr  }
0x1b: {  	s9 =	sadd.s32 $0xFFFFFEF7, lr;
	s5 =	simm.s32 $0xFFFFFFFF;
	p2 =	slt.u32 s8, $0xFFFFF086  }
0x1c: {  	p1 =	slt.u32 s9, $0xF7A;
	s5 =	simm.s32 @!p2 $0x0  }
0x1d: {  	s5 =	simm.s32 @p1 $0x1;
	p0 =	seq.s32 s7, s2  }
0x1e: {  	s7 =	smul.u32 @!p0 $0xF7A, s2;
	p2 =	seq.s32 @!p0 s5, $0x0  }
0x1f: {  	s9 =	smul.u32 $0xF7A, s1;
	s8 =	simm.s32 @!p0 $0x1BF5;
	p2 =	por !p2, p0  }
0x20: {  	[sflag:s8] =	ssyncset.s32 @!p0 $0xFFFFF086;
	s6 =	sadd.s32 @!p0 s3, s7;
	s7 =	simm.s32 @!p0 $0x108  }
0x21: {  	s3 =	sadd.s32 s3, s9;
	s6 =	sadd.s32 @!p0 $0x88, s6;
	s7 =	simm.s32 @p2 $0x1082  }
0x22: {  	[simem:s7], [sflag:s8] =	dma.local @!p0 [hbm:s6], $0xF7A  }
0x23: {  	s9 =	sor.u32 $0xD0000000, s2;
	s6 =	simm.s32 $0x108;
	_ =	swait.ge @!p0 [sflag:s8], $0x0  }
0x24: {  	s3 =	sadd.s32 $0x88, s3;
	s6 =	simm.s32 @!p1 $0x1082;
	[sflag:s4] =	ssyncset.s32 $0xFFFFF086  }
0x25: {  	[simem:s6], [sflag:s4] =	dma.local [hbm:s3], $0xF7A  }
0x26: {  	[smem:$0x3F94] =	sst s1;
	(tag) =	ssettag s2;
	_ =	strace s9  }
0x27: {  	s1 =	sld [smem:$0x3FA4]  }
0x28: {  	s2 =	sld [smem:$0x3FA5]  }
0x29: {  	s4 =	sld [smem:$0x3FA7]  }
0x2a: {  	p0 =	seq.s32 s5, $0x0;
	s5 =	sld [smem:$0x3FA8]  }
0x2b: {  	s6 =	sld [smem:$0x3FA9]  }
0x2c: {  	s7 =	sld [smem:$0x3FAA]  }
0x2d: {  	s3 =	simm.s32 $0x108;
	s8 =	sld [smem:$0x3FAB]  }
0x2e: {  	s3 =	simm.s32 @!p0 $0x1082;
	s9 =	sld [smem:$0x3FAC]  }
0x2f: {  	lr =	sadd.s32 s0, s3;
	s0 =	sld [smem:$0x3FA3]  }
0x30: {  	s3 =	sld [smem:$0x3FA6]  }
0x31: {  	[smem:$0x3FAF] =	sst s10  }
0x32: {  	s10 =	sld [smem:$0x3FAD];
	_ =	sdelay $0x3  }
0x33: {  	p0 =	seq.s32 s10, $0x1;
	s10 =	sld [smem:$0x3FAF];
	_ =	sdelay $0x3  }
0x34: {  	[smem:$0x3FAF] =	sst s10  }
0x35: {  	s10 =	sld [smem:$0x3FAE];
	_ =	sdelay $0x3  }
0x36: {  	p1 =	seq.s32 s10, $0x1;
	s10 =	sld [smem:$0x3FAF];
	_ =	sdelay $0x3  }
0x37: {  	[smem:$0x3FAF] =	sst s10  }
0x38: {  	s10 =	sld [smem:$0x3FB0]  }
0x39: {  	_ = 	snop;
	(pc) =	sbr.ind lr, $3  }
0x3a: {  	_ = 	snop  }
0x3b: {  	_ = 	snop  }
0x3c: {  	p2 =	seq.s32 s10, $0x1;
	s10 =	sld [smem:$0x3FAF]  }
0x3d: {  	_ =	shalt  }
0x3e: {  	_ =	shalt  }
0x3f: {  	_ =	shalt  }
0x40: {  	_ =	shalt  }
0x41: {  	_ =	shalt  }
0x42: {  	_ =	shalt  }
0x43: {  	_ =	shalt  }
0x44: {  	_ =	shalt  }
0x45: {  	_ =	shalt  }
0x46: {  	_ =	shalt  }
0x47: {  	_ =	shalt  }
0x48: {  	_ =	shalt  }
0x49: {  	_ =	shalt  }
0x4a: {  	_ =	shalt  }
0x4b: {  	_ =	shalt  }
0x4c: {  	_ =	shalt  }
0x4d: {  	_ =	shalt  }
0x4e: {  	_ =	shalt  }
0x4f: {  	_ =	shalt  }
0x50: {  	_ =	shalt  }
0x51: {  	_ =	shalt  }
0x52: {  	_ =	shalt  }
0x53: {  	_ =	shalt  }
0x54: {  	_ =	shalt  }
0x55: {  	_ =	shalt  }
0x56: {  	_ =	shalt  }
0x57: {  	_ =	shalt  }
0x58: {  	_ =	shalt  }
0x59: {  	_ =	shalt  }
0x5a: {  	_ =	shalt  }
0x5b: {  	_ =	shalt  }
0x5c: {  	_ =	shalt  }
0x5d: {  	_ =	shalt  }
0x5e: {  	_ =	shalt  }
0x5f: {  	_ =	shalt  }
0x60: {  	_ =	shalt  }
0x61: {  	_ =	shalt  }
0x62: {  	_ =	shalt  }
0x63: {  	_ =	shalt  }
0x64: {  	_ =	shalt  }
0x65: {  	_ =	shalt  }
0x66: {  	_ =	shalt  }
0x67: {  	_ =	shalt  }
0x68: {  	_ =	shalt  }
0x69: {  	_ =	shalt  }
0x6a: {  	_ =	shalt  }
0x6b: {  	_ =	shalt  }
0x6c: {  	_ =	shalt  }
0x6d: {  	_ =	shalt  }
0x6e: {  	_ =	shalt  }
0x6f: {  	_ =	shalt  }
0x70: {  	_ =	shalt  }
0x71: {  	_ =	shalt  }
0x72: {  	_ =	shalt  }
0x73: {  	_ =	shalt  }
0x74: {  	_ =	shalt  }
0x75: {  	_ =	shalt  }
0x76: {  	_ =	shalt  }
0x77: {  	_ =	shalt  }
0x78: {  	_ =	shalt  }
0x79: {  	_ =	shalt  }
0x7a: {  	_ =	shalt  }
0x7b: {  	_ =	shalt  }
0x7c: {  	_ =	shalt  }
0x7d: {  	_ =	shalt  }
0x7e: {  	_ =	shalt  }
0x7f: {  	_ =	shalt  }
0x80: {  	_ =	shalt  }
0x81: {  	_ =	shalt  }
0x82: {  	_ =	shalt  }
0x83: {  	_ =	shalt  }
0x84: {  	_ =	shalt  }
0x85: {  	_ =	shalt  }
0x86: {  	_ =	shalt  }
0x87: {  	_ =	shalt  }
.Lfunc_end0:
.L_simem_size_0:
called_computation.1_lowered:
.L_overlay_start_0:
0x88: {  	s2 =	sld [smem:$0x3FD9]  }
0x89: {  	s3 =	sld [smem:$0x3FFE];
	_ =	sdelay $0x1  }
0x8a: {  	s1 =	srdreg.scid  }
0x8b: {  	s0 =	sand.u32 $0x1, s1  }
0x8c: {  	s16 =	sshll.u32 s0, $0xA;
	s2 =	sadd.s32 s3, s2  }
0x8d: {  	s2 =	sadd.s32 s2, s16  }
0x8e: {  	[smem:$0x3FBB] =	sst s2  }
0x8f: {  	_ = 	snop  }
0x90: {  	(tm) =	ssettm $0x1  }
0x91: {  	s17 =	sld [smem:$0x3FFB];
	_ =	sdelay $0x3  }
0x92: {  	_ =	strace s17  }
0x93: {  	s2 =	sld [smem:$0x3FFC];
	_ =	sdelay $0x3  }
0x94: {  	_ =	strace s2  }
0x95: {  	s2 =	sld [smem:$0x3FFD];
	_ =	sdelay $0x3  }
0x96: {  	_ =	strace s2  }
0x97: {  	_ =	strace $0x8FFFFFFF  }
0x98: {  	s18 =	sld [smem:$0x3FDB];
	_ =	sdelay $0x1  }
0x99: {  	s19 =	simm.s32 $_scs_section_size  }
0x9a: {  	s4 =	simm.s32 $_size__tile_overlayer_lowered;
	s5 =	simm.s32 $_tile_overlayer_lowered  }
0x9b: {  	s22 =	simm.s32 $0x1BFF;
	s21 =	sshll.u32 s5, $0x1;
	s2 =	sadd.s32 s19, s18  }
0x9c: {  	s6 =	simm.s32 $0x0;
	s20 =	sshll.u32 s4, $0x1;
	s4 =	sadd.s32 s21, s2  }
0x9d: {  	[timem:s6], [sflag:s22] =	dma.local [hbm:s4], s20  }
0x9e: {  	_ =	swait.ge [sflag:s22], s20  }
0x9f: {  	s3 =	ssub.s32 $0x0, s20;
	[sflag:s22] =	ssyncset.done $0x0  }
0xa0: {  	[sflag:s22] =	ssyncadd.s32 s3;
	_ =	sdelay $0x1  }
0xa1: {  	s23 =	simm.s32 $0x1B8B  }
0xa2: {  	_ =	swait.ge [sflag:s23], $0x1  }
0xa3: {  	[sflag:s23] =	ssyncset.done $0x0  }
0xa4: {  	s25 =	simm.s32 $0x1B8E;
	s24 =	sld [smem:$0x3FFE];
	[sflag:s23] =	ssyncadd.s32 $0xFFFFFFFF  }
0xa5: {  	s26 =	simm.s32 $execute0_lowered;
	[smem:$0x3FD2] =	sst s25  }
0xa6: {  	s4 =	sshll.u32 s26, $0x1;
	_ =	strace $0x80000049;
	[dreg:$0x1] =	wrdreg $0xFFFFFFFF  }
0xa7: {  	s28 =	simm.s32 $_size_execute0_lowered;
	s2 =	sadd.s32 s2, s4;
	[dreg:$0x0] =	wrdreg $0x0  }
0xa8: {  	s4 =	sshll.u32 s28, $0x1;
	[dreg:$0x2] =	wrdreg s2  }
0xa9: {  	[dreg:$0x3] =	wrdreg s4  }
0xaa: {  	[dreg:$0x4] =	wrdreg $0xC0  }
0xab: {  	_ =	task [dreg:s6], $0x5FFFF  }
0xac: {  	[dreg:$0x1] =	wrdreg $0xFFFFFFFF  }
0xad: {  	[dreg:$0x0] =	wrdreg $0x60  }
0xae: {  	[dreg:$0x2] =	wrdreg s24  }
0xaf: {  	[dreg:$0x3] =	wrdreg $0x0  }
0xb0: {  	[dreg:$0x4] =	wrdreg $0x9  }
0xb1: {  	_ =	task.clear_ibuf [dreg:s6], $0x5FFFF;
	_ =	strace $0x90000049  }
0xb2: {  	s29 =	simm.s32 $0x9;
	_ =	strace $0x8000004B  }
0xb3: {  	_ =	swait.ge [sflag:s29], $0x1  }
0xb4: {  	[sflag:s29] =	ssyncadd.s32 $0xFFFFFFFF  }
0xb5: {  	_ =	strace $0x9000004B  }
0xb6: {  	_ =	sfence  }
0xb7: {  	s30 =	sld [smem:$0x0];
	_ =	sdelay $0x2  }
0xb8: {  	s31 =	sshll.u32 s1, $0xD;
	s1 =	sshrl.u32 s1, $0x2  }
0xb9: {  	s3 =	sand.u32 $0x4000, s31;
	s1 =	sadd.s32 s1, s30  }
0xba: {  	s0 =	sor.u32 s3, s0;
	s1 =	sshll.u32 s1, $0x11  }
0xbb: {  	s0 =	sor.u32 s1, s0  }
0xbc: {  	s0 =	sadd.s32 $0x8F2B, s0  }
0xbd: {  	[sflag:s0] =	ssyncadd.remote.s32 $0x1  }
0xbe: {  	_ =	sfence.sel $0xFFFF  }
0xbf: {  	[dreg:$0x0] =	wrdreg $0xFFFFFFFF;
	(pc) =	sbr.abs _section_cstart, $3  }
0xc0: {  	[dreg:$0x1] =	wrdreg $0xFFFFFFFF  }
0xc1: {  	_ =	task.clear_ibuf [dreg:s6], $0x2FFFF;
	_ =	strace $0x9FFFFFFF  }
0xc2: {  	(tm) =	ssettm $0x7FFFFFFF  }
0xc3: {  	_ =	shalt  }
tec
execute0_lowered:
.L_overlay_start_1:
0x0: {  	(tag) =	ssettag $0x1  }
0x1: {  	s0 =	rddreg [dreg:$0x0]  }
0x2: {  	s1 =	rddreg [dreg:$0x1]  }
0x3: {  	s3 =	simm.s32 $0x0;
	s2 =	srdreg.scid;
	s11 =	stileid.u32  }
0x4: {  	s28 =	simm.s32 $0x13900;
	s29 =	simm.s32 $0x80;
	s30 =	simm.s32 $0x14180  }
0x5: {  	s31 =	simm.s32 $0x0;
	[smem:$0x7FF] =	sst s3;
	s4 =	sadd.s32 $0x24000, s0  }
0x6: {  	s2 =	sand.u32 $0x1, s2;
	s8 =	smul.u32 $0x4E000, s11;
	s5 =	sadd.s32 $0x19800, s0  }
0x7: {  	s6 =	sadd.s32 $0x3E00, s0;
	s7 =	sadd.s32 $0x564000, s0;
	s0 =	sadd.s32 $0x4B200, s0  }
0x8: {  	s19 =	smul.u32 $0x13800, s11;
	s18 =	sadd.s32 $0x138000, s1;
	p0 =	sne.s32 s11, $0xF  }
0x9: {  	_ =	strace $0x8000004A;
	s9 =	ssub.s32 $0x2, s2;
	s26 =	smul.u32 $0x138800, s2  }
0xa: {  	s2 =	sshll.u32 s2, $0x4;
	s10 =	sshrl.u32 s9, $0x1;
	s8 =	sshrl.u32 s8, $0x2  }
0xb: {  	s2 =	sor.u32 s11, s2;
	s9 =	ssub.s32 s9, s10;
	s8 =	sadd.s32 s8, s1  }
0xc: {  	s19 =	sadd.s32 s19, s26;
	s10 =	sshrl.u32 s26, $0x3;
	s26 =	simm.s32 $0x13980  }
0xd: {  	s23 =	sadd.s32 $0x2000, s8;
	s24 =	sadd.s32 $0x4000, s8;
	s25 =	sadd.s32 $0x6000, s8  }
0xe: {  	s12 =	sadd.s32 $0x8000, s8;
	s13 =	sadd.s32 $0xA000, s8;
	s14 =	sadd.s32 $0xC000, s8  }
0xf: {  	s15 =	sadd.s32 $0xE000, s8;
	s16 =	sadd.s32 $0x10000, s8;
	s17 =	sadd.s32 $0x12000, s8  }
0x10: {  	s20 =	sshrl.u32 s19, $0x3;
	s10 =	sadd.s32 s0, s10;
	[dreg:$0x3] =	wrdreg s23  }
0x11: {  	s19 =	smul.u32 $0x2A00, s2;
	s22 =	smax.u32 s9, $0x1;
	[dreg:$0x4] =	wrdreg s24  }
0x12: {  	[dreg:$0x5] =	wrdreg s25;
	s20 =	sadd.s32 s0, s20;
	s21 =	sadd.s32 $0x27000, s10  }
0x13: {  	v0 =	vimm.f32 $0.0e+00;
	s23 =	simm.s32 $0x18180;
	s24 =	simm.s32 $0x1;
	s25 =	simm.s32 $0x13880  }
.LBB2_1:
0x14: {  	s0 =	simm.s32 $0x0;
	s2 =	simm.s32 $0x200  }
.LBB2_2:
0x15: {  	p1 =	sne.s32 s2, $0x7E00;
	[tilespmem:s0+$0x181F0] =	vst v0  }
0x16: {  	[tilespmem:s0+$0x18180] =	vst v0  }
0x17: {  	[tilespmem:s0+$0x18190] =	vst v0  }
.Ltmp0:
0x18: {  	[tilespmem:s0+$0x181A0] =	vst v0;
	(pc) =	sbr.rel @p1 .LBB2_2-.Ltmp0, $4  }
0x19: {  	[tilespmem:s0+$0x181B0] =	vst v0  }
0x1a: {  	[tilespmem:s0+$0x181C0] =	vst v0  }
0x1b: {  	[tilespmem:s0+$0x181D0] =	vst v0  }
0x1c: {  	[tilespmem:s0+$0x181E0] =	vst v0;
	s0 =	sshra.s32 s2, $0x2;
	s2 =	sadd.s32 $0x200, s2  }
0x1d: {  	[tilespmem:s0+$0x181F0] =	vst v0  }
0x1e: {  	[tilespmem:s0+$0x18180] =	vst v0  }
0x1f: {  	[tilespmem:s0+$0x18190] =	vst v0  }
0x20: {  	[tilespmem:s0+$0x181A0] =	vst v0  }
0x21: {  	[tilespmem:s0+$0x181B0] =	vst v0  }
0x22: {  	[tilespmem:s0+$0x181C0] =	vst v0  }
0x23: {  	[tilespmem:s0+$0x181D0] =	vst v0  }
0x24: {  	[tilespmem:s0+$0x181E0] =	vst v0  }
0x25: {  	[spmem:s8] =	stream.linear.scatter [tilespmem:s23], [sflag:$0x1], $0x2000, $0x38;
	[tilespmem:$0x1A180] =	vst v63  }
0x26: {  	_ =	swait.ge [sflag:s24], $0x2000  }
0x27: {  	[sflag:s24] =	ssyncset.done $0x0  }
0x28: {  	s9 =	rddreg [dreg:$0x3];
	[sflag:s24] =	ssyncadd.s32 $0xFFFFE000  }
0x29: {  	[spmem:s9] =	stream.linear.scatter [tilespmem:s23], [sflag:$0x1], $0x2000, $0x38;
	[tilespmem:$0x1A180] =	vst v63  }
0x2a: {  	_ =	swait.ge [sflag:s24], $0x2000  }
0x2b: {  	[sflag:s24] =	ssyncset.done $0x0  }
0x2c: {  	s10 =	rddreg [dreg:$0x4];
	[sflag:s24] =	ssyncadd.s32 $0xFFFFE000  }
0x2d: {  	[spmem:s10] =	stream.linear.scatter [tilespmem:s23], [sflag:$0x1], $0x2000, $0x38;
	[tilespmem:$0x1A180] =	vst v63  }
0x2e: {  	_ =	swait.ge [sflag:s24], $0x2000  }
0x2f: {  	[sflag:s24] =	ssyncset.done $0x0  }
0x30: {  	s11 =	rddreg [dreg:$0x5];
	[sflag:s24] =	ssyncadd.s32 $0xFFFFE000  }
0x31: {  	[spmem:s11] =	stream.linear.scatter [tilespmem:s23], [sflag:$0x1], $0x2000, $0x38;
	[tilespmem:$0x1A180] =	vst v63  }
0x32: {  	_ =	swait.ge [sflag:s24], $0x2000  }
0x33: {  	[sflag:s24] =	ssyncset.done $0x0  }
0x34: {  	[sflag:s24] =	ssyncadd.s32 $0xFFFFE000  }
0x35: {  	[spmem:s12] =	stream.linear.scatter [tilespmem:s23], [sflag:$0x1], $0x2000, $0x38;
	[tilespmem:$0x1A180] =	vst v63  }
0x36: {  	_ =	swait.ge [sflag:s24], $0x2000  }
0x37: {  	[sflag:s24] =	ssyncset.done $0x0  }
0x38: {  	[sflag:s24] =	ssyncadd.s32 $0xFFFFE000  }
0x39: {  	[spmem:s13] =	stream.linear.scatter [tilespmem:s23], [sflag:$0x1], $0x2000, $0x38;
	[tilespmem:$0x1A180] =	vst v63  }
0x3a: {  	_ =	swait.ge [sflag:s24], $0x2000  }
0x3b: {  	[sflag:s24] =	ssyncset.done $0x0  }
0x3c: {  	[sflag:s24] =	ssyncadd.s32 $0xFFFFE000  }
0x3d: {  	[spmem:s14] =	stream.linear.scatter [tilespmem:s23], [sflag:$0x1], $0x2000, $0x38;
	[tilespmem:$0x1A180] =	vst v63  }
0x3e: {  	_ =	swait.ge [sflag:s24], $0x2000  }
0x3f: {  	[sflag:s24] =	ssyncset.done $0x0  }
0x40: {  	[sflag:s24] =	ssyncadd.s32 $0xFFFFE000  }
0x41: {  	[spmem:s15] =	stream.linear.scatter [tilespmem:s23], [sflag:$0x1], $0x2000, $0x38;
	[tilespmem:$0x1A180] =	vst v63  }
0x42: {  	_ =	swait.ge [sflag:s24], $0x2000  }
0x43: {  	[sflag:s24] =	ssyncset.done $0x0  }
0x44: {  	[sflag:s24] =	ssyncadd.s32 $0xFFFFE000  }
0x45: {  	[spmem:s16] =	stream.linear.scatter [tilespmem:s23], [sflag:$0x1], $0x2000, $0x38;
	[tilespmem:$0x1A180] =	vst v63  }
0x46: {  	_ =	swait.ge [sflag:s24], $0x2000  }
0x47: {  	[sflag:s24] =	ssyncset.done $0x0  }
0x48: {  	[sflag:s24] =	ssyncadd.s32 $0xFFFFE000  }
0x49: {  	[spmem:s17] =	stream.linear.scatter [tilespmem:s23], [sflag:$0x1], $0x1800, $0x38;
	[tilespmem:$0x1A180] =	vst v63  }
0x4a: {  	_ =	swait.ge [sflag:s24], $0x1800  }
0x4b: {  	[sflag:s24] =	ssyncset.done $0x0  }
0x4c: {  	s0 =	simm.s32 @!p0 $0x18180;
	[sflag:s24] =	ssyncadd.s32 $0xFFFFE800  }
0x4d: {  	[spmem:s18] =	stream.linear.scatter @!p0 [tilespmem:s0], [sflag:$0x1], $0x800, $0x38;
	[tilespmem:$0x1A180] =	vst v63  }
0x4e: {  	s0 =	simm.s32 @!p0 $0x1  }
0x4f: {  	_ =	swait.ge @!p0 [sflag:s0], $0x800  }
0x50: {  	[sflag:s0] =	ssyncset.done @!p0 $0x0  }
0x51: {  	[sflag:s0] =	ssyncadd.s32 @!p0 $0xFFFFF800  }
0x52: {  	s0 =	simm.s32 $0x0;
	[bflag:$0x0] =	sbarrier.arrive $0xFFFF  }
.LBB2_4:
0x53: {  	s2 =	sshll.u32 s0, $0x7  }
0x54: {  	s2 =	sadd.s32 s19, s2  }
0x55: {  	s9 =	sshrl.u32 s2, $0x3  }
0x56: {  	s10 =	sadd.s32 s5, s9  }
0x57: {  	[tilespmem:s25], [sflag:$0x1] =	stream.linear.gather [hbm4b:s10+s31], $0x80, $0x38;
	[tilespmem:$0x1A180] =	vst v63  }
0x58: {  	_ =	swait.ge [sflag:s24], $0x80  }
0x59: {  	s2 =	sshll.u32 s2, $0x1;
	[sflag:s24] =	ssyncset.done $0x0  }
0x5a: {  	s2 =	sadd.s32 s7, s2;
	[sflag:s24] =	ssyncadd.s32 $0xFFFFFF80  }
0x5b: {  	[tilespmem:s26], [sflag:$0x1] =	stream.linear.gather [hbm4b:s2+s31], $0x800, $0x38;
	[tilespmem:$0x1A180] =	vst v63  }
0x5c: {  	_ =	swait.ge [sflag:s24], $0x800  }
0x5d: {  	[sflag:s24] =	ssyncset.done $0x0  }
0x5e: {  	s10 =	sadd.s32 s6, s9;
	[sflag:s24] =	ssyncadd.s32 $0xFFFFF800  }
0x5f: {  	[tilespmem:s28], [sflag:$0x1] =	stream.linear.gather [hbm4b:s10+s31], $0x80, $0x38;
	[tilespmem:$0x1A180] =	vst v63  }
0x60: {  	_ =	swait.ge [sflag:s24], $0x80  }
0x61: {  	[sflag:s24] =	ssyncset.done $0x0  }
0x62: {  	[sflag:s24] =	ssyncadd.s32 $0xFFFFFF80  }
0x63: {  	[tilespmem:s30], [sflag:$0x1] =	stream.indirect.gather [hbm4b:s4+s29], $0x80, s25, s29, $0xb8;
	[tilespmem:$0x1A180] =	vst v63  }
0x64: {  	_ =	swait.ge [sflag:s24], $0x4000  }
0x65: {  	[sflag:s24] =	ssyncset.done $0x0  }
0x66: {  	s2 =	simm.s32 $0x141C0;
	[sflag:s24] =	ssyncadd.s32 $0xFFFFC000  }
0x67: {  	v5 =	vld [tilespmem:s2+$0x30]  }
0x68: {  	v8 =	vld [tilespmem:s2+$0x10]  }
0x69: {  	s11 =	simm.s32 $0x0;
	v6 =	vld [tilespmem:s2+$0xFFFFFFC0]  }
0x6a: {  	v2 =	vld [tilespmem:s11+$0x13980]  }
0x6b: {  	v10 =	vld [tilespmem:s2+$0xFFFFFFE0]  }
0x6c: {  	v1 =	vld [tilespmem:s2+$0xFFFFFFF0]  }
0x6d: {  	v3 =	vld [tilespmem:s2+$0x20]  }
0x6e: {  	v4 =	vld [tilespmem:s2+$0xFFFFFFD0]  }
0x6f: {  	v9 =	vmul.f32 v5, v2;
	v5 =	vld [tilespmem:s2+$0x0]  }
0x70: {  	v7 =	vmul.f32 v6, v2  }
0x71: {  	s9 =	simm.s32 $0x40;
	s10 =	simm.s32 $0x141C0;
	v6 =	vmul.f32 v10, v2;
	v8 =	vmul.f32 v8, v2  }
.LBB2_5:
0x72: {  	p1 =	sne.s32 s9, $0x1FC0  }
0x73: {  	v4 =	vmul.f32 v4, v2;
	v3 =	vmul.f32 v3, v2;
	[tilespmem:s2+$0x30] =	vst v9;
	s10 =	sadd.s32 $0x80, s10;
	s11 =	smov.u32 s9;
	s9 =	sadd.s32 $0x40, s9  }
0x74: {  	[tilespmem:s2+$0xFFFFFFC0] =	vst v7;
	v7 =	vmul.f32 v1, v2;
	v2 =	vmul.f32 v5, v2  }
0x75: {  	[tilespmem:s2+$0x10] =	vst v8  }
0x76: {  	v1 =	vld [tilespmem:s10+$0xFFFFFFF0];
	[tilespmem:s2+$0xFFFFFFE0] =	vst v6  }
0x77: {  	v6 =	vld [tilespmem:s10+$0x30];
	[tilespmem:s2+$0xFFFFFFF0] =	vst v7  }
0x78: {  	v8 =	vld [tilespmem:s10+$0x10];
	[tilespmem:s2+$0x0] =	vst v2  }
0x79: {  	v7 =	vld [tilespmem:s10+$0xFFFFFFC0];
	[tilespmem:s2+$0x20] =	vst v3  }
0x7a: {  	s11 =	sshra.s32 s11, $0x2;
	v10 =	vld [tilespmem:s10+$0xFFFFFFE0];
	[tilespmem:s2+$0xFFFFFFD0] =	vst v4;
	s2 =	smov.u32 s10  }
0x7b: {  	v2 =	vld [tilespmem:s11+$0x13980]  }
0x7c: {  	v3 =	vld [tilespmem:s10+$0x20]  }
.Ltmp1:
0x7d: {  	v4 =	vld [tilespmem:s10+$0xFFFFFFD0];
	(pc) =	sbr.rel @p1 .LBB2_5-.Ltmp1, $3  }
0x7e: {  	v5 =	vld [tilespmem:s10+$0x0];
	_ =	sdelay $0x1  }
0x7f: {  	v7 =	vmul.f32 v7, v2;
	v9 =	vmul.f32 v6, v2  }
0x80: {  	v6 =	vmul.f32 v10, v2;
	v8 =	vmul.f32 v8, v2  }
0x81: {  	[tilespmem:s2+$0x30] =	vst v9  }
0x82: {  	[tilespmem:s2+$0xFFFFFFC0] =	vst v7  }
0x83: {  	v1 =	vmul.f32 v1, v2;
	[tilespmem:s2+$0x10] =	vst v8  }
0x84: {  	v3 =	vmul.f32 v3, v2;
	[tilespmem:s2+$0xFFFFFFE0] =	vst v6  }
0x85: {  	v5 =	vmul.f32 v5, v2;
	[tilespmem:s2+$0xFFFFFFF0] =	vst v1  }
0x86: {  	s0 =	sadd.s32 $0x1, s0;
	v1 =	vmul.f32 v4, v2;
	[tilespmem:s2+$0x20] =	vst v3  }
0x87: {  	p1 =	sne.s32 s0, $0x54;
	[tilespmem:s2+$0x0] =	vst v5  }
.Ltmp2:
0x88: {  	[tilespmem:s2+$0xFFFFFFD0] =	vst v1;
	(pc) =	sbr.rel @p1 .LBB2_4-.Ltmp2, $4  }
0x89: {  	[spmem:s1] =	stream.indirect.scatter.add.f32 [tilespmem:s30], [sflag:$0x1], $0x80, s28, s29, $0xb8;
	[tilespmem:$0x1A180] =	vst v63  }
0x8a: {  	_ =	swait.ge [sflag:s24], $0x4000  }
0x8b: {  	[sflag:s24] =	ssyncset.done $0x0  }
0x8c: {  	[sflag:s24] =	ssyncadd.s32 $0xFFFFC000  }
0x8d: {  	s0 =	stileid.u32  }
0x8e: {  	s0 =	sshll.u32 s0, $0x6  }
0x8f: {  	[bflag:$0x0] =	sbarrier.arrive $0xFFFF;
	s2 =	sshrl.u32 s8, $0x3;
	s0 =	sor.u32 $0x1C01, s0  }
0x90: {  	[hbm:s20], [sflag:s0] =	dma.local [spmem:s2], $0x2700  }
0x91: {  	_ =	swait.ge [sflag:s24], $0x2700  }
0x92: {  	s3 =	sadd.s32 $0x1, s3;
	[sflag:s24] =	ssyncset.done $0x0  }
0x93: {  	p1 =	sne.s32 s3, s22;
	s2 =	sshrl.u32 @!p0 s18, $0x3;
	[sflag:s24] =	ssyncadd.s32 $0xFFFFD900  }
0x94: {  	[hbm:s21], [sflag:s0] =	dma.local @!p0 [spmem:s2], $0x100  }
.Ltmp3:
0x95: {  	_ = 	snop;
	(pc) =	sbr.rel @p1 .LBB2_1-.Ltmp3, $4  }
0x96: {  	s0 =	simm.s32 @!p0 $0x1  }
0x97: {  	_ =	swait.ge @!p0 [sflag:s0], $0x100  }
0x98: {  	[sflag:s0] =	ssyncset.done @!p0 $0x0  }
0x99: {  	[sflag:s0] =	ssyncadd.s32 @!p0 $0xFFFFFF00  }
0x9a: {  	_ =	sfence.sel $0x180000  }
0x9b: {  	[bflag:$0x0] =	sbarrier.arrive $0xFFFF  }
0x9c: {  	_ =	strace $0x9000004A  }
0x9d: {  	s0 =	stileid.u32;
	[bflag:$0x2] =	sbarrier.arrive $0xFFFF  }
0x9e: {  	p0 =	sne.s32 s0, $0x0;
	s0 =	rddreg [dreg:$0x2]  }
0x9f: {  	s0 =	sadd.s32 @!p0 $0x100000, s0  }
0xa0: {  	[sflag:s0] =	ssyncadd.tile.s32 @!p0 $0x1;
	_ =	shalt  }
.Lfunc_end2:
_tile_overlayer_lowered:
.L_overlay_start_2:
0xa1: {  	(tag) =	ssettag $0x2  }
0xa2: {  	s0 =	rddreg [dreg:$0x0];
	s2 =	stileid.u32  }
0xa3: {  	s1 =	rddreg [dreg:$0x1];
	p0 =	sne.s32 s2, $0x0  }
0xa4: {  	s3 =	rddreg [dreg:$0x2];
	[bflag:$0x3] =	sbarrier.arrive $0xFFFF;
	s2 =	simm.s32 @!p0 $0x1C01  }
0xa5: {  	[timem:s3], [sflag:s2] =	dma.local @!p0 [hbm:s0], s1  }
0xa6: {  	s0 =	simm.s32 @!p0 $0x1  }
0xa7: {  	_ =	swait.ge @!p0 [sflag:s0], s1  }
0xa8: {  	s1 =	ssub.s32 @!p0 $0x0, s1;
	[sflag:s0] =	ssyncset.done @!p0 $0x0  }
0xa9: {  	[sflag:s0] =	ssyncadd.s32 @!p0 s1  }
0xaa: {  	[bflag:$0x3] =	sbarrier.arrive $0xFFFF  }
0xab: {  	_ =	shalt  }

// kernel: kernel.19.cloned.1.call-start
scs
__scs_entry_jumppad:
0x0: {  	(pc) =	sbr.rel $0x88, $3  }
0x1: {  	(tag) =	ssettag $0x0;
	lr =	simm.s32 $0x1  }
0x2: {  	[smem:$0x3F94] =	sst lr;
	_ =	strace $0xD0000000  }
0x3: {  	_ = 	snop  }
0x4: {  	_ = 	snop  }
0x5: {  	_ = 	snop  }
0x6: {  	_ = 	snop  }
0x7: {  	_ = 	snop  }
__scs_overlays_trampoline_lowered:
0x8: {  	[smem:$0x3FA3] =	sst s0  }
0x9: {  	[smem:$0x3FA4] =	sst s1  }
0xa: {  	[smem:$0x3FA5] =	sst s2  }
0xb: {  	[smem:$0x3FA6] =	sst s3  }
0xc: {  	[smem:$0x3FA7] =	sst s4  }
0xd: {  	[smem:$0x3FA8] =	sst s5  }
0xe: {  	[smem:$0x3FA9] =	sst s6  }
0xf: {  	[smem:$0x3FAA] =	sst s7  }
0x10: {  	[smem:$0x3FAB] =	sst s8  }
0x11: {  	[smem:$0x3FAC] =	sst s9;
	s0 =	simm.s32 @!p0 $0x0  }
0x12: {  	s1 =	sld [smem:$0x3F92];
	s0 =	simm.s32 @p0 $0x1  }
0x13: {  	[smem:$0x3FAD] =	sst s0;
	s0 =	simm.s32 @!p1 $0x0  }
0x14: {  	s2 =	sld [smem:$0x3F91];
	s0 =	simm.s32 @p1 $0x1  }
0x15: {  	[smem:$0x3FAE] =	sst s0;
	s0 =	simm.s32 @!p2 $0x0  }
0x16: {  	s3 =	sld [smem:$0x3FDB];
	s0 =	simm.s32 @p2 $0x1  }
0x17: {  	s4 =	simm.s32 $0x1BF5;
	[smem:$0x3FB0] =	sst s0  }
0x18: {  	s0 =	sld [smem:$0x3F93];
	_ =	swait.ge [sflag:s4], $0x0  }
0x19: {  	s7 =	sld [smem:$0x3F94]  }
0x1a: {  	s8 =	sadd.s32 $0xFFFFE003, lr  }
0x1b: {  	s9 =	sadd.s32 $0xFFFFFEF7, lr;
	s5 =	simm.s32 $0xFFFFFFFF;
	p2 =	slt.u32 s8, $0xFFFFF086  }
0x1c: {  	p1 =	slt.u32 s9, $0xF7A;
	s5 =	simm.s32 @!p2 $0x0  }
0x1d: {  	s5 =	simm.s32 @p1 $0x1;
	p0 =	seq.s32 s7, s2  }
0x1e: {  	s7 =	smul.u32 @!p0 $0xF7A, s2;
	p2 =	seq.s32 @!p0 s5, $0x0  }
0x1f: {  	s9 =	smul.u32 $0xF7A, s1;
	s8 =	simm.s32 @!p0 $0x1BF5;
	p2 =	por !p2, p0  }
0x20: {  	[sflag:s8] =	ssyncset.s32 @!p0 $0xFFFFF086;
	s6 =	sadd.s32 @!p0 s3, s7;
	s7 =	simm.s32 @!p0 $0x108  }
0x21: {  	s3 =	sadd.s32 s3, s9;
	s6 =	sadd.s32 @!p0 $0x88, s6;
	s7 =	simm.s32 @p2 $0x1082  }
0x22: {  	[simem:s7], [sflag:s8] =	dma.local @!p0 [hbm:s6], $0xF7A  }
0x23: {  	s9 =	sor.u32 $0xD0000000, s2;
	s6 =	simm.s32 $0x108;
	_ =	swait.ge @!p0 [sflag:s8], $0x0  }
0x24: {  	s3 =	sadd.s32 $0x88, s3;
	s6 =	simm.s32 @!p1 $0x1082;
	[sflag:s4] =	ssyncset.s32 $0xFFFFF086  }
0x25: {  	[simem:s6], [sflag:s4] =	dma.local [hbm:s3], $0xF7A  }
0x26: {  	[smem:$0x3F94] =	sst s1;
	(tag) =	ssettag s2;
	_ =	strace s9  }
0x27: {  	s1 =	sld [smem:$0x3FA4]  }
0x28: {  	s2 =	sld [smem:$0x3FA5]  }
0x29: {  	s4 =	sld [smem:$0x3FA7]  }
0x2a: {  	p0 =	seq.s32 s5, $0x0;
	s5 =	sld [smem:$0x3FA8]  }
0x2b: {  	s6 =	sld [smem:$0x3FA9]  }
0x2c: {  	s7 =	sld [smem:$0x3FAA]  }
0x2d: {  	s3 =	simm.s32 $0x108;
	s8 =	sld [smem:$0x3FAB]  }
0x2e: {  	s3 =	simm.s32 @!p0 $0x1082;
	s9 =	sld [smem:$0x3FAC]  }
0x2f: {  	lr =	sadd.s32 s0, s3;
	s0 =	sld [smem:$0x3FA3]  }
0x30: {  	s3 =	sld [smem:$0x3FA6]  }
0x31: {  	[smem:$0x3FAF] =	sst s10  }
0x32: {  	s10 =	sld [smem:$0x3FAD];
	_ =	sdelay $0x3  }
0x33: {  	p0 =	seq.s32 s10, $0x1;
	s10 =	sld [smem:$0x3FAF];
	_ =	sdelay $0x3  }
0x34: {  	[smem:$0x3FAF] =	sst s10  }
0x35: {  	s10 =	sld [smem:$0x3FAE];
	_ =	sdelay $0x3  }
0x36: {  	p1 =	seq.s32 s10, $0x1;
	s10 =	sld [smem:$0x3FAF];
	_ =	sdelay $0x3  }
0x37: {  	[smem:$0x3FAF] =	sst s10  }
0x38: {  	s10 =	sld [smem:$0x3FB0]  }
0x39: {  	_ = 	snop;
	(pc) =	sbr.ind lr, $3  }
0x3a: {  	_ = 	snop  }
0x3b: {  	_ = 	snop  }
0x3c: {  	p2 =	seq.s32 s10, $0x1;
	s10 =	sld [smem:$0x3FAF]  }
0x3d: {  	_ =	shalt  }
0x3e: {  	_ =	shalt  }
0x3f: {  	_ =	shalt  }
0x40: {  	_ =	shalt  }
0x41: {  	_ =	shalt  }
0x42: {  	_ =	shalt  }
0x43: {  	_ =	shalt  }
0x44: {  	_ =	shalt  }
0x45: {  	_ =	shalt  }
0x46: {  	_ =	shalt  }
0x47: {  	_ =	shalt  }
0x48: {  	_ =	shalt  }
0x49: {  	_ =	shalt  }
0x4a: {  	_ =	shalt  }
0x4b: {  	_ =	shalt  }
0x4c: {  	_ =	shalt  }
0x4d: {  	_ =	shalt  }
0x4e: {  	_ =	shalt  }
0x4f: {  	_ =	shalt  }
0x50: {  	_ =	shalt  }
0x51: {  	_ =	shalt  }
0x52: {  	_ =	shalt  }
0x53: {  	_ =	shalt  }
0x54: {  	_ =	shalt  }
0x55: {  	_ =	shalt  }
0x56: {  	_ =	shalt  }
0x57: {  	_ =	shalt  }
0x58: {  	_ =	shalt  }
0x59: {  	_ =	shalt  }
0x5a: {  	_ =	shalt  }
0x5b: {  	_ =	shalt  }
0x5c: {  	_ =	shalt  }
0x5d: {  	_ =	shalt  }
0x5e: {  	_ =	shalt  }
0x5f: {  	_ =	shalt  }
0x60: {  	_ =	shalt  }
0x61: {  	_ =	shalt  }
0x62: {  	_ =	shalt  }
0x63: {  	_ =	shalt  }
0x64: {  	_ =	shalt  }
0x65: {  	_ =	shalt  }
0x66: {  	_ =	shalt  }
0x67: {  	_ =	shalt  }
0x68: {  	_ =	shalt  }
0x69: {  	_ =	shalt  }
0x6a: {  	_ =	shalt  }
0x6b: {  	_ =	shalt  }
0x6c: {  	_ =	shalt  }
0x6d: {  	_ =	shalt  }
0x6e: {  	_ =	shalt  }
0x6f: {  	_ =	shalt  }
0x70: {  	_ =	shalt  }
0x71: {  	_ =	shalt  }
0x72: {  	_ =	shalt  }
0x73: {  	_ =	shalt  }
0x74: {  	_ =	shalt  }
0x75: {  	_ =	shalt  }
0x76: {  	_ =	shalt  }
0x77: {  	_ =	shalt  }
0x78: {  	_ =	shalt  }
0x79: {  	_ =	shalt  }
0x7a: {  	_ =	shalt  }
0x7b: {  	_ =	shalt  }
0x7c: {  	_ =	shalt  }
0x7d: {  	_ =	shalt  }
0x7e: {  	_ =	shalt  }
0x7f: {  	_ =	shalt  }
0x80: {  	_ =	shalt  }
0x81: {  	_ =	shalt  }
0x82: {  	_ =	shalt  }
0x83: {  	_ =	shalt  }
0x84: {  	_ =	shalt  }
0x85: {  	_ =	shalt  }
0x86: {  	_ =	shalt  }
0x87: {  	_ =	shalt  }
.Lfunc_end0:
.L_simem_size_0:
called_computation.2_lowered:
.L_overlay_start_0:
0x88: {  	s2 =	sld [smem:$0x3FD9]  }
0x89: {  	s3 =	sld [smem:$0x3FFE];
	_ =	sdelay $0x1  }
0x8a: {  	s1 =	srdreg.scid  }
0x8b: {  	s0 =	sand.u32 $0x1, s1  }
0x8c: {  	s16 =	sshll.u32 s0, $0xA;
	s2 =	sadd.s32 s3, s2  }
0x8d: {  	s2 =	sadd.s32 s2, s16  }
0x8e: {  	[smem:$0x3FBB] =	sst s2  }
0x8f: {  	_ = 	snop  }
0x90: {  	(tm) =	ssettm $0x1  }
0x91: {  	s17 =	sld [smem:$0x3FFB];
	_ =	sdelay $0x3  }
0x92: {  	_ =	strace s17  }
0x93: {  	s2 =	sld [smem:$0x3FFC];
	_ =	sdelay $0x3  }
0x94: {  	_ =	strace s2  }
0x95: {  	s2 =	sld [smem:$0x3FFD];
	_ =	sdelay $0x3  }
0x96: {  	_ =	strace s2  }
0x97: {  	_ =	strace $0x8FFFFFFF  }
0x98: {  	s18 =	sld [smem:$0x3FDB];
	_ =	sdelay $0x1  }
0x99: {  	s19 =	simm.s32 $_scs_section_size  }
0x9a: {  	s4 =	simm.s32 $_size__tile_overlayer_lowered;
	s5 =	simm.s32 $_tile_overlayer_lowered  }
0x9b: {  	s22 =	simm.s32 $0x1BFF;
	s21 =	sshll.u32 s5, $0x1;
	s2 =	sadd.s32 s19, s18  }
0x9c: {  	s6 =	simm.s32 $0x0;
	s20 =	sshll.u32 s4, $0x1;
	s4 =	sadd.s32 s21, s2  }
0x9d: {  	[timem:s6], [sflag:s22] =	dma.local [hbm:s4], s20  }
0x9e: {  	_ =	swait.ge [sflag:s22], s20  }
0x9f: {  	s3 =	ssub.s32 $0x0, s20;
	[sflag:s22] =	ssyncset.done $0x0  }
0xa0: {  	[sflag:s22] =	ssyncadd.s32 s3;
	_ =	sdelay $0x1  }
0xa1: {  	s23 =	simm.s32 $0x1B8B  }
0xa2: {  	_ =	swait.ge [sflag:s23], $0x1  }
0xa3: {  	[sflag:s23] =	ssyncset.done $0x0  }
0xa4: {  	s25 =	simm.s32 $0x1B8E;
	s24 =	sld [smem:$0x3FFE];
	[sflag:s23] =	ssyncadd.s32 $0xFFFFFFFF  }
0xa5: {  	s26 =	simm.s32 $execute0_lowered;
	[smem:$0x3FD2] =	sst s25  }
0xa6: {  	s4 =	sshll.u32 s26, $0x1;
	_ =	strace $0x8000004C;
	[dreg:$0x1] =	wrdreg $0xFFFFFFFF  }
0xa7: {  	s28 =	simm.s32 $_size_execute0_lowered;
	s2 =	sadd.s32 s2, s4;
	[dreg:$0x0] =	wrdreg $0x0  }
0xa8: {  	s4 =	sshll.u32 s28, $0x1;
	[dreg:$0x2] =	wrdreg s2  }
0xa9: {  	[dreg:$0x3] =	wrdreg s4  }
0xaa: {  	[dreg:$0x4] =	wrdreg $0xC0  }
0xab: {  	_ =	task [dreg:s6], $0x5FFFF  }
0xac: {  	[dreg:$0x1] =	wrdreg $0xFFFFFFFF  }
0xad: {  	[dreg:$0x0] =	wrdreg $0x60  }
0xae: {  	[dreg:$0x2] =	wrdreg s24  }
0xaf: {  	[dreg:$0x3] =	wrdreg $0x0  }
0xb0: {  	[dreg:$0x4] =	wrdreg $0x9  }
0xb1: {  	_ =	task.clear_ibuf [dreg:s6], $0x5FFFF;
	_ =	strace $0x9000004C  }
0xb2: {  	s29 =	simm.s32 $0x9;
	_ =	strace $0x8000004E  }
0xb3: {  	_ =	swait.ge [sflag:s29], $0x1  }
0xb4: {  	[sflag:s29] =	ssyncadd.s32 $0xFFFFFFFF  }
0xb5: {  	_ =	strace $0x9000004E  }
0xb6: {  	_ =	sfence  }
0xb7: {  	s30 =	sld [smem:$0x0];
	_ =	sdelay $0x2  }
0xb8: {  	s31 =	sshll.u32 s1, $0xD;
	s1 =	sshrl.u32 s1, $0x2  }
0xb9: {  	s3 =	sand.u32 $0x4000, s31;
	s1 =	sadd.s32 s1, s30  }
0xba: {  	s0 =	sor.u32 s3, s0;
	s1 =	sshll.u32 s1, $0x11  }
0xbb: {  	s0 =	sor.u32 s1, s0  }
0xbc: {  	s0 =	sadd.s32 $0x8F2B, s0  }
0xbd: {  	[sflag:s0] =	ssyncadd.remote.s32 $0x1  }
0xbe: {  	_ =	sfence.sel $0xFFFF  }
0xbf: {  	[dreg:$0x0] =	wrdreg $0xFFFFFFFF;
	(pc) =	sbr.abs _section_cstart, $3  }
0xc0: {  	[dreg:$0x1] =	wrdreg $0xFFFFFFFF  }
0xc1: {  	_ =	task.clear_ibuf [dreg:s6], $0x2FFFF;
	_ =	strace $0x9FFFFFFF  }
0xc2: {  	(tm) =	ssettm $0x7FFFFFFF  }
0xc3: {  	_ =	shalt  }
tec
execute0_lowered:
.L_overlay_start_1:
0x0: {  	(tag) =	ssettag $0x1  }
0x1: {  	s0 =	rddreg [dreg:$0x0]  }
0x2: {  	s1 =	rddreg [dreg:$0x1]  }
0x3: {  	s3 =	simm.s32 $0x0;
	s2 =	srdreg.scid;
	s11 =	stileid.u32  }
0x4: {  	s28 =	simm.s32 $0x13900;
	s29 =	simm.s32 $0x80;
	s30 =	simm.s32 $0x14180  }
0x5: {  	s31 =	simm.s32 $0x0;
	[smem:$0x7FF] =	sst s3;
	s4 =	sadd.s32 $0x24000, s0  }
0x6: {  	s2 =	sand.u32 $0x1, s2;
	s8 =	smul.u32 $0x4E000, s11;
	s5 =	sadd.s32 $0x19800, s0  }
0x7: {  	s6 =	sadd.s32 $0x3E00, s0;
	s7 =	sadd.s32 $0x564000, s0;
	s0 =	sadd.s32 $0x4B200, s0  }
0x8: {  	s19 =	smul.u32 $0x13800, s11;
	s18 =	sadd.s32 $0x138000, s1;
	p0 =	sne.s32 s11, $0xF  }
0x9: {  	_ =	strace $0x8000004D;
	s9 =	ssub.s32 $0x2, s2;
	s26 =	smul.u32 $0x138800, s2  }
0xa: {  	s2 =	sshll.u32 s2, $0x4;
	s10 =	sshrl.u32 s9, $0x1;
	s8 =	sshrl.u32 s8, $0x2  }
0xb: {  	s2 =	sor.u32 s11, s2;
	s9 =	ssub.s32 s9, s10;
	s8 =	sadd.s32 s8, s1  }
0xc: {  	s19 =	sadd.s32 s19, s26;
	s10 =	sshrl.u32 s26, $0x3;
	s26 =	simm.s32 $0x13980  }
0xd: {  	s23 =	sadd.s32 $0x2000, s8;
	s24 =	sadd.s32 $0x4000, s8;
	s25 =	sadd.s32 $0x6000, s8  }
0xe: {  	s12 =	sadd.s32 $0x8000, s8;
	s13 =	sadd.s32 $0xA000, s8;
	s14 =	sadd.s32 $0xC000, s8  }
0xf: {  	s15 =	sadd.s32 $0xE000, s8;
	s16 =	sadd.s32 $0x10000, s8;
	s17 =	sadd.s32 $0x12000, s8  }
0x10: {  	s20 =	sshrl.u32 s19, $0x3;
	s10 =	sadd.s32 s0, s10;
	[dreg:$0x3] =	wrdreg s23  }
0x11: {  	s19 =	smul.u32 $0x2A00, s2;
	s22 =	smax.u32 s9, $0x1;
	[dreg:$0x4] =	wrdreg s24  }
0x12: {  	[dreg:$0x5] =	wrdreg s25;
	s20 =	sadd.s32 s0, s20;
	s21 =	sadd.s32 $0x27000, s10  }
0x13: {  	v0 =	vimm.f32 $0.0e+00;
	s23 =	simm.s32 $0x18180;
	s24 =	simm.s32 $0x1;
	s25 =	simm.s32 $0x13880  }
.LBB2_1:
0x14: {  	s0 =	simm.s32 $0x0;
	s2 =	simm.s32 $0x200  }
.LBB2_2:
0x15: {  	p1 =	sne.s32 s2, $0x7E00;
	[tilespmem:s0+$0x181F0] =	vst v0  }
0x16: {  	[tilespmem:s0+$0x18180] =	vst v0  }
0x17: {  	[tilespmem:s0+$0x18190] =	vst v0  }
.Ltmp0:
0x18: {  	[tilespmem:s0+$0x181A0] =	vst v0;
	(pc) =	sbr.rel @p1 .LBB2_2-.Ltmp0, $4  }
0x19: {  	[tilespmem:s0+$0x181B0] =	vst v0  }
0x1a: {  	[tilespmem:s0+$0x181C0] =	vst v0  }
0x1b: {  	[tilespmem:s0+$0x181D0] =	vst v0  }
0x1c: {  	[tilespmem:s0+$0x181E0] =	vst v0;
	s0 =	sshra.s32 s2, $0x2;
	s2 =	sadd.s32 $0x200, s2  }
0x1d: {  	[tilespmem:s0+$0x181F0] =	vst v0  }
0x1e: {  	[tilespmem:s0+$0x18180] =	vst v0  }
0x1f: {  	[tilespmem:s0+$0x18190] =	vst v0  }
0x20: {  	[tilespmem:s0+$0x181A0] =	vst v0  }
0x21: {  	[tilespmem:s0+$0x181B0] =	vst v0  }
0x22: {  	[tilespmem:s0+$0x181C0] =	vst v0  }
0x23: {  	[tilespmem:s0+$0x181D0] =	vst v0  }
0x24: {  	[tilespmem:s0+$0x181E0] =	vst v0  }
0x25: {  	[spmem:s8] =	stream.linear.scatter [tilespmem:s23], [sflag:$0x1], $0x2000, $0x38;
	[tilespmem:$0x1A180] =	vst v63  }
0x26: {  	_ =	swait.ge [sflag:s24], $0x2000  }
0x27: {  	[sflag:s24] =	ssyncset.done $0x0  }
0x28: {  	s9 =	rddreg [dreg:$0x3];
	[sflag:s24] =	ssyncadd.s32 $0xFFFFE000  }
0x29: {  	[spmem:s9] =	stream.linear.scatter [tilespmem:s23], [sflag:$0x1], $0x2000, $0x38;
	[tilespmem:$0x1A180] =	vst v63  }
0x2a: {  	_ =	swait.ge [sflag:s24], $0x2000  }
0x2b: {  	[sflag:s24] =	ssyncset.done $0x0  }
0x2c: {  	s10 =	rddreg [dreg:$0x4];
	[sflag:s24] =	ssyncadd.s32 $0xFFFFE000  }
0x2d: {  	[spmem:s10] =	stream.linear.scatter [tilespmem:s23], [sflag:$0x1], $0x2000, $0x38;
	[tilespmem:$0x1A180] =	vst v63  }
0x2e: {  	_ =	swait.ge [sflag:s24], $0x2000  }
0x2f: {  	[sflag:s24] =	ssyncset.done $0x0  }
0x30: {  	s11 =	rddreg [dreg:$0x5];
	[sflag:s24] =	ssyncadd.s32 $0xFFFFE000  }
0x31: {  	[spmem:s11] =	stream.linear.scatter [tilespmem:s23], [sflag:$0x1], $0x2000, $0x38;
	[tilespmem:$0x1A180] =	vst v63  }
0x32: {  	_ =	swait.ge [sflag:s24], $0x2000  }
0x33: {  	[sflag:s24] =	ssyncset.done $0x0  }
0x34: {  	[sflag:s24] =	ssyncadd.s32 $0xFFFFE000  }
0x35: {  	[spmem:s12] =	stream.linear.scatter [tilespmem:s23], [sflag:$0x1], $0x2000, $0x38;
	[tilespmem:$0x1A180] =	vst v63  }
0x36: {  	_ =	swait.ge [sflag:s24], $0x2000  }
0x37: {  	[sflag:s24] =	ssyncset.done $0x0  }
0x38: {  	[sflag:s24] =	ssyncadd.s32 $0xFFFFE000  }
0x39: {  	[spmem:s13] =	stream.linear.scatter [tilespmem:s23], [sflag:$0x1], $0x2000, $0x38;
	[tilespmem:$0x1A180] =	vst v63  }
0x3a: {  	_ =	swait.ge [sflag:s24], $0x2000  }
0x3b: {  	[sflag:s24] =	ssyncset.done $0x0  }
0x3c: {  	[sflag:s24] =	ssyncadd.s32 $0xFFFFE000  }
0x3d: {  	[spmem:s14] =	stream.linear.scatter [tilespmem:s23], [sflag:$0x1], $0x2000, $0x38;
	[tilespmem:$0x1A180] =	vst v63  }
0x3e: {  	_ =	swait.ge [sflag:s24], $0x2000  }
0x3f: {  	[sflag:s24] =	ssyncset.done $0x0  }
0x40: {  	[sflag:s24] =	ssyncadd.s32 $0xFFFFE000  }
0x41: {  	[spmem:s15] =	stream.linear.scatter [tilespmem:s23], [sflag:$0x1], $0x2000, $0x38;
	[tilespmem:$0x1A180] =	vst v63  }
0x42: {  	_ =	swait.ge [sflag:s24], $0x2000  }
0x43: {  	[sflag:s24] =	ssyncset.done $0x0  }
0x44: {  	[sflag:s24] =	ssyncadd.s32 $0xFFFFE000  }
0x45: {  	[spmem:s16] =	stream.linear.scatter [tilespmem:s23], [sflag:$0x1], $0x2000, $0x38;
	[tilespmem:$0x1A180] =	vst v63  }
0x46: {  	_ =	swait.ge [sflag:s24], $0x2000  }
0x47: {  	[sflag:s24] =	ssyncset.done $0x0  }
0x48: {  	[sflag:s24] =	ssyncadd.s32 $0xFFFFE000  }
0x49: {  	[spmem:s17] =	stream.linear.scatter [tilespmem:s23], [sflag:$0x1], $0x1800, $0x38;
	[tilespmem:$0x1A180] =	vst v63  }
0x4a: {  	_ =	swait.ge [sflag:s24], $0x1800  }
0x4b: {  	[sflag:s24] =	ssyncset.done $0x0  }
0x4c: {  	s0 =	simm.s32 @!p0 $0x18180;
	[sflag:s24] =	ssyncadd.s32 $0xFFFFE800  }
0x4d: {  	[spmem:s18] =	stream.linear.scatter @!p0 [tilespmem:s0], [sflag:$0x1], $0x800, $0x38;
	[tilespmem:$0x1A180] =	vst v63  }
0x4e: {  	s0 =	simm.s32 @!p0 $0x1  }
0x4f: {  	_ =	swait.ge @!p0 [sflag:s0], $0x800  }
0x50: {  	[sflag:s0] =	ssyncset.done @!p0 $0x0  }
0x51: {  	[sflag:s0] =	ssyncadd.s32 @!p0 $0xFFFFF800  }
0x52: {  	s0 =	simm.s32 $0x0;
	[bflag:$0x0] =	sbarrier.arrive $0xFFFF  }
.LBB2_4:
0x53: {  	s2 =	sshll.u32 s0, $0x7  }
0x54: {  	s2 =	sadd.s32 s19, s2  }
0x55: {  	s9 =	sshrl.u32 s2, $0x3  }
0x56: {  	s10 =	sadd.s32 s5, s9  }
0x57: {  	[tilespmem:s25], [sflag:$0x1] =	stream.linear.gather [hbm4b:s10+s31], $0x80, $0x38;
	[tilespmem:$0x1A180] =	vst v63  }
0x58: {  	_ =	swait.ge [sflag:s24], $0x80  }
0x59: {  	s2 =	sshll.u32 s2, $0x1;
	[sflag:s24] =	ssyncset.done $0x0  }
0x5a: {  	s2 =	sadd.s32 s7, s2;
	[sflag:s24] =	ssyncadd.s32 $0xFFFFFF80  }
0x5b: {  	[tilespmem:s26], [sflag:$0x1] =	stream.linear.gather [hbm4b:s2+s31], $0x800, $0x38;
	[tilespmem:$0x1A180] =	vst v63  }
0x5c: {  	_ =	swait.ge [sflag:s24], $0x800  }
0x5d: {  	[sflag:s24] =	ssyncset.done $0x0  }
0x5e: {  	s10 =	sadd.s32 s6, s9;
	[sflag:s24] =	ssyncadd.s32 $0xFFFFF800  }
0x5f: {  	[tilespmem:s28], [sflag:$0x1] =	stream.linear.gather [hbm4b:s10+s31], $0x80, $0x38;
	[tilespmem:$0x1A180] =	vst v63  }
0x60: {  	_ =	swait.ge [sflag:s24], $0x80  }
0x61: {  	[sflag:s24] =	ssyncset.done $0x0  }
0x62: {  	[sflag:s24] =	ssyncadd.s32 $0xFFFFFF80  }
0x63: {  	[tilespmem:s30], [sflag:$0x1] =	stream.indirect.gather [hbm4b:s4+s29], $0x80, s25, s29, $0xb8;
	[tilespmem:$0x1A180] =	vst v63  }
0x64: {  	_ =	swait.ge [sflag:s24], $0x4000  }
0x65: {  	[sflag:s24] =	ssyncset.done $0x0  }
0x66: {  	s2 =	simm.s32 $0x141C0;
	[sflag:s24] =	ssyncadd.s32 $0xFFFFC000  }
0x67: {  	v5 =	vld [tilespmem:s2+$0x30]  }
0x68: {  	v8 =	vld [tilespmem:s2+$0x10]  }
0x69: {  	s11 =	simm.s32 $0x0;
	v6 =	vld [tilespmem:s2+$0xFFFFFFC0]  }
0x6a: {  	v2 =	vld [tilespmem:s11+$0x13980]  }
0x6b: {  	v10 =	vld [tilespmem:s2+$0xFFFFFFE0]  }
0x6c: {  	v1 =	vld [tilespmem:s2+$0xFFFFFFF0]  }
0x6d: {  	v3 =	vld [tilespmem:s2+$0x20]  }
0x6e: {  	v4 =	vld [tilespmem:s2+$0xFFFFFFD0]  }
0x6f: {  	v9 =	vmul.f32 v5, v2;
	v5 =	vld [tilespmem:s2+$0x0]  }
0x70: {  	v7 =	vmul.f32 v6, v2  }
0x71: {  	s9 =	simm.s32 $0x40;
	s10 =	simm.s32 $0x141C0;
	v6 =	vmul.f32 v10, v2;
	v8 =	vmul.f32 v8, v2  }
.LBB2_5:
0x72: {  	p1 =	sne.s32 s9, $0x1FC0  }
0x73: {  	v4 =	vmul.f32 v4, v2;
	v3 =	vmul.f32 v3, v2;
	[tilespmem:s2+$0x30] =	vst v9;
	s10 =	sadd.s32 $0x80, s10;
	s11 =	smov.u32 s9;
	s9 =	sadd.s32 $0x40, s9  }
0x74: {  	[tilespmem:s2+$0xFFFFFFC0] =	vst v7;
	v7 =	vmul.f32 v1, v2;
	v2 =	vmul.f32 v5, v2  }
0x75: {  	[tilespmem:s2+$0x10] =	vst v8  }
0x76: {  	v1 =	vld [tilespmem:s10+$0xFFFFFFF0];
	[tilespmem:s2+$0xFFFFFFE0] =	vst v6  }
0x77: {  	v6 =	vld [tilespmem:s10+$0x30];
	[tilespmem:s2+$0xFFFFFFF0] =	vst v7  }
0x78: {  	v8 =	vld [tilespmem:s10+$0x10];
	[tilespmem:s2+$0x0] =	vst v2  }
0x79: {  	v7 =	vld [tilespmem:s10+$0xFFFFFFC0];
	[tilespmem:s2+$0x20] =	vst v3  }
0x7a: {  	s11 =	sshra.s32 s11, $0x2;
	v10 =	vld [tilespmem:s10+$0xFFFFFFE0];
	[tilespmem:s2+$0xFFFFFFD0] =	vst v4;
	s2 =	smov.u32 s10  }
0x7b: {  	v2 =	vld [tilespmem:s11+$0x13980]  }
0x7c: {  	v3 =	vld [tilespmem:s10+$0x20]  }
.Ltmp1:
0x7d: {  	v4 =	vld [tilespmem:s10+$0xFFFFFFD0];
	(pc) =	sbr.rel @p1 .LBB2_5-.Ltmp1, $3  }
0x7e: {  	v5 =	vld [tilespmem:s10+$0x0];
	_ =	sdelay $0x1  }
0x7f: {  	v7 =	vmul.f32 v7, v2;
	v9 =	vmul.f32 v6, v2  }
0x80: {  	v6 =	vmul.f32 v10, v2;
	v8 =	vmul.f32 v8, v2  }
0x81: {  	[tilespmem:s2+$0x30] =	vst v9  }
0x82: {  	[tilespmem:s2+$0xFFFFFFC0] =	vst v7  }
0x83: {  	v1 =	vmul.f32 v1, v2;
	[tilespmem:s2+$0x10] =	vst v8  }
0x84: {  	v3 =	vmul.f32 v3, v2;
	[tilespmem:s2+$0xFFFFFFE0] =	vst v6  }
0x85: {  	v5 =	vmul.f32 v5, v2;
	[tilespmem:s2+$0xFFFFFFF0] =	vst v1  }
0x86: {  	s0 =	sadd.s32 $0x1, s0;
	v1 =	vmul.f32 v4, v2;
	[tilespmem:s2+$0x20] =	vst v3  }
0x87: {  	p1 =	sne.s32 s0, $0x54;
	[tilespmem:s2+$0x0] =	vst v5  }
.Ltmp2:
0x88: {  	[tilespmem:s2+$0xFFFFFFD0] =	vst v1;
	(pc) =	sbr.rel @p1 .LBB2_4-.Ltmp2, $4  }
0x89: {  	[spmem:s1] =	stream.indirect.scatter.add.f32 [tilespmem:s30], [sflag:$0x1], $0x80, s28, s29, $0xb8;
	[tilespmem:$0x1A180] =	vst v63  }
0x8a: {  	_ =	swait.ge [sflag:s24], $0x4000  }
0x8b: {  	[sflag:s24] =	ssyncset.done $0x0  }
0x8c: {  	[sflag:s24] =	ssyncadd.s32 $0xFFFFC000  }
0x8d: {  	s0 =	stileid.u32  }
0x8e: {  	s0 =	sshll.u32 s0, $0x6  }
0x8f: {  	[bflag:$0x0] =	sbarrier.arrive $0xFFFF;
	s2 =	sshrl.u32 s8, $0x3;
	s0 =	sor.u32 $0x1C01, s0  }
0x90: {  	[hbm:s20], [sflag:s0] =	dma.local [spmem:s2], $0x2700  }
0x91: {  	_ =	swait.ge [sflag:s24], $0x2700  }
0x92: {  	s3 =	sadd.s32 $0x1, s3;
	[sflag:s24] =	ssyncset.done $0x0  }
0x93: {  	p1 =	sne.s32 s3, s22;
	s2 =	sshrl.u32 @!p0 s18, $0x3;
	[sflag:s24] =	ssyncadd.s32 $0xFFFFD900  }
0x94: {  	[hbm:s21], [sflag:s0] =	dma.local @!p0 [spmem:s2], $0x100  }
.Ltmp3:
0x95: {  	_ = 	snop;
	(pc) =	sbr.rel @p1 .LBB2_1-.Ltmp3, $4  }
0x96: {  	s0 =	simm.s32 @!p0 $0x1  }
0x97: {  	_ =	swait.ge @!p0 [sflag:s0], $0x100  }
0x98: {  	[sflag:s0] =	ssyncset.done @!p0 $0x0  }
0x99: {  	[sflag:s0] =	ssyncadd.s32 @!p0 $0xFFFFFF00  }
0x9a: {  	_ =	sfence.sel $0x180000  }
0x9b: {  	[bflag:$0x0] =	sbarrier.arrive $0xFFFF  }
0x9c: {  	_ =	strace $0x9000004D  }
0x9d: {  	s0 =	stileid.u32;
	[bflag:$0x2] =	sbarrier.arrive $0xFFFF  }
0x9e: {  	p0 =	sne.s32 s0, $0x0;
	s0 =	rddreg [dreg:$0x2]  }
0x9f: {  	s0 =	sadd.s32 @!p0 $0x100000, s0  }
0xa0: {  	[sflag:s0] =	ssyncadd.tile.s32 @!p0 $0x1;
	_ =	shalt  }
.Lfunc_end2:
_tile_overlayer_lowered:
.L_overlay_start_2:
0xa1: {  	(tag) =	ssettag $0x2  }
0xa2: {  	s0 =	rddreg [dreg:$0x0];
	s2 =	stileid.u32  }
0xa3: {  	s1 =	rddreg [dreg:$0x1];
	p0 =	sne.s32 s2, $0x0  }
0xa4: {  	s3 =	rddreg [dreg:$0x2];
	[bflag:$0x3] =	sbarrier.arrive $0xFFFF;
	s2 =	simm.s32 @!p0 $0x1C01  }
0xa5: {  	[timem:s3], [sflag:s2] =	dma.local @!p0 [hbm:s0], s1  }
0xa6: {  	s0 =	simm.s32 @!p0 $0x1  }
0xa7: {  	_ =	swait.ge @!p0 [sflag:s0], s1  }
0xa8: {  	s1 =	ssub.s32 @!p0 $0x0, s1;
	[sflag:s0] =	ssyncset.done @!p0 $0x0  }
0xa9: {  	[sflag:s0] =	ssyncadd.s32 @!p0 s1  }
0xaa: {  	[bflag:$0x3] =	sbarrier.arrive $0xFFFF  }
0xab: {  	_ =	shalt  }

// kernel: kernel.22.cloned.1.call-start
scs
__scs_entry_jumppad:
0x0: {  	(pc) =	sbr.rel $0x88, $3  }
0x1: {  	(tag) =	ssettag $0x0;
	lr =	simm.s32 $0x1  }
0x2: {  	[smem:$0x3F94] =	sst lr;
	_ =	strace $0xD0000000  }
0x3: {  	_ = 	snop  }
0x4: {  	_ = 	snop  }
0x5: {  	_ = 	snop  }
0x6: {  	_ = 	snop  }
0x7: {  	_ = 	snop  }
__scs_overlays_trampoline_lowered:
0x8: {  	[smem:$0x3FA3] =	sst s0  }
0x9: {  	[smem:$0x3FA4] =	sst s1  }
0xa: {  	[smem:$0x3FA5] =	sst s2  }
0xb: {  	[smem:$0x3FA6] =	sst s3  }
0xc: {  	[smem:$0x3FA7] =	sst s4  }
0xd: {  	[smem:$0x3FA8] =	sst s5  }
0xe: {  	[smem:$0x3FA9] =	sst s6  }
0xf: {  	[smem:$0x3FAA] =	sst s7  }
0x10: {  	[smem:$0x3FAB] =	sst s8  }
0x11: {  	[smem:$0x3FAC] =	sst s9;
	s0 =	simm.s32 @!p0 $0x0  }
0x12: {  	s1 =	sld [smem:$0x3F92];
	s0 =	simm.s32 @p0 $0x1  }
0x13: {  	[smem:$0x3FAD] =	sst s0;
	s0 =	simm.s32 @!p1 $0x0  }
0x14: {  	s2 =	sld [smem:$0x3F91];
	s0 =	simm.s32 @p1 $0x1  }
0x15: {  	[smem:$0x3FAE] =	sst s0;
	s0 =	simm.s32 @!p2 $0x0  }
0x16: {  	s3 =	sld [smem:$0x3FDB];
	s0 =	simm.s32 @p2 $0x1  }
0x17: {  	s4 =	simm.s32 $0x1BF5;
	[smem:$0x3FB0] =	sst s0  }
0x18: {  	s0 =	sld [smem:$0x3F93];
	_ =	swait.ge [sflag:s4], $0x0  }
0x19: {  	s7 =	sld [smem:$0x3F94]  }
0x1a: {  	s8 =	sadd.s32 $0xFFFFE003, lr  }
0x1b: {  	s9 =	sadd.s32 $0xFFFFFEF7, lr;
	s5 =	simm.s32 $0xFFFFFFFF;
	p2 =	slt.u32 s8, $0xFFFFF086  }
0x1c: {  	p1 =	slt.u32 s9, $0xF7A;
	s5 =	simm.s32 @!p2 $0x0  }
0x1d: {  	s5 =	simm.s32 @p1 $0x1;
	p0 =	seq.s32 s7, s2  }
0x1e: {  	s7 =	smul.u32 @!p0 $0xF7A, s2;
	p2 =	seq.s32 @!p0 s5, $0x0  }
0x1f: {  	s9 =	smul.u32 $0xF7A, s1;
	s8 =	simm.s32 @!p0 $0x1BF5;
	p2 =	por !p2, p0  }
0x20: {  	[sflag:s8] =	ssyncset.s32 @!p0 $0xFFFFF086;
	s6 =	sadd.s32 @!p0 s3, s7;
	s7 =	simm.s32 @!p0 $0x108  }
0x21: {  	s3 =	sadd.s32 s3, s9;
	s6 =	sadd.s32 @!p0 $0x88, s6;
	s7 =	simm.s32 @p2 $0x1082  }
0x22: {  	[simem:s7], [sflag:s8] =	dma.local @!p0 [hbm:s6], $0xF7A  }
0x23: {  	s9 =	sor.u32 $0xD0000000, s2;
	s6 =	simm.s32 $0x108;
	_ =	swait.ge @!p0 [sflag:s8], $0x0  }
0x24: {  	s3 =	sadd.s32 $0x88, s3;
	s6 =	simm.s32 @!p1 $0x1082;
	[sflag:s4] =	ssyncset.s32 $0xFFFFF086  }
0x25: {  	[simem:s6], [sflag:s4] =	dma.local [hbm:s3], $0xF7A  }
0x26: {  	[smem:$0x3F94] =	sst s1;
	(tag) =	ssettag s2;
	_ =	strace s9  }
0x27: {  	s1 =	sld [smem:$0x3FA4]  }
0x28: {  	s2 =	sld [smem:$0x3FA5]  }
0x29: {  	s4 =	sld [smem:$0x3FA7]  }
0x2a: {  	p0 =	seq.s32 s5, $0x0;
	s5 =	sld [smem:$0x3FA8]  }
0x2b: {  	s6 =	sld [smem:$0x3FA9]  }
0x2c: {  	s7 =	sld [smem:$0x3FAA]  }
0x2d: {  	s3 =	simm.s32 $0x108;
	s8 =	sld [smem:$0x3FAB]  }
0x2e: {  	s3 =	simm.s32 @!p0 $0x1082;
	s9 =	sld [smem:$0x3FAC]  }
0x2f: {  	lr =	sadd.s32 s0, s3;
	s0 =	sld [smem:$0x3FA3]  }
0x30: {  	s3 =	sld [smem:$0x3FA6]  }
0x31: {  	[smem:$0x3FAF] =	sst s10  }
0x32: {  	s10 =	sld [smem:$0x3FAD];
	_ =	sdelay $0x3  }
0x33: {  	p0 =	seq.s32 s10, $0x1;
	s10 =	sld [smem:$0x3FAF];
	_ =	sdelay $0x3  }
0x34: {  	[smem:$0x3FAF] =	sst s10  }
0x35: {  	s10 =	sld [smem:$0x3FAE];
	_ =	sdelay $0x3  }
0x36: {  	p1 =	seq.s32 s10, $0x1;
	s10 =	sld [smem:$0x3FAF];
	_ =	sdelay $0x3  }
0x37: {  	[smem:$0x3FAF] =	sst s10  }
0x38: {  	s10 =	sld [smem:$0x3FB0]  }
0x39: {  	_ = 	snop;
	(pc) =	sbr.ind lr, $3  }
0x3a: {  	_ = 	snop  }
0x3b: {  	_ = 	snop  }
0x3c: {  	p2 =	seq.s32 s10, $0x1;
	s10 =	sld [smem:$0x3FAF]  }
0x3d: {  	_ =	shalt  }
0x3e: {  	_ =	shalt  }
0x3f: {  	_ =	shalt  }
0x40: {  	_ =	shalt  }
0x41: {  	_ =	shalt  }
0x42: {  	_ =	shalt  }
0x43: {  	_ =	shalt  }
0x44: {  	_ =	shalt  }
0x45: {  	_ =	shalt  }
0x46: {  	_ =	shalt  }
0x47: {  	_ =	shalt  }
0x48: {  	_ =	shalt  }
0x49: {  	_ =	shalt  }
0x4a: {  	_ =	shalt  }
0x4b: {  	_ =	shalt  }
0x4c: {  	_ =	shalt  }
0x4d: {  	_ =	shalt  }
0x4e: {  	_ =	shalt  }
0x4f: {  	_ =	shalt  }
0x50: {  	_ =	shalt  }
0x51: {  	_ =	shalt  }
0x52: {  	_ =	shalt  }
0x53: {  	_ =	shalt  }
0x54: {  	_ =	shalt  }
0x55: {  	_ =	shalt  }
0x56: {  	_ =	shalt  }
0x57: {  	_ =	shalt  }
0x58: {  	_ =	shalt  }
0x59: {  	_ =	shalt  }
0x5a: {  	_ =	shalt  }
0x5b: {  	_ =	shalt  }
0x5c: {  	_ =	shalt  }
0x5d: {  	_ =	shalt  }
0x5e: {  	_ =	shalt  }
0x5f: {  	_ =	shalt  }
0x60: {  	_ =	shalt  }
0x61: {  	_ =	shalt  }
0x62: {  	_ =	shalt  }
0x63: {  	_ =	shalt  }
0x64: {  	_ =	shalt  }
0x65: {  	_ =	shalt  }
0x66: {  	_ =	shalt  }
0x67: {  	_ =	shalt  }
0x68: {  	_ =	shalt  }
0x69: {  	_ =	shalt  }
0x6a: {  	_ =	shalt  }
0x6b: {  	_ =	shalt  }
0x6c: {  	_ =	shalt  }
0x6d: {  	_ =	shalt  }
0x6e: {  	_ =	shalt  }
0x6f: {  	_ =	shalt  }
0x70: {  	_ =	shalt  }
0x71: {  	_ =	shalt  }
0x72: {  	_ =	shalt  }
0x73: {  	_ =	shalt  }
0x74: {  	_ =	shalt  }
0x75: {  	_ =	shalt  }
0x76: {  	_ =	shalt  }
0x77: {  	_ =	shalt  }
0x78: {  	_ =	shalt  }
0x79: {  	_ =	shalt  }
0x7a: {  	_ =	shalt  }
0x7b: {  	_ =	shalt  }
0x7c: {  	_ =	shalt  }
0x7d: {  	_ =	shalt  }
0x7e: {  	_ =	shalt  }
0x7f: {  	_ =	shalt  }
0x80: {  	_ =	shalt  }
0x81: {  	_ =	shalt  }
0x82: {  	_ =	shalt  }
0x83: {  	_ =	shalt  }
0x84: {  	_ =	shalt  }
0x85: {  	_ =	shalt  }
0x86: {  	_ =	shalt  }
0x87: {  	_ =	shalt  }
.Lfunc_end0:
.L_simem_size_0:
called_computation.3_lowered:
.L_overlay_start_0:
0x88: {  	s2 =	sld [smem:$0x3FD9]  }
0x89: {  	s3 =	sld [smem:$0x3FFE];
	_ =	sdelay $0x1  }
0x8a: {  	s1 =	srdreg.scid  }
0x8b: {  	s0 =	sand.u32 $0x1, s1  }
0x8c: {  	s16 =	sshll.u32 s0, $0xA;
	s2 =	sadd.s32 s3, s2  }
0x8d: {  	s2 =	sadd.s32 s2, s16  }
0x8e: {  	[smem:$0x3FBB] =	sst s2  }
0x8f: {  	_ = 	snop  }
0x90: {  	(tm) =	ssettm $0x1  }
0x91: {  	s17 =	sld [smem:$0x3FFB];
	_ =	sdelay $0x3  }
0x92: {  	_ =	strace s17  }
0x93: {  	s2 =	sld [smem:$0x3FFC];
	_ =	sdelay $0x3  }
0x94: {  	_ =	strace s2  }
0x95: {  	s2 =	sld [smem:$0x3FFD];
	_ =	sdelay $0x3  }
0x96: {  	_ =	strace s2  }
0x97: {  	_ =	strace $0x8FFFFFFF  }
0x98: {  	s18 =	sld [smem:$0x3FDB];
	_ =	sdelay $0x1  }
0x99: {  	s19 =	simm.s32 $_scs_section_size  }
0x9a: {  	s4 =	simm.s32 $_size__tile_overlayer_lowered;
	s5 =	simm.s32 $_tile_overlayer_lowered  }
0x9b: {  	s22 =	simm.s32 $0x1BFF;
	s21 =	sshll.u32 s5, $0x1;
	s2 =	sadd.s32 s19, s18  }
0x9c: {  	s6 =	simm.s32 $0x0;
	s20 =	sshll.u32 s4, $0x1;
	s4 =	sadd.s32 s21, s2  }
0x9d: {  	[timem:s6], [sflag:s22] =	dma.local [hbm:s4], s20  }
0x9e: {  	_ =	swait.ge [sflag:s22], s20  }
0x9f: {  	s3 =	ssub.s32 $0x0, s20;
	[sflag:s22] =	ssyncset.done $0x0  }
0xa0: {  	[sflag:s22] =	ssyncadd.s32 s3;
	_ =	sdelay $0x1  }
0xa1: {  	s23 =	simm.s32 $0x1B8B  }
0xa2: {  	_ =	swait.ge [sflag:s23], $0x1  }
0xa3: {  	[sflag:s23] =	ssyncset.done $0x0  }
0xa4: {  	s25 =	simm.s32 $0x1B8E;
	s24 =	sld [smem:$0x3FFE];
	[sflag:s23] =	ssyncadd.s32 $0xFFFFFFFF  }
0xa5: {  	s26 =	simm.s32 $execute0_lowered;
	[smem:$0x3FD2] =	sst s25  }
0xa6: {  	s4 =	sshll.u32 s26, $0x1;
	_ =	strace $0x8000004F;
	[dreg:$0x1] =	wrdreg $0xFFFFFFFF  }
0xa7: {  	s28 =	simm.s32 $_size_execute0_lowered;
	s2 =	sadd.s32 s2, s4;
	[dreg:$0x0] =	wrdreg $0x0  }
0xa8: {  	s4 =	sshll.u32 s28, $0x1;
	[dreg:$0x2] =	wrdreg s2  }
0xa9: {  	[dreg:$0x3] =	wrdreg s4  }
0xaa: {  	[dreg:$0x4] =	wrdreg $0xC0  }
0xab: {  	_ =	task [dreg:s6], $0x5FFFF  }
0xac: {  	[dreg:$0x1] =	wrdreg $0xFFFFFFFF  }
0xad: {  	[dreg:$0x0] =	wrdreg $0x60  }
0xae: {  	[dreg:$0x2] =	wrdreg s24  }
0xaf: {  	[dreg:$0x3] =	wrdreg $0x0  }
0xb0: {  	[dreg:$0x4] =	wrdreg $0x9  }
0xb1: {  	_ =	task.clear_ibuf [dreg:s6], $0x5FFFF;
	_ =	strace $0x9000004F  }
0xb2: {  	s29 =	simm.s32 $0x9;
	_ =	strace $0x80000051  }
0xb3: {  	_ =	swait.ge [sflag:s29], $0x1  }
0xb4: {  	[sflag:s29] =	ssyncadd.s32 $0xFFFFFFFF  }
0xb5: {  	_ =	strace $0x90000051  }
0xb6: {  	_ =	sfence  }
0xb7: {  	s30 =	sld [smem:$0x0];
	_ =	sdelay $0x2  }
0xb8: {  	s31 =	sshll.u32 s1, $0xD;
	s1 =	sshrl.u32 s1, $0x2  }
0xb9: {  	s3 =	sand.u32 $0x4000, s31;
	s1 =	sadd.s32 s1, s30  }
0xba: {  	s0 =	sor.u32 s3, s0;
	s1 =	sshll.u32 s1, $0x11  }
0xbb: {  	s0 =	sor.u32 s1, s0  }
0xbc: {  	s0 =	sadd.s32 $0x8F2B, s0  }
0xbd: {  	[sflag:s0] =	ssyncadd.remote.s32 $0x1  }
0xbe: {  	_ =	sfence.sel $0xFFFF  }
0xbf: {  	[dreg:$0x0] =	wrdreg $0xFFFFFFFF;
	(pc) =	sbr.abs _section_cstart, $3  }
0xc0: {  	[dreg:$0x1] =	wrdreg $0xFFFFFFFF  }
0xc1: {  	_ =	task.clear_ibuf [dreg:s6], $0x2FFFF;
	_ =	strace $0x9FFFFFFF  }
0xc2: {  	(tm) =	ssettm $0x7FFFFFFF  }
0xc3: {  	_ =	shalt  }
tec
execute0_lowered:
.L_overlay_start_1:
0x0: {  	(tag) =	ssettag $0x1  }
0x1: {  	s0 =	rddreg [dreg:$0x0]  }
0x2: {  	s1 =	rddreg [dreg:$0x1]  }
0x3: {  	s3 =	simm.s32 $0x0;
	s2 =	srdreg.scid;
	s11 =	stileid.u32  }
0x4: {  	s28 =	simm.s32 $0x13900;
	s29 =	simm.s32 $0x80;
	s30 =	simm.s32 $0x14180  }
0x5: {  	s31 =	simm.s32 $0x0;
	[smem:$0x7FF] =	sst s3;
	s4 =	sadd.s32 $0x24000, s0  }
0x6: {  	s2 =	sand.u32 $0x1, s2;
	s8 =	smul.u32 $0x4E000, s11;
	s5 =	sadd.s32 $0x19800, s0  }
0x7: {  	s6 =	sadd.s32 $0x3E00, s0;
	s7 =	sadd.s32 $0x564000, s0;
	s0 =	sadd.s32 $0x4B200, s0  }
0x8: {  	s19 =	smul.u32 $0x13800, s11;
	s18 =	sadd.s32 $0x138000, s1;
	p0 =	sne.s32 s11, $0xF  }
0x9: {  	_ =	strace $0x80000050;
	s9 =	ssub.s32 $0x2, s2;
	s26 =	smul.u32 $0x138800, s2  }
0xa: {  	s2 =	sshll.u32 s2, $0x4;
	s10 =	sshrl.u32 s9, $0x1;
	s8 =	sshrl.u32 s8, $0x2  }
0xb: {  	s2 =	sor.u32 s11, s2;
	s9 =	ssub.s32 s9, s10;
	s8 =	sadd.s32 s8, s1  }
0xc: {  	s19 =	sadd.s32 s19, s26;
	s10 =	sshrl.u32 s26, $0x3;
	s26 =	simm.s32 $0x13980  }
0xd: {  	s23 =	sadd.s32 $0x2000, s8;
	s24 =	sadd.s32 $0x4000, s8;
	s25 =	sadd.s32 $0x6000, s8  }
0xe: {  	s12 =	sadd.s32 $0x8000, s8;
	s13 =	sadd.s32 $0xA000, s8;
	s14 =	sadd.s32 $0xC000, s8  }
0xf: {  	s15 =	sadd.s32 $0xE000, s8;
	s16 =	sadd.s32 $0x10000, s8;
	s17 =	sadd.s32 $0x12000, s8  }
0x10: {  	s20 =	sshrl.u32 s19, $0x3;
	s10 =	sadd.s32 s0, s10;
	[dreg:$0x3] =	wrdreg s23  }
0x11: {  	s19 =	smul.u32 $0x2A00, s2;
	s22 =	smax.u32 s9, $0x1;
	[dreg:$0x4] =	wrdreg s24  }
0x12: {  	[dreg:$0x5] =	wrdreg s25;
	s20 =	sadd.s32 s0, s20;
	s21 =	sadd.s32 $0x27000, s10  }
0x13: {  	v0 =	vimm.f32 $0.0e+00;
	s23 =	simm.s32 $0x18180;
	s24 =	simm.s32 $0x1;
	s25 =	simm.s32 $0x13880  }
.LBB2_1:
0x14: {  	s0 =	simm.s32 $0x0;
	s2 =	simm.s32 $0x200  }
.LBB2_2:
0x15: {  	p1 =	sne.s32 s2, $0x7E00;
	[tilespmem:s0+$0x181F0] =	vst v0  }
0x16: {  	[tilespmem:s0+$0x18180] =	vst v0  }
0x17: {  	[tilespmem:s0+$0x18190] =	vst v0  }
.Ltmp0:
0x18: {  	[tilespmem:s0+$0x181A0] =	vst v0;
	(pc) =	sbr.rel @p1 .LBB2_2-.Ltmp0, $4  }
0x19: {  	[tilespmem:s0+$0x181B0] =	vst v0  }
0x1a: {  	[tilespmem:s0+$0x181C0] =	vst v0  }
0x1b: {  	[tilespmem:s0+$0x181D0] =	vst v0  }
0x1c: {  	[tilespmem:s0+$0x181E0] =	vst v0;
	s0 =	sshra.s32 s2, $0x2;
	s2 =	sadd.s32 $0x200, s2  }
0x1d: {  	[tilespmem:s0+$0x181F0] =	vst v0  }
0x1e: {  	[tilespmem:s0+$0x18180] =	vst v0  }
0x1f: {  	[tilespmem:s0+$0x18190] =	vst v0  }
0x20: {  	[tilespmem:s0+$0x181A0] =	vst v0  }
0x21: {  	[tilespmem:s0+$0x181B0] =	vst v0  }
0x22: {  	[tilespmem:s0+$0x181C0] =	vst v0  }
0x23: {  	[tilespmem:s0+$0x181D0] =	vst v0  }
0x24: {  	[tilespmem:s0+$0x181E0] =	vst v0  }
0x25: {  	[spmem:s8] =	stream.linear.scatter [tilespmem:s23], [sflag:$0x1], $0x2000, $0x38;
	[tilespmem:$0x1A180] =	vst v63  }
0x26: {  	_ =	swait.ge [sflag:s24], $0x2000  }
0x27: {  	[sflag:s24] =	ssyncset.done $0x0  }
0x28: {  	s9 =	rddreg [dreg:$0x3];
	[sflag:s24] =	ssyncadd.s32 $0xFFFFE000  }
0x29: {  	[spmem:s9] =	stream.linear.scatter [tilespmem:s23], [sflag:$0x1], $0x2000, $0x38;
	[tilespmem:$0x1A180] =	vst v63  }
0x2a: {  	_ =	swait.ge [sflag:s24], $0x2000  }
0x2b: {  	[sflag:s24] =	ssyncset.done $0x0  }
0x2c: {  	s10 =	rddreg [dreg:$0x4];
	[sflag:s24] =	ssyncadd.s32 $0xFFFFE000  }
0x2d: {  	[spmem:s10] =	stream.linear.scatter [tilespmem:s23], [sflag:$0x1], $0x2000, $0x38;
	[tilespmem:$0x1A180] =	vst v63  }
0x2e: {  	_ =	swait.ge [sflag:s24], $0x2000  }
0x2f: {  	[sflag:s24] =	ssyncset.done $0x0  }
0x30: {  	s11 =	rddreg [dreg:$0x5];
	[sflag:s24] =	ssyncadd.s32 $0xFFFFE000  }
0x31: {  	[spmem:s11] =	stream.linear.scatter [tilespmem:s23], [sflag:$0x1], $0x2000, $0x38;
	[tilespmem:$0x1A180] =	vst v63  }
0x32: {  	_ =	swait.ge [sflag:s24], $0x2000  }
0x33: {  	[sflag:s24] =	ssyncset.done $0x0  }
0x34: {  	[sflag:s24] =	ssyncadd.s32 $0xFFFFE000  }
0x35: {  	[spmem:s12] =	stream.linear.scatter [tilespmem:s23], [sflag:$0x1], $0x2000, $0x38;
	[tilespmem:$0x1A180] =	vst v63  }
0x36: {  	_ =	swait.ge [sflag:s24], $0x2000  }
0x37: {  	[sflag:s24] =	ssyncset.done $0x0  }
0x38: {  	[sflag:s24] =	ssyncadd.s32 $0xFFFFE000  }
0x39: {  	[spmem:s13] =	stream.linear.scatter [tilespmem:s23], [sflag:$0x1], $0x2000, $0x38;
	[tilespmem:$0x1A180] =	vst v63  }
0x3a: {  	_ =	swait.ge [sflag:s24], $0x2000  }
0x3b: {  	[sflag:s24] =	ssyncset.done $0x0  }
0x3c: {  	[sflag:s24] =	ssyncadd.s32 $0xFFFFE000  }
0x3d: {  	[spmem:s14] =	stream.linear.scatter [tilespmem:s23], [sflag:$0x1], $0x2000, $0x38;
	[tilespmem:$0x1A180] =	vst v63  }
0x3e: {  	_ =	swait.ge [sflag:s24], $0x2000  }
0x3f: {  	[sflag:s24] =	ssyncset.done $0x0  }
0x40: {  	[sflag:s24] =	ssyncadd.s32 $0xFFFFE000  }
0x41: {  	[spmem:s15] =	stream.linear.scatter [tilespmem:s23], [sflag:$0x1], $0x2000, $0x38;
	[tilespmem:$0x1A180] =	vst v63  }
0x42: {  	_ =	swait.ge [sflag:s24], $0x2000  }
0x43: {  	[sflag:s24] =	ssyncset.done $0x0  }
0x44: {  	[sflag:s24] =	ssyncadd.s32 $0xFFFFE000  }
0x45: {  	[spmem:s16] =	stream.linear.scatter [tilespmem:s23], [sflag:$0x1], $0x2000, $0x38;
	[tilespmem:$0x1A180] =	vst v63  }
0x46: {  	_ =	swait.ge [sflag:s24], $0x2000  }
0x47: {  	[sflag:s24] =	ssyncset.done $0x0  }
0x48: {  	[sflag:s24] =	ssyncadd.s32 $0xFFFFE000  }
0x49: {  	[spmem:s17] =	stream.linear.scatter [tilespmem:s23], [sflag:$0x1], $0x1800, $0x38;
	[tilespmem:$0x1A180] =	vst v63  }
0x4a: {  	_ =	swait.ge [sflag:s24], $0x1800  }
0x4b: {  	[sflag:s24] =	ssyncset.done $0x0  }
0x4c: {  	s0 =	simm.s32 @!p0 $0x18180;
	[sflag:s24] =	ssyncadd.s32 $0xFFFFE800  }
0x4d: {  	[spmem:s18] =	stream.linear.scatter @!p0 [tilespmem:s0], [sflag:$0x1], $0x800, $0x38;
	[tilespmem:$0x1A180] =	vst v63  }
0x4e: {  	s0 =	simm.s32 @!p0 $0x1  }
0x4f: {  	_ =	swait.ge @!p0 [sflag:s0], $0x800  }
0x50: {  	[sflag:s0] =	ssyncset.done @!p0 $0x0  }
0x51: {  	[sflag:s0] =	ssyncadd.s32 @!p0 $0xFFFFF800  }
0x52: {  	s0 =	simm.s32 $0x0;
	[bflag:$0x0] =	sbarrier.arrive $0xFFFF  }
.LBB2_4:
0x53: {  	s2 =	sshll.u32 s0, $0x7  }
0x54: {  	s2 =	sadd.s32 s19, s2  }
0x55: {  	s9 =	sshrl.u32 s2, $0x3  }
0x56: {  	s10 =	sadd.s32 s5, s9  }
0x57: {  	[tilespmem:s25], [sflag:$0x1] =	stream.linear.gather [hbm4b:s10+s31], $0x80, $0x38;
	[tilespmem:$0x1A180] =	vst v63  }
0x58: {  	_ =	swait.ge [sflag:s24], $0x80  }
0x59: {  	s2 =	sshll.u32 s2, $0x1;
	[sflag:s24] =	ssyncset.done $0x0  }
0x5a: {  	s2 =	sadd.s32 s7, s2;
	[sflag:s24] =	ssyncadd.s32 $0xFFFFFF80  }
0x5b: {  	[tilespmem:s26], [sflag:$0x1] =	stream.linear.gather [hbm4b:s2+s31], $0x800, $0x38;
	[tilespmem:$0x1A180] =	vst v63  }
0x5c: {  	_ =	swait.ge [sflag:s24], $0x800  }
0x5d: {  	[sflag:s24] =	ssyncset.done $0x0  }
0x5e: {  	s10 =	sadd.s32 s6, s9;
	[sflag:s24] =	ssyncadd.s32 $0xFFFFF800  }
0x5f: {  	[tilespmem:s28], [sflag:$0x1] =	stream.linear.gather [hbm4b:s10+s31], $0x80, $0x38;
	[tilespmem:$0x1A180] =	vst v63  }
0x60: {  	_ =	swait.ge [sflag:s24], $0x80  }
0x61: {  	[sflag:s24] =	ssyncset.done $0x0  }
0x62: {  	[sflag:s24] =	ssyncadd.s32 $0xFFFFFF80  }
0x63: {  	[tilespmem:s30], [sflag:$0x1] =	stream.indirect.gather [hbm4b:s4+s29], $0x80, s25, s29, $0xb8;
	[tilespmem:$0x1A180] =	vst v63  }
0x64: {  	_ =	swait.ge [sflag:s24], $0x4000  }
0x65: {  	[sflag:s24] =	ssyncset.done $0x0  }
0x66: {  	s2 =	simm.s32 $0x141C0;
	[sflag:s24] =	ssyncadd.s32 $0xFFFFC000  }
0x67: {  	v5 =	vld [tilespmem:s2+$0x30]  }
0x68: {  	v8 =	vld [tilespmem:s2+$0x10]  }
0x69: {  	s11 =	simm.s32 $0x0;
	v6 =	vld [tilespmem:s2+$0xFFFFFFC0]  }
0x6a: {  	v2 =	vld [tilespmem:s11+$0x13980]  }
0x6b: {  	v10 =	vld [tilespmem:s2+$0xFFFFFFE0]  }
0x6c: {  	v1 =	vld [tilespmem:s2+$0xFFFFFFF0]  }
0x6d: {  	v3 =	vld [tilespmem:s2+$0x20]  }
0x6e: {  	v4 =	vld [tilespmem:s2+$0xFFFFFFD0]  }
0x6f: {  	v9 =	vmul.f32 v5, v2;
	v5 =	vld [tilespmem:s2+$0x0]  }
0x70: {  	v7 =	vmul.f32 v6, v2  }
0x71: {  	s9 =	simm.s32 $0x40;
	s10 =	simm.s32 $0x141C0;
	v6 =	vmul.f32 v10, v2;
	v8 =	vmul.f32 v8, v2  }
.LBB2_5:
0x72: {  	p1 =	sne.s32 s9, $0x1FC0  }
0x73: {  	v4 =	vmul.f32 v4, v2;
	v3 =	vmul.f32 v3, v2;
	[tilespmem:s2+$0x30] =	vst v9;
	s10 =	sadd.s32 $0x80, s10;
	s11 =	smov.u32 s9;
	s9 =	sadd.s32 $0x40, s9  }
0x74: {  	[tilespmem:s2+$0xFFFFFFC0] =	vst v7;
	v7 =	vmul.f32 v1, v2;
	v2 =	vmul.f32 v5, v2  }
0x75: {  	[tilespmem:s2+$0x10] =	vst v8  }
0x76: {  	v1 =	vld [tilespmem:s10+$0xFFFFFFF0];
	[tilespmem:s2+$0xFFFFFFE0] =	vst v6  }
0x77: {  	v6 =	vld [tilespmem:s10+$0x30];
	[tilespmem:s2+$0xFFFFFFF0] =	vst v7  }
0x78: {  	v8 =	vld [tilespmem:s10+$0x10];
	[tilespmem:s2+$0x0] =	vst v2  }
0x79: {  	v7 =	vld [tilespmem:s10+$0xFFFFFFC0];
	[tilespmem:s2+$0x20] =	vst v3  }
0x7a: {  	s11 =	sshra.s32 s11, $0x2;
	v10 =	vld [tilespmem:s10+$0xFFFFFFE0];
	[tilespmem:s2+$0xFFFFFFD0] =	vst v4;
	s2 =	smov.u32 s10  }
0x7b: {  	v2 =	vld [tilespmem:s11+$0x13980]  }
0x7c: {  	v3 =	vld [tilespmem:s10+$0x20]  }
.Ltmp1:
0x7d: {  	v4 =	vld [tilespmem:s10+$0xFFFFFFD0];
	(pc) =	sbr.rel @p1 .LBB2_5-.Ltmp1, $3  }
0x7e: {  	v5 =	vld [tilespmem:s10+$0x0];
	_ =	sdelay $0x1  }
0x7f: {  	v7 =	vmul.f32 v7, v2;
	v9 =	vmul.f32 v6, v2  }
0x80: {  	v6 =	vmul.f32 v10, v2;
	v8 =	vmul.f32 v8, v2  }
0x81: {  	[tilespmem:s2+$0x30] =	vst v9  }
0x82: {  	[tilespmem:s2+$0xFFFFFFC0] =	vst v7  }
0x83: {  	v1 =	vmul.f32 v1, v2;
	[tilespmem:s2+$0x10] =	vst v8  }
0x84: {  	v3 =	vmul.f32 v3, v2;
	[tilespmem:s2+$0xFFFFFFE0] =	vst v6  }
0x85: {  	v5 =	vmul.f32 v5, v2;
	[tilespmem:s2+$0xFFFFFFF0] =	vst v1  }
0x86: {  	s0 =	sadd.s32 $0x1, s0;
	v1 =	vmul.f32 v4, v2;
	[tilespmem:s2+$0x20] =	vst v3  }
0x87: {  	p1 =	sne.s32 s0, $0x54;
	[tilespmem:s2+$0x0] =	vst v5  }
.Ltmp2:
0x88: {  	[tilespmem:s2+$0xFFFFFFD0] =	vst v1;
	(pc) =	sbr.rel @p1 .LBB2_4-.Ltmp2, $4  }
0x89: {  	[spmem:s1] =	stream.indirect.scatter.add.f32 [tilespmem:s30], [sflag:$0x1], $0x80, s28, s29, $0xb8;
	[tilespmem:$0x1A180] =	vst v63  }
0x8a: {  	_ =	swait.ge [sflag:s24], $0x4000  }
0x8b: {  	[sflag:s24] =	ssyncset.done $0x0  }
0x8c: {  	[sflag:s24] =	ssyncadd.s32 $0xFFFFC000  }
0x8d: {  	s0 =	stileid.u32  }
0x8e: {  	s0 =	sshll.u32 s0, $0x6  }
0x8f: {  	[bflag:$0x0] =	sbarrier.arrive $0xFFFF;
	s2 =	sshrl.u32 s8, $0x3;
	s0 =	sor.u32 $0x1C01, s0  }
0x90: {  	[hbm:s20], [sflag:s0] =	dma.local [spmem:s2], $0x2700  }
0x91: {  	_ =	swait.ge [sflag:s24], $0x2700  }
0x92: {  	s3 =	sadd.s32 $0x1, s3;
	[sflag:s24] =	ssyncset.done $0x0  }
0x93: {  	p1 =	sne.s32 s3, s22;
	s2 =	sshrl.u32 @!p0 s18, $0x3;
	[sflag:s24] =	ssyncadd.s32 $0xFFFFD900  }
0x94: {  	[hbm:s21], [sflag:s0] =	dma.local @!p0 [spmem:s2], $0x100  }
.Ltmp3:
0x95: {  	_ = 	snop;
	(pc) =	sbr.rel @p1 .LBB2_1-.Ltmp3, $4  }
0x96: {  	s0 =	simm.s32 @!p0 $0x1  }
0x97: {  	_ =	swait.ge @!p0 [sflag:s0], $0x100  }
0x98: {  	[sflag:s0] =	ssyncset.done @!p0 $0x0  }
0x99: {  	[sflag:s0] =	ssyncadd.s32 @!p0 $0xFFFFFF00  }
0x9a: {  	_ =	sfence.sel $0x180000  }
0x9b: {  	[bflag:$0x0] =	sbarrier.arrive $0xFFFF  }
0x9c: {  	_ =	strace $0x90000050  }
0x9d: {  	s0 =	stileid.u32;
	[bflag:$0x2] =	sbarrier.arrive $0xFFFF  }
0x9e: {  	p0 =	sne.s32 s0, $0x0;
	s0 =	rddreg [dreg:$0x2]  }
0x9f: {  	s0 =	sadd.s32 @!p0 $0x100000, s0  }
0xa0: {  	[sflag:s0] =	ssyncadd.tile.s32 @!p0 $0x1;
	_ =	shalt  }
.Lfunc_end2:
_tile_overlayer_lowered:
.L_overlay_start_2:
0xa1: {  	(tag) =	ssettag $0x2  }
0xa2: {  	s0 =	rddreg [dreg:$0x0];
	s2 =	stileid.u32  }
0xa3: {  	s1 =	rddreg [dreg:$0x1];
	p0 =	sne.s32 s2, $0x0  }
0xa4: {  	s3 =	rddreg [dreg:$0x2];
	[bflag:$0x3] =	sbarrier.arrive $0xFFFF;
	s2 =	simm.s32 @!p0 $0x1C01  }
0xa5: {  	[timem:s3], [sflag:s2] =	dma.local @!p0 [hbm:s0], s1  }
0xa6: {  	s0 =	simm.s32 @!p0 $0x1  }
0xa7: {  	_ =	swait.ge @!p0 [sflag:s0], s1  }
0xa8: {  	s1 =	ssub.s32 @!p0 $0x0, s1;
	[sflag:s0] =	ssyncset.done @!p0 $0x0  }
0xa9: {  	[sflag:s0] =	ssyncadd.s32 @!p0 s1  }
0xaa: {  	[bflag:$0x3] =	sbarrier.arrive $0xFFFF  }
0xab: {  	_ =	shalt  }

</sc_bundles>
